<compile_context>
chip_gen: v7x
topology: tpu7x:2x2x1
jax: 0.10.2.dev20260603
libtpu: 0.0.44.dev20260713+nightly
codegen_flags: <defaults>
</compile_context>

<pallas_src>
import functools

import jax
import jax.numpy as jnp
from jax import lax
from jax.experimental import pallas as pl
from jax.experimental.pallas import tpu as pltpu
from jax.experimental.pallas import tpu_sc as plsc

NC = 2
NS = 16
LANES = 16
CH = 128
RB = 1024
NEG = -1e30


def _cdiv(a, b):
    return (a + b - 1) // b



def _make_sc_agg(n_sn_p, d, sn_chunks_t, with_deg):
    half = n_sn_p // NC
    rows_t = half // NS
    acc_rows = half + 8
    mesh = plsc.VectorSubcoreMesh(core_axis_name="c", subcore_axis_name="s",
                                  num_cores=NC, num_subcores=NS)

    out_type = [jax.ShapeDtypeStruct((NC, NS, rows_t, d), jnp.float32)]
    scratch = [
        pltpu.VMEM_SHARED((acc_rows, d), jnp.float32),
        pltpu.VMEM((CH,), jnp.int32),
        pltpu.VMEM((CH,), jnp.int32),
        pltpu.VMEM((CH, d), jnp.float32),
        pltpu.VMEM((CH, d), jnp.float32),
    ]
    if with_deg:
        out_type += [jax.ShapeDtypeStruct((NC, NS, rows_t, d), jnp.float32)]
        scratch += [
            pltpu.VMEM_SHARED((acc_rows, d), jnp.float32),
            pltpu.VMEM((CH, d), jnp.float32),
        ]
    scratch += [pltpu.SemaphoreType.DMA]

    @functools.partial(pl.kernel, out_type=out_type, mesh=mesh,
                       scratch_types=scratch)
    def sc_agg(table, src_hbm, dst_hbm, *rest):
        if with_deg:
            (agg_out, deg_out,
             acc, srcb, dstb, rowsb, zbuf, dacc, onesb, sem) = rest
        else:
            (agg_out, acc, srcb, dstb, rowsb, zbuf, sem) = rest

        cid = lax.axis_index("c")
        sid = lax.axis_index("s")

        def fill_wide(i, _):
            for j in range(d // LANES):
                zbuf[i, pl.ds(j * LANES, LANES)] = jnp.zeros((LANES,), jnp.float32)
                if with_deg:
                    onesb[i, pl.ds(j * LANES, LANES)] = jnp.ones((LANES,), jnp.float32)
            return 0
        lax.fori_loop(0, CH, fill_wide, 0)

        nfull, rem = divmod(rows_t, CH)
        for k in range(nfull):
            pltpu.sync_copy(zbuf, acc.at[pl.ds(sid * rows_t + k * CH, CH)])
            if with_deg:
                pltpu.sync_copy(zbuf, dacc.at[pl.ds(sid * rows_t + k * CH, CH)])
        if rem:
            pltpu.sync_copy(zbuf.at[pl.ds(0, rem)],
                            acc.at[pl.ds(sid * rows_t + nfull * CH, rem)])
            if with_deg:
                pltpu.sync_copy(zbuf.at[pl.ds(0, rem)],
                                dacc.at[pl.ds(sid * rows_t + nfull * CH, rem)])
        plsc.subcore_barrier()

        base = cid * half

        def body(k, _):
            e0 = (sid * sn_chunks_t + k) * CH
            pltpu.sync_copy(src_hbm.at[pl.ds(e0, CH)], srcb)
            pltpu.sync_copy(dst_hbm.at[pl.ds(e0, CH)], dstb)
            gat = pltpu.async_copy(table.at[srcb], rowsb, sem)
            for j in range(CH // LANES):
                dj = dstb[pl.ds(j * LANES, LANES)] - base
                ok = (dj >= 0) & (dj < half)
                dstb[pl.ds(j * LANES, LANES)] = jnp.where(ok, dj, half)
            gat.wait()
            if with_deg:
                s1 = pltpu.async_copy(rowsb, acc.at[dstb], sem, add=True)
                s2 = pltpu.async_copy(onesb, dacc.at[dstb], sem, add=True)
                s1.wait()
                s2.wait()
            else:
                pltpu.sync_copy(rowsb, acc.at[dstb], add=True)
            return 0
        lax.fori_loop(0, sn_chunks_t, body, 0)

        plsc.subcore_barrier()

        pltpu.sync_copy(acc.at[pl.ds(sid * rows_t, rows_t)], agg_out.at[cid, sid])
        if with_deg:
            pltpu.sync_copy(dacc.at[pl.ds(sid * rows_t, rows_t)], deg_out.at[cid, sid])

    return sc_agg



def _build_av(srcv2d_ref, dstv2d_ref, n_v_p):
    nodes = lax.broadcasted_iota(jnp.int32, (n_v_p, 1), 0)
    av = jnp.zeros((n_v_p, n_v_p), jnp.float32)
    for r in range(srcv2d_ref.shape[0]):
        srow = srcv2d_ref[r, :].reshape(1, -1)
        drow = dstv2d_ref[r, :].reshape(1, -1)
        ohs = (nodes == srow).astype(jnp.float32)
        ohd = (nodes == drow).astype(jnp.float32)
        av = av + lax.dot_general(ohd, ohs, (((1,), (1,)), ((), ())),
                                  preferred_element_type=jnp.float32)
    return av


def _tc1_body(n_v_p, agg_ref, deg_ref, x_ref, w1_ref, b1_ref, w2_ref,
              srcv2d_ref, dstv2d_ref, xv_ref, w1v_ref, b1v_ref, w2v_ref,
              p_ref, pv_ref, av_ref):
    deg = jnp.maximum(deg_ref[:, 0:1], 1.0)
    pre = agg_ref[...] / deg + x_ref[...]
    h = jnp.maximum(
        jnp.dot(pre, w1_ref[...], preferred_element_type=jnp.float32) + b1_ref[...],
        0.0)
    p_ref[...] = jnp.dot(h, w2_ref[...], preferred_element_type=jnp.float32)

    @pl.when(pl.program_id(0) == 0)
    def _():
        av = _build_av(srcv2d_ref, dstv2d_ref, n_v_p)
        av_ref[...] = av
        degv = jnp.maximum(
            jnp.dot(av, jnp.ones((n_v_p, 1), jnp.float32),
                    preferred_element_type=jnp.float32), 1.0)
        aggv = jnp.dot(av, xv_ref[...], preferred_element_type=jnp.float32)
        prev = aggv / degv + xv_ref[...]
        hv = jnp.maximum(
            jnp.dot(prev, w1v_ref[...], preferred_element_type=jnp.float32) + b1v_ref[...],
            0.0)
        pv_ref[...] = jnp.dot(hv, w2v_ref[...], preferred_element_type=jnp.float32)


def _tc2_body(n_sn, n_v, nsb,
              idx_ref, agg2_ref, deg_ref, p_ref, b2_ref, watt_ref,
              av_ref, pv_ref, b2v_ref, wattv_ref,
              l1_ref, bl1_ref, l2_ref, bl2_ref,
              out_ref, vec_ref, ms_ref):
    i = pl.program_id(0)

    @pl.when(i == 0)
    def _():
        ms_ref[0] = NEG
        ms_ref[1] = 0.0
        vec_ref[...] = jnp.zeros_like(vec_ref)

    @pl.when(i < nsb)
    def _():
        deg = jnp.maximum(deg_ref[:, 0:1], 1.0)
        h = agg2_ref[...] / deg + p_ref[...] + b2_ref[...]
        rows = i * RB + lax.broadcasted_iota(jnp.int32, (RB, 1), 0)
        valid = rows < n_sn
        h = jnp.where(valid, h, 0.0)
        e = jnp.tanh(jnp.dot(h, watt_ref[...], preferred_element_type=jnp.float32))
        e = jnp.where(valid, e, NEG)
        m_old = ms_ref[0]
        s_old = ms_ref[1]
        m_new = jnp.maximum(m_old, jnp.max(e))
        corr = jnp.exp(m_old - m_new)
        w = jnp.exp(e - m_new)
        ms_ref[0] = m_new
        ms_ref[1] = s_old * corr + jnp.sum(w)
        vec_ref[...] = vec_ref[...] * corr + lax.dot_general(
            w, h, (((0,), (0,)), ((), ())), preferred_element_type=jnp.float32)

    @pl.when(i == nsb)
    def _():
        sn_pool = vec_ref[...] / ms_ref[1]
        av = av_ref[...]
        n_v_p = av.shape[0]
        degv = jnp.maximum(
            jnp.dot(av, jnp.ones((n_v_p, 1), jnp.float32),
                    preferred_element_type=jnp.float32), 1.0)
        agg2v = jnp.dot(av, pv_ref[...], preferred_element_type=jnp.float32)
        hv = agg2v / degv + pv_ref[...] + b2v_ref[...]
        rowsv = lax.broadcasted_iota(jnp.int32, (n_v_p, 1), 0)
        validv = rowsv < n_v
        hv = jnp.where(validv, hv, 0.0)
        iv = idx_ref[0, 0]
        q = jnp.sum(jnp.where(rowsv == iv, hv, 0.0), axis=0, keepdims=True)
        t = jnp.tanh(jnp.dot(hv, wattv_ref[...], preferred_element_type=jnp.float32))
        ev = lax.dot_general(t, q, (((1,), (1,)), ((), ())),
                             preferred_element_type=jnp.float32)
        ev = jnp.where(validv, ev, NEG)
        mv = jnp.max(ev)
        wv = jnp.exp(ev - mv)
        v_pool = lax.dot_general(wv, hv, (((0,), (0,)), ((), ())),
                                 preferred_element_type=jnp.float32) / jnp.sum(wv)
        state = jnp.concatenate([sn_pool, v_pool], axis=1)
        s1 = jnp.maximum(
            jnp.dot(state, l1_ref[...], preferred_element_type=jnp.float32) + bl1_ref[...],
            0.0)
        out_ref[...] = jnp.maximum(
            jnp.dot(s1, l2_ref[...], preferred_element_type=jnp.float32) + bl2_ref[...],
            0.0)


def _tc3_body(s2_ref, l3_ref, bl3_ref, out_ref):
    out_ref[...] = jnp.dot(s2_ref[...], l3_ref[...],
                           preferred_element_type=jnp.float32) + bl3_ref[...]



def kernel(x_sn, edge_index_sn, x_vnr, edge_index_vnr, idx,
           W1_sn, b1_sn, W2_sn, b2_sn,
           W1_v, b1_v, W2_v, b2_v,
           w_att_sn, W_att_v,
           L1, bL1, L2, bL2, L3, bL3):
    f32 = jnp.float32
    i32 = jnp.int32
    n_sn, d_sn = x_sn.shape
    n_v, d_v = x_vnr.shape
    e_sn = edge_index_sn.shape[1]
    e_v = edge_index_vnr.shape[1]
    h_dim = W1_sn.shape[1]
    g_dim = W2_sn.shape[1]
    a_dim = L3.shape[1]

    n_sn_p = _cdiv(n_sn, NC * NS) * (NC * NS)
    n_v_p = _cdiv(n_v + 1, 8) * 8
    nsb = _cdiv(n_sn_p, RB)

    sn_chunks_t = _cdiv(_cdiv(e_sn, CH), NS)
    e_sn_p = NS * sn_chunks_t * CH
    e_v_p = _cdiv(e_v, CH) * CH

    src_s = jnp.concatenate([edge_index_sn[0].astype(i32),
                             jnp.zeros((e_sn_p - e_sn,), i32)])
    dst_s = jnp.concatenate([edge_index_sn[1].astype(i32),
                             jnp.full((e_sn_p - e_sn,), n_sn, i32)])
    src_v2d = jnp.concatenate([edge_index_vnr[0].astype(i32),
                               jnp.zeros((e_v_p - e_v,), i32)]).reshape(-1, CH)
    dst_v2d = jnp.concatenate([edge_index_vnr[1].astype(i32),
                               jnp.full((e_v_p - e_v,), n_v, i32)]).reshape(-1, CH)
    nvr = e_v_p // CH

    xv_p = jnp.pad(x_vnr, ((0, n_v_p - n_v), (0, d_sn - d_v)))
    w1v_p = jnp.pad(W1_v, ((0, d_sn - d_v), (0, 0)))

    idx_arr = jnp.asarray(idx, i32).reshape(1, 1)
    b1 = b1_sn.reshape(1, h_dim)
    b2 = b2_sn.reshape(1, g_dim)
    b1v = b1_v.reshape(1, h_dim)
    b2v = b2_v.reshape(1, g_dim)
    watt = w_att_sn.reshape(g_dim, 1)
    bl1 = bL1.reshape(1, -1)
    bl2 = bL2.reshape(1, -1)
    bl3 = bL3.reshape(1, -1)

    sc1 = _make_sc_agg(n_sn_p, d_sn, sn_chunks_t, with_deg=True)
    agg1, deg = sc1(x_sn, src_s, dst_s)
    agg1 = agg1.reshape(n_sn_p, d_sn)
    deg = deg.reshape(n_sn_p, d_sn)

    p, pv, av = pl.pallas_call(
        functools.partial(_tc1_body, n_v_p),
        grid=(nsb,),
        in_specs=[
            pl.BlockSpec((RB, d_sn), lambda i: (i, 0)),
            pl.BlockSpec((RB, d_sn), lambda i: (i, 0)),
            pl.BlockSpec((RB, d_sn), lambda i: (i, 0)),
            pl.BlockSpec((d_sn, h_dim), lambda i: (0, 0)),
            pl.BlockSpec((1, h_dim), lambda i: (0, 0)),
            pl.BlockSpec((h_dim, g_dim), lambda i: (0, 0)),
            pl.BlockSpec((nvr, CH), lambda i: (0, 0)),
            pl.BlockSpec((nvr, CH), lambda i: (0, 0)),
            pl.BlockSpec((n_v_p, d_sn), lambda i: (0, 0)),
            pl.BlockSpec((d_sn, h_dim), lambda i: (0, 0)),
            pl.BlockSpec((1, h_dim), lambda i: (0, 0)),
            pl.BlockSpec((h_dim, g_dim), lambda i: (0, 0)),
        ],
        out_specs=[
            pl.BlockSpec((RB, g_dim), lambda i: (i, 0)),
            pl.BlockSpec((n_v_p, g_dim), lambda i: (0, 0)),
            pl.BlockSpec((n_v_p, n_v_p), lambda i: (0, 0)),
        ],
        out_shape=[
            jax.ShapeDtypeStruct((n_sn, g_dim), f32),
            jax.ShapeDtypeStruct((n_v_p, g_dim), f32),
            jax.ShapeDtypeStruct((n_v_p, n_v_p), f32),
        ],
    )(agg1, deg, x_sn, W1_sn, b1, W2_sn, src_v2d, dst_v2d, xv_p, w1v_p, b1v, W2_v)

    sc2 = _make_sc_agg(n_sn_p, g_dim, sn_chunks_t, with_deg=False)
    agg2 = sc2(p, src_s, dst_s)[0].reshape(n_sn_p, g_dim)

    def capped(i):
        return jnp.minimum(i, nsb - 1)

    s2 = pl.pallas_call(
        functools.partial(_tc2_body, n_sn, n_v, nsb),
        grid=(nsb + 1,),
        in_specs=[
            pl.BlockSpec(memory_space=pltpu.SMEM),
            pl.BlockSpec((RB, g_dim), lambda i: (capped(i), 0)),
            pl.BlockSpec((RB, d_sn), lambda i: (capped(i), 0)),
            pl.BlockSpec((RB, g_dim), lambda i: (capped(i), 0)),
            pl.BlockSpec((1, g_dim), lambda i: (0, 0)),
            pl.BlockSpec((g_dim, 1), lambda i: (0, 0)),
            pl.BlockSpec((n_v_p, n_v_p), lambda i: (0, 0)),
            pl.BlockSpec((n_v_p, g_dim), lambda i: (0, 0)),
            pl.BlockSpec((1, g_dim), lambda i: (0, 0)),
            pl.BlockSpec((g_dim, g_dim), lambda i: (0, 0)),
            pl.BlockSpec((2 * g_dim, h_dim), lambda i: (0, 0)),
            pl.BlockSpec((1, h_dim), lambda i: (0, 0)),
            pl.BlockSpec((h_dim, h_dim), lambda i: (0, 0)),
            pl.BlockSpec((1, h_dim), lambda i: (0, 0)),
        ],
        out_specs=pl.BlockSpec((1, h_dim), lambda i: (0, 0)),
        out_shape=jax.ShapeDtypeStruct((1, h_dim), f32),
        scratch_shapes=[
            pltpu.VMEM((1, g_dim), f32),
            pltpu.SMEM((2,), f32),
        ],
    )(idx_arr, agg2, deg, p, b2, watt, av, pv, b2v, W_att_v,
      L1, bl1, L2, bl2)

    cb = 2048
    values = pl.pallas_call(
        _tc3_body,
        grid=(_cdiv(a_dim, cb),),
        in_specs=[
            pl.BlockSpec((1, h_dim), lambda i: (0, 0)),
            pl.BlockSpec((h_dim, cb), lambda i: (0, i)),
            pl.BlockSpec((1, cb), lambda i: (0, i)),
        ],
        out_specs=pl.BlockSpec((1, cb), lambda i: (0, i)),
        out_shape=jax.ShapeDtypeStruct((1, a_dim), f32),
    )(s2, L3, bl3)

    return values

# --- scband reference (transcript-rebuilt; emitter-appended) ---
"""Pipeline reference for scband-gnndqn-27779848471374 (READ-ONLY COPY).

The authoritative reference and input builder live on the scoring server;
editing this copy changes nothing except your own understanding.
"""

import jax, jax.numpy as jnp
import numpy as np


def gcn_layer(x, W, b, src, dst, n):
    msg = x[src]
    agg = jax.ops.segment_sum(msg, dst, num_segments=n)
    deg = jax.ops.segment_sum(jnp.ones((src.shape[0],), x.dtype), dst, num_segments=n)
    deg = jnp.clip(deg, 1.0, None)
    h = agg / deg[:, None] + x
    return h @ W + b


def setup_inputs(seed: int = 0) -> dict:
    key = jax.random.key(seed)
    ks = jax.random.split(key, 24)
    N_SN, E_SN, D_SN = 10000, 320000, 128
    N_V, E_V, D_V = 1000, 4000, 64
    H, G, A = 256, 128, 10000
    inp = {}
    inp['x_sn'] = jax.random.normal(ks[0], (N_SN, D_SN), dtype=jnp.float32)
    inp['edge_index_sn'] = jax.random.randint(ks[1], (2, E_SN), 0, N_SN)
    inp['x_vnr'] = jax.random.normal(ks[2], (N_V, D_V), dtype=jnp.float32)
    inp['edge_index_vnr'] = jax.random.randint(ks[3], (2, E_V), 0, N_V)
    inp['idx'] = 5
    s = 0.02
    inp['W1_sn'] = jax.random.normal(ks[4], (D_SN, H), dtype=jnp.float32) * s
    inp['b1_sn'] = jnp.zeros((H,), jnp.float32)
    inp['W2_sn'] = jax.random.normal(ks[5], (H, G), dtype=jnp.float32) * s
    inp['b2_sn'] = jnp.zeros((G,), jnp.float32)
    inp['W1_v'] = jax.random.normal(ks[6], (D_V, H), dtype=jnp.float32) * s
    inp['b1_v'] = jnp.zeros((H,), jnp.float32)
    inp['W2_v'] = jax.random.normal(ks[7], (H, G), dtype=jnp.float32) * s
    inp['b2_v'] = jnp.zeros((G,), jnp.float32)
    inp['w_att_sn'] = jax.random.normal(ks[8], (G,), dtype=jnp.float32) * s
    inp['W_att_v'] = jax.random.normal(ks[9], (G, G), dtype=jnp.float32) * s
    inp['L1'] = jax.random.normal(ks[10], (2 * G, H), dtype=jnp.float32) * s
    inp['bL1'] = jnp.zeros((H,), jnp.float32)
    inp['L2'] = jax.random.normal(ks[11], (H, H), dtype=jnp.float32) * s
    inp['bL2'] = jnp.zeros((H,), jnp.float32)
    inp['L3'] = jax.random.normal(ks[12], (H, A), dtype=jnp.float32) * s
    inp['bL3'] = jnp.zeros((A,), jnp.float32)
    return inp


def reference(x_sn, edge_index_sn, x_vnr, edge_index_vnr, idx,
              W1_sn, b1_sn, W2_sn, b2_sn,
              W1_v, b1_v, W2_v, b2_v,
              w_att_sn, W_att_v,
              L1, bL1, L2, bL2, L3, bL3):
    n_sn = x_sn.shape[0]
    n_v = x_vnr.shape[0]
    src_s, dst_s = edge_index_sn[0], edge_index_sn[1]
    src_v, dst_v = edge_index_vnr[0], edge_index_vnr[1]
    # GCN on substrate network
    h = jax.nn.relu(gcn_layer(x_sn, W1_sn, b1_sn, src_s, dst_s, n_sn))
    h_sn = gcn_layer(h, W2_sn, b2_sn, src_s, dst_s, n_sn)
    # GCN on VNR graph
    hv = jax.nn.relu(gcn_layer(x_vnr, W1_v, b1_v, src_v, dst_v, n_v))
    h_vnr = gcn_layer(hv, W2_v, b2_v, src_v, dst_v, n_v)
    # SN attention pooling (tanh scoring)
    e_sn = jnp.tanh(h_sn @ w_att_sn)
    a_sn = jax.nn.softmax(e_sn)
    sn_pool = a_sn @ h_sn
    # VNR attention pooling conditioned on current virtual node idx
    q = h_vnr[idx]
    e_v = jnp.tanh(h_vnr @ W_att_v) @ q
    a_v = jax.nn.softmax(e_v)
    v_pool = a_v @ h_vnr
    state = jnp.concatenate([sn_pool, v_pool])[None, :]
    s1 = jax.nn.relu(state @ L1 + bL1)
    s2 = jax.nn.relu(s1 @ L2 + bL2)
    values = s2 @ L3 + bL3
    return values

if __name__ == "__main__":
    import jax
    _d = setup_inputs()
    print(jax.jit(kernel)(*tuple(_d.values())))

</pallas_src>

<mosaic_0001>
#map = affine_map<(d0, d1) -> (0, 0)>
#map1 = affine_map<(d0, d1) -> (0)>
#map2 = affine_map<(d0, d1) -> (0, 0, 0, 0)>
module attributes {stable_mosaic.version = 14 : i64} {
  func.func @sc_agg(%arg0: i32, %arg1: i32, %arg2: memref<10000x128xf32, #tpu.memory_space<hbm>>, %arg3: memref<321536xi32, #tpu.memory_space<hbm>>, %arg4: memref<321536xi32, #tpu.memory_space<hbm>>, %arg5: memref<2x16x313x128xf32, #tpu.memory_space<hbm>>, %arg6: memref<2x16x313x128xf32, #tpu.memory_space<hbm>>, %arg7: memref<5016x128xf32, #tpu.memory_space<vmem_shared>>, %arg8: memref<128xi32, #tpu.memory_space<vmem>>, %arg9: memref<128xi32, #tpu.memory_space<vmem>>, %arg10: memref<128x128xf32, #tpu.memory_space<vmem>>, %arg11: memref<128x128xf32, #tpu.memory_space<vmem>>, %arg12: memref<5016x128xf32, #tpu.memory_space<vmem_shared>>, %arg13: memref<128x128xf32, #tpu.memory_space<vmem>>, %arg14: memref<!tpu.dma_semaphore, #tpu.memory_space<semaphore_mem>>) attributes {dimension_semantics = [#tpu.dimension_semantics<core_parallel>, #tpu.dimension_semantics<subcore_parallel>], iteration_bounds = array<i64: 2, 16>, scalar_prefetch = 0 : i64, scratch_operands = 8 : i64, tpu.core_type = #tpu.core_type<sc_vector_subcore>, window_params = [{transform_indices = #map}, {transform_indices = #map1}, {transform_indices = #map1}, {transform_indices = #map2}, {transform_indices = #map2}]} {
    %scan3A = arith.constant 0 : i32
    %scan3A_0 = arith.constant 0 : i32
    %scan3A_1 = arith.constant 128 : i32
    %scan3A_2 = arith.addi %scan3A_0, %scan3A_1 : i32
    %scan3A_3 = arith.constant 1 : i32
    %scan3A_4 = scf.for %scan3A_42 = %scan3A_0 to %scan3A_2 step %scan3A_3 iter_args(%scan3A_43 = %scan3A) -> (i32)  : i32 {
      %broadcast_in_dim3A = arith.constant 0.000000e+00 : f32
      %broadcast_in_dim3A_44 = vector.broadcast %broadcast_in_dim3A : f32 to vector<16xf32>
      %swap3A = arith.index_cast %scan3A_42 : i32 to index
      %swap3A_45 = arith.constant 0 : index
      %swap3A_46 = tpu.vector_load %arg11[%swap3A, %swap3A_45] {strides = array<i32>} : memref<128x128xf32, #tpu.memory_space<vmem>>, vector<1x16xf32>,
      %swap3A_47 = vector.shape_cast %swap3A_46 : vector<1x16xf32> to vector<16xf32>
      %swap3A_48 = vector.shape_cast %broadcast_in_dim3A_44 : vector<16xf32> to vector<1x16xf32>
      tpu.vector_store %arg11[%swap3A, %swap3A_45], %swap3A_48 {strides = array<i32>} : memref<128x128xf32, #tpu.memory_space<vmem>>, vector<1x16xf32>,
      %broadcast_in_dim3A_49 = arith.constant 1.000000e+00 : f32
      %broadcast_in_dim3A_50 = vector.broadcast %broadcast_in_dim3A_49 : f32 to vector<16xf32>
      %swap3A_51 = arith.index_cast %scan3A_42 : i32 to index
      %swap3A_52 = arith.constant 0 : index
      %swap3A_53 = tpu.vector_load %arg13[%swap3A_51, %swap3A_52] {strides = array<i32>} : memref<128x128xf32, #tpu.memory_space<vmem>>, vector<1x16xf32>,
      %swap3A_54 = vector.shape_cast %swap3A_53 : vector<1x16xf32> to vector<16xf32>
      %swap3A_55 = vector.shape_cast %broadcast_in_dim3A_50 : vector<16xf32> to vector<1x16xf32>
      tpu.vector_store %arg13[%swap3A_51, %swap3A_52], %swap3A_55 {strides = array<i32>} : memref<128x128xf32, #tpu.memory_space<vmem>>, vector<1x16xf32>,
      %broadcast_in_dim3A_56 = arith.constant 0.000000e+00 : f32
      %broadcast_in_dim3A_57 = vector.broadcast %broadcast_in_dim3A_56 : f32 to vector<16xf32>
      %swap3A_58 = arith.index_cast %scan3A_42 : i32 to index
      %swap3A_59 = arith.constant 16 : index
      %swap3A_60 = tpu.vector_load %arg11[%swap3A_58, %swap3A_59] {strides = array<i32>} : memref<128x128xf32, #tpu.memory_space<vmem>>, vector<1x16xf32>,
      %swap3A_61 = vector.shape_cast %swap3A_60 : vector<1x16xf32> to vector<16xf32>
      %swap3A_62 = vector.shape_cast %broadcast_in_dim3A_57 : vector<16xf32> to vector<1x16xf32>
      tpu.vector_store %arg11[%swap3A_58, %swap3A_59], %swap3A_62 {strides = array<i32>} : memref<128x128xf32, #tpu.memory_space<vmem>>, vector<1x16xf32>,
      %broadcast_in_dim3A_63 = arith.constant 1.000000e+00 : f32
      %broadcast_in_dim3A_64 = vector.broadcast %broadcast_in_dim3A_63 : f32 to vector<16xf32>
      %swap3A_65 = arith.index_cast %scan3A_42 : i32 to index
      %swap3A_66 = arith.constant 16 : index
      %swap3A_67 = tpu.vector_load %arg13[%swap3A_65, %swap3A_66] {strides = array<i32>} : memref<128x128xf32, #tpu.memory_space<vmem>>, vector<1x16xf32>,
      %swap3A_68 = vector.shape_cast %swap3A_67 : vector<1x16xf32> to vector<16xf32>
      %swap3A_69 = vector.shape_cast %broadcast_in_dim3A_64 : vector<16xf32> to vector<1x16xf32>
      tpu.vector_store %arg13[%swap3A_65, %swap3A_66], %swap3A_69 {strides = array<i32>} : memref<128x128xf32, #tpu.memory_space<vmem>>, vector<1x16xf32>,
      %broadcast_in_dim3A_70 = arith.constant 0.000000e+00 : f32
      %broadcast_in_dim3A_71 = vector.broadcast %broadcast_in_dim3A_70 : f32 to vector<16xf32>
      %swap3A_72 = arith.index_cast %scan3A_42 : i32 to index
      %swap3A_73 = arith.constant 32 : index
      %swap3A_74 = tpu.vector_load %arg11[%swap3A_72, %swap3A_73] {strides = array<i32>} : memref<128x128xf32, #tpu.memory_space<vmem>>, vector<1x16xf32>,
      %swap3A_75 = vector.shape_cast %swap3A_74 : vector<1x16xf32> to vector<16xf32>
      %swap3A_76 = vector.shape_cast %broadcast_in_dim3A_71 : vector<16xf32> to vector<1x16xf32>
      tpu.vector_store %arg11[%swap3A_72, %swap3A_73], %swap3A_76 {strides = array<i32>} : memref<128x128xf32, #tpu.memory_space<vmem>>, vector<1x16xf32>,
      %broadcast_in_dim3A_77 = arith.constant 1.000000e+00 : f32
      %broadcast_in_dim3A_78 = vector.broadcast %broadcast_in_dim3A_77 : f32 to vector<16xf32>
      %swap3A_79 = arith.index_cast %scan3A_42 : i32 to index
      %swap3A_80 = arith.constant 32 : index
      %swap3A_81 = tpu.vector_load %arg13[%swap3A_79, %swap3A_80] {strides = array<i32>} : memref<128x128xf32, #tpu.memory_space<vmem>>, vector<1x16xf32>,
      %swap3A_82 = vector.shape_cast %swap3A_81 : vector<1x16xf32> to vector<16xf32>
      %swap3A_83 = vector.shape_cast %broadcast_in_dim3A_78 : vector<16xf32> to vector<1x16xf32>
      tpu.vector_store %arg13[%swap3A_79, %swap3A_80], %swap3A_83 {strides = array<i32>} : memref<128x128xf32, #tpu.memory_space<vmem>>, vector<1x16xf32>,
      %broadcast_in_dim3A_84 = arith.constant 0.000000e+00 : f32
      %broadcast_in_dim3A_85 = vector.broadcast %broadcast_in_dim3A_84 : f32 to vector<16xf32>
      %swap3A_86 = arith.index_cast %scan3A_42 : i32 to index
      %swap3A_87 = arith.constant 48 : index
      %swap3A_88 = tpu.vector_load %arg11[%swap3A_86, %swap3A_87] {strides = array<i32>} : memref<128x128xf32, #tpu.memory_space<vmem>>, vector<1x16xf32>,
      %swap3A_89 = vector.shape_cast %swap3A_88 : vector<1x16xf32> to vector<16xf32>
      %swap3A_90 = vector.shape_cast %broadcast_in_dim3A_85 : vector<16xf32> to vector<1x16xf32>
      tpu.vector_store %arg11[%swap3A_86, %swap3A_87], %swap3A_90 {strides = array<i32>} : memref<128x128xf32, #tpu.memory_space<vmem>>, vector<1x16xf32>,
      %broadcast_in_dim3A_91 = arith.constant 1.000000e+00 : f32
      %broadcast_in_dim3A_92 = vector.broadcast %broadcast_in_dim3A_91 : f32 to vector<16xf32>
      %swap3A_93 = arith.index_cast %scan3A_42 : i32 to index
      %swap3A_94 = arith.constant 48 : index
      %swap3A_95 = tpu.vector_load %arg13[%swap3A_93, %swap3A_94] {strides = array<i32>} : memref<128x128xf32, #tpu.memory_space<vmem>>, vector<1x16xf32>,
      %swap3A_96 = vector.shape_cast %swap3A_95 : vector<1x16xf32> to vector<16xf32>
      %swap3A_97 = vector.shape_cast %broadcast_in_dim3A_92 : vector<16xf32> to vector<1x16xf32>
      tpu.vector_store %arg13[%swap3A_93, %swap3A_94], %swap3A_97 {strides = array<i32>} : memref<128x128xf32, #tpu.memory_space<vmem>>, vector<1x16xf32>,
      %broadcast_in_dim3A_98 = arith.constant 0.000000e+00 : f32
      %broadcast_in_dim3A_99 = vector.broadcast %broadcast_in_dim3A_98 : f32 to vector<16xf32>
      %swap3A_100 = arith.index_cast %scan3A_42 : i32 to index
      %swap3A_101 = arith.constant 64 : index
      %swap3A_102 = tpu.vector_load %arg11[%swap3A_100, %swap3A_101] {strides = array<i32>} : memref<128x128xf32, #tpu.memory_space<vmem>>, vector<1x16xf32>,
      %swap3A_103 = vector.shape_cast %swap3A_102 : vector<1x16xf32> to vector<16xf32>
      %swap3A_104 = vector.shape_cast %broadcast_in_dim3A_99 : vector<16xf32> to vector<1x16xf32>
      tpu.vector_store %arg11[%swap3A_100, %swap3A_101], %swap3A_104 {strides = array<i32>} : memref<128x128xf32, #tpu.memory_space<vmem>>, vector<1x16xf32>,
      %broadcast_in_dim3A_105 = arith.constant 1.000000e+00 : f32
      %broadcast_in_dim3A_106 = vector.broadcast %broadcast_in_dim3A_105 : f32 to vector<16xf32>
      %swap3A_107 = arith.index_cast %scan3A_42 : i32 to index
      %swap3A_108 = arith.constant 64 : index
      %swap3A_109 = tpu.vector_load %arg13[%swap3A_107, %swap3A_108] {strides = array<i32>} : memref<128x128xf32, #tpu.memory_space<vmem>>, vector<1x16xf32>,
      %swap3A_110 = vector.shape_cast %swap3A_109 : vector<1x16xf32> to vector<16xf32>
      %swap3A_111 = vector.shape_cast %broadcast_in_dim3A_106 : vector<16xf32> to vector<1x16xf32>
      tpu.vector_store %arg13[%swap3A_107, %swap3A_108], %swap3A_111 {strides = array<i32>} : memref<128x128xf32, #tpu.memory_space<vmem>>, vector<1x16xf32>,
      %broadcast_in_dim3A_112 = arith.constant 0.000000e+00 : f32
      %broadcast_in_dim3A_113 = vector.broadcast %broadcast_in_dim3A_112 : f32 to vector<16xf32>
      %swap3A_114 = arith.index_cast %scan3A_42 : i32 to index
      %swap3A_115 = arith.constant 80 : index
      %swap3A_116 = tpu.vector_load %arg11[%swap3A_114, %swap3A_115] {strides = array<i32>} : memref<128x128xf32, #tpu.memory_space<vmem>>, vector<1x16xf32>,
      %swap3A_117 = vector.shape_cast %swap3A_116 : vector<1x16xf32> to vector<16xf32>
      %swap3A_118 = vector.shape_cast %broadcast_in_dim3A_113 : vector<16xf32> to vector<1x16xf32>
      tpu.vector_store %arg11[%swap3A_114, %swap3A_115], %swap3A_118 {strides = array<i32>} : memref<128x128xf32, #tpu.memory_space<vmem>>, vector<1x16xf32>,
      %broadcast_in_dim3A_119 = arith.constant 1.000000e+00 : f32
      %broadcast_in_dim3A_120 = vector.broadcast %broadcast_in_dim3A_119 : f32 to vector<16xf32>
      %swap3A_121 = arith.index_cast %scan3A_42 : i32 to index
      %swap3A_122 = arith.constant 80 : index
      %swap3A_123 = tpu.vector_load %arg13[%swap3A_121, %swap3A_122] {strides = array<i32>} : memref<128x128xf32, #tpu.memory_space<vmem>>, vector<1x16xf32>,
      %swap3A_124 = vector.shape_cast %swap3A_123 : vector<1x16xf32> to vector<16xf32>
      %swap3A_125 = vector.shape_cast %broadcast_in_dim3A_120 : vector<16xf32> to vector<1x16xf32>
      tpu.vector_store %arg13[%swap3A_121, %swap3A_122], %swap3A_125 {strides = array<i32>} : memref<128x128xf32, #tpu.memory_space<vmem>>, vector<1x16xf32>,
      %broadcast_in_dim3A_126 = arith.constant 0.000000e+00 : f32
      %broadcast_in_dim3A_127 = vector.broadcast %broadcast_in_dim3A_126 : f32 to vector<16xf32>
      %swap3A_128 = arith.index_cast %scan3A_42 : i32 to index
      %swap3A_129 = arith.constant 96 : index
      %swap3A_130 = tpu.vector_load %arg11[%swap3A_128, %swap3A_129] {strides = array<i32>} : memref<128x128xf32, #tpu.memory_space<vmem>>, vector<1x16xf32>,
      %swap3A_131 = vector.shape_cast %swap3A_130 : vector<1x16xf32> to vector<16xf32>
      %swap3A_132 = vector.shape_cast %broadcast_in_dim3A_127 : vector<16xf32> to vector<1x16xf32>
      tpu.vector_store %arg11[%swap3A_128, %swap3A_129], %swap3A_132 {strides = array<i32>} : memref<128x128xf32, #tpu.memory_space<vmem>>, vector<1x16xf32>,
      %broadcast_in_dim3A_133 = arith.constant 1.000000e+00 : f32
      %broadcast_in_dim3A_134 = vector.broadcast %broadcast_in_dim3A_133 : f32 to vector<16xf32>
      %swap3A_135 = arith.index_cast %scan3A_42 : i32 to index
      %swap3A_136 = arith.constant 96 : index
      %swap3A_137 = tpu.vector_load %arg13[%swap3A_135, %swap3A_136] {strides = array<i32>} : memref<128x128xf32, #tpu.memory_space<vmem>>, vector<1x16xf32>,
      %swap3A_138 = vector.shape_cast %swap3A_137 : vector<1x16xf32> to vector<16xf32>
      %swap3A_139 = vector.shape_cast %broadcast_in_dim3A_134 : vector<16xf32> to vector<1x16xf32>
      tpu.vector_store %arg13[%swap3A_135, %swap3A_136], %swap3A_139 {strides = array<i32>} : memref<128x128xf32, #tpu.memory_space<vmem>>, vector<1x16xf32>,
      %broadcast_in_dim3A_140 = arith.constant 0.000000e+00 : f32
      %broadcast_in_dim3A_141 = vector.broadcast %broadcast_in_dim3A_140 : f32 to vector<16xf32>
      %swap3A_142 = arith.index_cast %scan3A_42 : i32 to index
      %swap3A_143 = arith.constant 112 : index
      %swap3A_144 = tpu.vector_load %arg11[%swap3A_142, %swap3A_143] {strides = array<i32>} : memref<128x128xf32, #tpu.memory_space<vmem>>, vector<1x16xf32>,
      %swap3A_145 = vector.shape_cast %swap3A_144 : vector<1x16xf32> to vector<16xf32>
      %swap3A_146 = vector.shape_cast %broadcast_in_dim3A_141 : vector<16xf32> to vector<1x16xf32>
      tpu.vector_store %arg11[%swap3A_142, %swap3A_143], %swap3A_146 {strides = array<i32>} : memref<128x128xf32, #tpu.memory_space<vmem>>, vector<1x16xf32>,
      %broadcast_in_dim3A_147 = arith.constant 1.000000e+00 : f32
      %broadcast_in_dim3A_148 = vector.broadcast %broadcast_in_dim3A_147 : f32 to vector<16xf32>
      %swap3A_149 = arith.index_cast %scan3A_42 : i32 to index
      %swap3A_150 = arith.constant 112 : index
      %swap3A_151 = tpu.vector_load %arg13[%swap3A_149, %swap3A_150] {strides = array<i32>} : memref<128x128xf32, #tpu.memory_space<vmem>>, vector<1x16xf32>,
      %swap3A_152 = vector.shape_cast %swap3A_151 : vector<1x16xf32> to vector<16xf32>
      %swap3A_153 = vector.shape_cast %broadcast_in_dim3A_148 : vector<16xf32> to vector<1x16xf32>
      tpu.vector_store %arg13[%swap3A_149, %swap3A_150], %swap3A_153 {strides = array<i32>} : memref<128x128xf32, #tpu.memory_space<vmem>>, vector<1x16xf32>,
      %scan3A_154 = arith.constant 0 : i32
      scf.yield %scan3A_154 : i32
    }
    %scan3A_5 = arith.constant 128 : i32
    %mul3A = arith.constant 313 : i32
    %mul3A_6 = arith.muli %arg1, %mul3A : i32
    %add3A = arith.constant 0 : i32
    %add3A_7 = arith.addi %mul3A_6, %add3A : i32
    "tpu.region"() ({
      %run_scoped3A = tpu.sem_alloc : memref<!tpu.dma_semaphore, #tpu.memory_space<semaphore_mem>>
      %dma_start3A = arith.constant 0 : i32
      %dma_start3A_42 = tpu.memref_slice %arg7[%add3A_7, %dma_start3A] : memref<5016x128xf32, #tpu.memory_space<vmem_shared>> -> memref<128x128xf32, #tpu.memory_space<vmem_shared>>
      %dma_start3A_43 = arith.constant 0 : i32
      %dma_start3A_44 = tpu.memref_slice %arg7[%add3A_7, %dma_start3A_43] : memref<5016x128xf32, #tpu.memory_space<vmem_shared>> -> memref<128x128xf32, #tpu.memory_space<vmem_shared>>
      tpu.enqueue_dma source(%arg11 : memref<128x128xf32, #tpu.memory_space<vmem>>) target(%dma_start3A_44 : memref<128x128xf32, #tpu.memory_space<vmem_shared>>) target_semaphore(%run_scoped3A : memref<!tpu.dma_semaphore, #tpu.memory_space<semaphore_mem>>)
      %dma_wait3A = arith.constant 0 : i32
      %dma_wait3A_45 = tpu.memref_slice %arg7[%add3A_7, %dma_wait3A] : memref<5016x128xf32, #tpu.memory_space<vmem_shared>> -> memref<128x128xf32, #tpu.memory_space<vmem_shared>>
      %dma_wait3A_46 = arith.constant 0 : i32
      %dma_wait3A_47 = tpu.memref_slice %arg7[%add3A_7, %dma_wait3A_46] : memref<5016x128xf32, #tpu.memory_space<vmem_shared>> -> memref<128x128xf32, #tpu.memory_space<vmem_shared>>
      tpu.wait_dma2 semaphore(%run_scoped3A : memref<!tpu.dma_semaphore, #tpu.memory_space<semaphore_mem>>) src(%arg11 : memref<128x128xf32, #tpu.memory_space<vmem>>) dst(%dma_wait3A_47 : memref<128x128xf32, #tpu.memory_space<vmem_shared>>)
      tpu.yield
    }) : () -> ()
    %mul3A_8 = arith.constant 313 : i32
    %mul3A_9 = arith.muli %arg1, %mul3A_8 : i32
    %add3A_10 = arith.constant 0 : i32
    %add3A_11 = arith.addi %mul3A_9, %add3A_10 : i32
    "tpu.region"() ({
      %run_scoped3A = tpu.sem_alloc : memref<!tpu.dma_semaphore, #tpu.memory_space<semaphore_mem>>
      %dma_start3A = arith.constant 0 : i32
      %dma_start3A_42 = tpu.memref_slice %arg12[%add3A_11, %dma_start3A] : memref<5016x128xf32, #tpu.memory_space<vmem_shared>> -> memref<128x128xf32, #tpu.memory_space<vmem_shared>>
      %dma_start3A_43 = arith.constant 0 : i32
      %dma_start3A_44 = tpu.memref_slice %arg12[%add3A_11, %dma_start3A_43] : memref<5016x128xf32, #tpu.memory_space<vmem_shared>> -> memref<128x128xf32, #tpu.memory_space<vmem_shared>>
      tpu.enqueue_dma source(%arg11 : memref<128x128xf32, #tpu.memory_space<vmem>>) target(%dma_start3A_44 : memref<128x128xf32, #tpu.memory_space<vmem_shared>>) target_semaphore(%run_scoped3A : memref<!tpu.dma_semaphore, #tpu.memory_space<semaphore_mem>>)
      %dma_wait3A = arith.constant 0 : i32
      %dma_wait3A_45 = tpu.memref_slice %arg12[%add3A_11, %dma_wait3A] : memref<5016x128xf32, #tpu.memory_space<vmem_shared>> -> memref<128x128xf32, #tpu.memory_space<vmem_shared>>
      %dma_wait3A_46 = arith.constant 0 : i32
      %dma_wait3A_47 = tpu.memref_slice %arg12[%add3A_11, %dma_wait3A_46] : memref<5016x128xf32, #tpu.memory_space<vmem_shared>> -> memref<128x128xf32, #tpu.memory_space<vmem_shared>>
      tpu.wait_dma2 semaphore(%run_scoped3A : memref<!tpu.dma_semaphore, #tpu.memory_space<semaphore_mem>>) src(%arg11 : memref<128x128xf32, #tpu.memory_space<vmem>>) dst(%dma_wait3A_47 : memref<128x128xf32, #tpu.memory_space<vmem_shared>>)
      tpu.yield
    }) : () -> ()
    %mul3A_12 = arith.constant 313 : i32
    %mul3A_13 = arith.muli %arg1, %mul3A_12 : i32
    %add3A_14 = arith.constant 128 : i32
    %add3A_15 = arith.addi %mul3A_13, %add3A_14 : i32
    "tpu.region"() ({
      %run_scoped3A = tpu.sem_alloc : memref<!tpu.dma_semaphore, #tpu.memory_space<semaphore_mem>>
      %dma_start3A = arith.constant 0 : i32
      %dma_start3A_42 = tpu.memref_slice %arg7[%add3A_15, %dma_start3A] : memref<5016x128xf32, #tpu.memory_space<vmem_shared>> -> memref<128x128xf32, #tpu.memory_space<vmem_shared>>
      %dma_start3A_43 = arith.constant 0 : i32
      %dma_start3A_44 = tpu.memref_slice %arg7[%add3A_15, %dma_start3A_43] : memref<5016x128xf32, #tpu.memory_space<vmem_shared>> -> memref<128x128xf32, #tpu.memory_space<vmem_shared>>
      tpu.enqueue_dma source(%arg11 : memref<128x128xf32, #tpu.memory_space<vmem>>) target(%dma_start3A_44 : memref<128x128xf32, #tpu.memory_space<vmem_shared>>) target_semaphore(%run_scoped3A : memref<!tpu.dma_semaphore, #tpu.memory_space<semaphore_mem>>)
      %dma_wait3A = arith.constant 0 : i32
      %dma_wait3A_45 = tpu.memref_slice %arg7[%add3A_15, %dma_wait3A] : memref<5016x128xf32, #tpu.memory_space<vmem_shared>> -> memref<128x128xf32, #tpu.memory_space<vmem_shared>>
      %dma_wait3A_46 = arith.constant 0 : i32
      %dma_wait3A_47 = tpu.memref_slice %arg7[%add3A_15, %dma_wait3A_46] : memref<5016x128xf32, #tpu.memory_space<vmem_shared>> -> memref<128x128xf32, #tpu.memory_space<vmem_shared>>
      tpu.wait_dma2 semaphore(%run_scoped3A : memref<!tpu.dma_semaphore, #tpu.memory_space<semaphore_mem>>) src(%arg11 : memref<128x128xf32, #tpu.memory_space<vmem>>) dst(%dma_wait3A_47 : memref<128x128xf32, #tpu.memory_space<vmem_shared>>)
      tpu.yield
    }) : () -> ()
    %mul3A_16 = arith.constant 313 : i32
    %mul3A_17 = arith.muli %arg1, %mul3A_16 : i32
    %add3A_18 = arith.constant 128 : i32
    %add3A_19 = arith.addi %mul3A_17, %add3A_18 : i32
    "tpu.region"() ({
      %run_scoped3A = tpu.sem_alloc : memref<!tpu.dma_semaphore, #tpu.memory_space<semaphore_mem>>
      %dma_start3A = arith.constant 0 : i32
      %dma_start3A_42 = tpu.memref_slice %arg12[%add3A_19, %dma_start3A] : memref<5016x128xf32, #tpu.memory_space<vmem_shared>> -> memref<128x128xf32, #tpu.memory_space<vmem_shared>>
      %dma_start3A_43 = arith.constant 0 : i32
      %dma_start3A_44 = tpu.memref_slice %arg12[%add3A_19, %dma_start3A_43] : memref<5016x128xf32, #tpu.memory_space<vmem_shared>> -> memref<128x128xf32, #tpu.memory_space<vmem_shared>>
      tpu.enqueue_dma source(%arg11 : memref<128x128xf32, #tpu.memory_space<vmem>>) target(%dma_start3A_44 : memref<128x128xf32, #tpu.memory_space<vmem_shared>>) target_semaphore(%run_scoped3A : memref<!tpu.dma_semaphore, #tpu.memory_space<semaphore_mem>>)
      %dma_wait3A = arith.constant 0 : i32
      %dma_wait3A_45 = tpu.memref_slice %arg12[%add3A_19, %dma_wait3A] : memref<5016x128xf32, #tpu.memory_space<vmem_shared>> -> memref<128x128xf32, #tpu.memory_space<vmem_shared>>
      %dma_wait3A_46 = arith.constant 0 : i32
      %dma_wait3A_47 = tpu.memref_slice %arg12[%add3A_19, %dma_wait3A_46] : memref<5016x128xf32, #tpu.memory_space<vmem_shared>> -> memref<128x128xf32, #tpu.memory_space<vmem_shared>>
      tpu.wait_dma2 semaphore(%run_scoped3A : memref<!tpu.dma_semaphore, #tpu.memory_space<semaphore_mem>>) src(%arg11 : memref<128x128xf32, #tpu.memory_space<vmem>>) dst(%dma_wait3A_47 : memref<128x128xf32, #tpu.memory_space<vmem_shared>>)
      tpu.yield
    }) : () -> ()
    %mul3A_20 = arith.constant 313 : i32
    %mul3A_21 = arith.muli %arg1, %mul3A_20 : i32
    %add3A_22 = arith.constant 256 : i32
    %add3A_23 = arith.addi %mul3A_21, %add3A_22 : i32
    "tpu.region"() ({
      %run_scoped3A = tpu.sem_alloc : memref<!tpu.dma_semaphore, #tpu.memory_space<semaphore_mem>>
      %dma_start3A = arith.constant 0 : i32
      %dma_start3A_42 = arith.constant 0 : i32
      %dma_start3A_43 = tpu.memref_slice %arg11[%dma_start3A, %dma_start3A_42] : memref<128x128xf32, #tpu.memory_space<vmem>> -> memref<57x128xf32, #tpu.memory_space<vmem>>
      %dma_start3A_44 = arith.constant 0 : i32
      %dma_start3A_45 = tpu.memref_slice %arg7[%add3A_23, %dma_start3A_44] : memref<5016x128xf32, #tpu.memory_space<vmem_shared>> -> memref<57x128xf32, #tpu.memory_space<vmem_shared>>
      %dma_start3A_46 = arith.constant 0 : i32
      %dma_start3A_47 = tpu.memref_slice %arg7[%add3A_23, %dma_start3A_46] : memref<5016x128xf32, #tpu.memory_space<vmem_shared>> -> memref<57x128xf32, #tpu.memory_space<vmem_shared>>
      %dma_start3A_48 = arith.constant 0 : i32
      %dma_start3A_49 = arith.constant 0 : i32
      %dma_start3A_50 = tpu.memref_slice %arg11[%dma_start3A_48, %dma_start3A_49] : memref<128x128xf32, #tpu.memory_space<vmem>> -> memref<57x128xf32, #tpu.memory_space<vmem>>
      tpu.enqueue_dma source(%dma_start3A_50 : memref<57x128xf32, #tpu.memory_space<vmem>>) target(%dma_start3A_47 : memref<57x128xf32, #tpu.memory_space<vmem_shared>>) target_semaphore(%run_scoped3A : memref<!tpu.dma_semaphore, #tpu.memory_space<semaphore_mem>>)
      %dma_wait3A = arith.constant 0 : i32
      %dma_wait3A_51 = arith.constant 0 : i32
      %dma_wait3A_52 = tpu.memref_slice %arg11[%dma_wait3A, %dma_wait3A_51] : memref<128x128xf32, #tpu.memory_space<vmem>> -> memref<57x128xf32, #tpu.memory_space<vmem>>
      %dma_wait3A_53 = arith.constant 0 : i32
      %dma_wait3A_54 = tpu.memref_slice %arg7[%add3A_23, %dma_wait3A_53] : memref<5016x128xf32, #tpu.memory_space<vmem_shared>> -> memref<57x128xf32, #tpu.memory_space<vmem_shared>>
      %dma_wait3A_55 = arith.constant 0 : i32
      %dma_wait3A_56 = tpu.memref_slice %arg7[%add3A_23, %dma_wait3A_55] : memref<5016x128xf32, #tpu.memory_space<vmem_shared>> -> memref<57x128xf32, #tpu.memory_space<vmem_shared>>
      %dma_wait3A_57 = arith.constant 0 : i32
      %dma_wait3A_58 = arith.constant 0 : i32
      %dma_wait3A_59 = tpu.memref_slice %arg11[%dma_wait3A_57, %dma_wait3A_58] : memref<128x128xf32, #tpu.memory_space<vmem>> -> memref<57x128xf32, #tpu.memory_space<vmem>>
      tpu.wait_dma2 semaphore(%run_scoped3A : memref<!tpu.dma_semaphore, #tpu.memory_space<semaphore_mem>>) src(%dma_wait3A_59 : memref<57x128xf32, #tpu.memory_space<vmem>>) dst(%dma_wait3A_56 : memref<57x128xf32, #tpu.memory_space<vmem_shared>>)
      tpu.yield
    }) : () -> ()
    %mul3A_24 = arith.constant 313 : i32
    %mul3A_25 = arith.muli %arg1, %mul3A_24 : i32
    %add3A_26 = arith.constant 256 : i32
    %add3A_27 = arith.addi %mul3A_25, %add3A_26 : i32
    "tpu.region"() ({
      %run_scoped3A = tpu.sem_alloc : memref<!tpu.dma_semaphore, #tpu.memory_space<semaphore_mem>>
      %dma_start3A = arith.constant 0 : i32
      %dma_start3A_42 = arith.constant 0 : i32
      %dma_start3A_43 = tpu.memref_slice %arg11[%dma_start3A, %dma_start3A_42] : memref<128x128xf32, #tpu.memory_space<vmem>> -> memref<57x128xf32, #tpu.memory_space<vmem>>
      %dma_start3A_44 = arith.constant 0 : i32
      %dma_start3A_45 = tpu.memref_slice %arg12[%add3A_27, %dma_start3A_44] : memref<5016x128xf32, #tpu.memory_space<vmem_shared>> -> memref<57x128xf32, #tpu.memory_space<vmem_shared>>
      %dma_start3A_46 = arith.constant 0 : i32
      %dma_start3A_47 = tpu.memref_slice %arg12[%add3A_27, %dma_start3A_46] : memref<5016x128xf32, #tpu.memory_space<vmem_shared>> -> memref<57x128xf32, #tpu.memory_space<vmem_shared>>
      %dma_start3A_48 = arith.constant 0 : i32
      %dma_start3A_49 = arith.constant 0 : i32
      %dma_start3A_50 = tpu.memref_slice %arg11[%dma_start3A_48, %dma_start3A_49] : memref<128x128xf32, #tpu.memory_space<vmem>> -> memref<57x128xf32, #tpu.memory_space<vmem>>
      tpu.enqueue_dma source(%dma_start3A_50 : memref<57x128xf32, #tpu.memory_space<vmem>>) target(%dma_start3A_47 : memref<57x128xf32, #tpu.memory_space<vmem_shared>>) target_semaphore(%run_scoped3A : memref<!tpu.dma_semaphore, #tpu.memory_space<semaphore_mem>>)
      %dma_wait3A = arith.constant 0 : i32
      %dma_wait3A_51 = arith.constant 0 : i32
      %dma_wait3A_52 = tpu.memref_slice %arg11[%dma_wait3A, %dma_wait3A_51] : memref<128x128xf32, #tpu.memory_space<vmem>> -> memref<57x128xf32, #tpu.memory_space<vmem>>
      %dma_wait3A_53 = arith.constant 0 : i32
      %dma_wait3A_54 = tpu.memref_slice %arg12[%add3A_27, %dma_wait3A_53] : memref<5016x128xf32, #tpu.memory_space<vmem_shared>> -> memref<57x128xf32, #tpu.memory_space<vmem_shared>>
      %dma_wait3A_55 = arith.constant 0 : i32
      %dma_wait3A_56 = tpu.memref_slice %arg12[%add3A_27, %dma_wait3A_55] : memref<5016x128xf32, #tpu.memory_space<vmem_shared>> -> memref<57x128xf32, #tpu.memory_space<vmem_shared>>
      %dma_wait3A_57 = arith.constant 0 : i32
      %dma_wait3A_58 = arith.constant 0 : i32
      %dma_wait3A_59 = tpu.memref_slice %arg11[%dma_wait3A_57, %dma_wait3A_58] : memref<128x128xf32, #tpu.memory_space<vmem>> -> memref<57x128xf32, #tpu.memory_space<vmem>>
      tpu.wait_dma2 semaphore(%run_scoped3A : memref<!tpu.dma_semaphore, #tpu.memory_space<semaphore_mem>>) src(%dma_wait3A_59 : memref<57x128xf32, #tpu.memory_space<vmem>>) dst(%dma_wait3A_56 : memref<57x128xf32, #tpu.memory_space<vmem_shared>>)
      tpu.yield
    }) : () -> ()
    %barrier3A = arith.constant 0 : index
    tpu.barrier barrier_id(%barrier3A)
    %mul3A_28 = arith.constant 5008 : i32
    %mul3A_29 = arith.muli %arg0, %mul3A_28 : i32
    %scan3A_30 = arith.constant 0 : i32
    %scan3A_31 = arith.constant 0 : i32
    %scan3A_32 = arith.constant 157 : i32
    %scan3A_33 = arith.addi %scan3A_31, %scan3A_32 : i32
    %scan3A_34 = arith.constant 1 : i32
    %scan3A_35 = scf.for %scan3A_42 = %scan3A_31 to %scan3A_33 step %scan3A_34 iter_args(%scan3A_43 = %scan3A_30) -> (i32)  : i32 {
      %mul3A_44 = arith.constant 157 : i32
      %mul3A_45 = arith.muli %arg1, %mul3A_44 : i32
      %add3A_46 = arith.addi %mul3A_45, %scan3A_42 : i32
      %mul3A_47 = arith.constant 128 : i32
      %mul3A_48 = arith.muli %add3A_46, %mul3A_47 : i32
      "tpu.region"() ({
        %run_scoped3A = tpu.sem_alloc : memref<!tpu.dma_semaphore, #tpu.memory_space<semaphore_mem>>
        %dma_start3A_209 = tpu.memref_slice %arg3[%mul3A_48] : memref<321536xi32, #tpu.memory_space<hbm>> -> memref<128xi32, #tpu.memory_space<hbm>>
        %dma_start3A_210 = tpu.memref_slice %arg3[%mul3A_48] : memref<321536xi32, #tpu.memory_space<hbm>> -> memref<128xi32, #tpu.memory_space<hbm>>
        tpu.enqueue_dma source(%dma_start3A_210 : memref<128xi32, #tpu.memory_space<hbm>>) target(%arg8 : memref<128xi32, #tpu.memory_space<vmem>>) target_semaphore(%run_scoped3A : memref<!tpu.dma_semaphore, #tpu.memory_space<semaphore_mem>>)
        %dma_wait3A_211 = tpu.memref_slice %arg3[%mul3A_48] : memref<321536xi32, #tpu.memory_space<hbm>> -> memref<128xi32, #tpu.memory_space<hbm>>
        %dma_wait3A_212 = tpu.memref_slice %arg3[%mul3A_48] : memref<321536xi32, #tpu.memory_space<hbm>> -> memref<128xi32, #tpu.memory_space<hbm>>
        tpu.wait_dma2 semaphore(%run_scoped3A : memref<!tpu.dma_semaphore, #tpu.memory_space<semaphore_mem>>) src(%dma_wait3A_212 : memref<128xi32, #tpu.memory_space<hbm>>) dst(%arg8 : memref<128xi32, #tpu.memory_space<vmem>>)
        tpu.yield
      }) : () -> ()
      "tpu.region"() ({
        %run_scoped3A = tpu.sem_alloc : memref<!tpu.dma_semaphore, #tpu.memory_space<semaphore_mem>>
        %dma_start3A_209 = tpu.memref_slice %arg4[%mul3A_48] : memref<321536xi32, #tpu.memory_space<hbm>> -> memref<128xi32, #tpu.memory_space<hbm>>
        %dma_start3A_210 = tpu.memref_slice %arg4[%mul3A_48] : memref<321536xi32, #tpu.memory_space<hbm>> -> memref<128xi32, #tpu.memory_space<hbm>>
        tpu.enqueue_dma source(%dma_start3A_210 : memref<128xi32, #tpu.memory_space<hbm>>) target(%arg9 : memref<128xi32, #tpu.memory_space<vmem>>) target_semaphore(%run_scoped3A : memref<!tpu.dma_semaphore, #tpu.memory_space<semaphore_mem>>)
        %dma_wait3A_211 = tpu.memref_slice %arg4[%mul3A_48] : memref<321536xi32, #tpu.memory_space<hbm>> -> memref<128xi32, #tpu.memory_space<hbm>>
        %dma_wait3A_212 = tpu.memref_slice %arg4[%mul3A_48] : memref<321536xi32, #tpu.memory_space<hbm>> -> memref<128xi32, #tpu.memory_space<hbm>>
        tpu.wait_dma2 semaphore(%run_scoped3A : memref<!tpu.dma_semaphore, #tpu.memory_space<semaphore_mem>>) src(%dma_wait3A_212 : memref<128xi32, #tpu.memory_space<hbm>>) dst(%arg9 : memref<128xi32, #tpu.memory_space<vmem>>)
        tpu.yield
      }) : () -> ()
      %dma_start3A = arith.constant 0 : i32
      %dma_start3A_49 = arith.constant 0 : i32
      %dma_start3A_50 = tpu.memref_slice %arg2[%dma_start3A, %dma_start3A_49] : memref<10000x128xf32, #tpu.memory_space<hbm>> -> memref<10000x128xf32, #tpu.memory_space<hbm>>
      tpu.enqueue_indirect_dma source(%dma_start3A_50 : memref<10000x128xf32, #tpu.memory_space<hbm>>) target(%arg10 : memref<128x128xf32, #tpu.memory_space<vmem>>) offsets(%arg8 : memref<128xi32, #tpu.memory_space<vmem>>) semaphore(%arg14 : memref<!tpu.dma_semaphore, #tpu.memory_space<semaphore_mem>>)
      %get3A = arith.constant 0 : index
      %get3A_51 = tpu.vector_load %arg9[%get3A] {strides = array<i32>} : memref<128xi32, #tpu.memory_space<vmem>>, vector<16xi32>,
      %get3A_52 = vector.shape_cast %get3A_51 : vector<16xi32> to vector<16xi32>
      %sub3A = vector.broadcast %mul3A_29 : i32 to vector<16xi32>
      %sub3A_53 = arith.subi %get3A_52, %sub3A : vector<16xi32>
      %ge3A = arith.constant 0 : i32
      %ge3A_54 = vector.broadcast %ge3A : i32 to vector<16xi32>
      %ge3A_55 = arith.cmpi sge, %sub3A_53, %ge3A_54 : vector<16xi32>
      %lt3A = arith.constant 5008 : i32
      %lt3A_56 = vector.broadcast %lt3A : i32 to vector<16xi32>
      %lt3A_57 = arith.cmpi slt, %sub3A_53, %lt3A_56 : vector<16xi32>
      %and3A = arith.andi %ge3A_55, %lt3A_57 : vector<16xi1>
      %jit3A = arith.constant 5008 : i32
      %broadcast_in_dim3A = vector.broadcast %jit3A : i32 to vector<16xi32>
      %select_n3A = arith.select %and3A, %sub3A_53, %broadcast_in_dim3A : vector<16xi1>, vector<16xi32>
      %swap3A = arith.constant 0 : index
      %swap3A_58 = tpu.vector_load %arg9[%swap3A] {strides = array<i32>} : memref<128xi32, #tpu.memory_space<vmem>>, vector<16xi32>,
      %swap3A_59 = vector.shape_cast %swap3A_58 : vector<16xi32> to vector<16xi32>
      %swap3A_60 = vector.shape_cast %select_n3A : vector<16xi32> to vector<16xi32>
      tpu.vector_store %arg9[%swap3A], %swap3A_60 {strides = array<i32>} : memref<128xi32, #tpu.memory_space<vmem>>, vector<16xi32>,
      %get3A_61 = arith.constant 16 : index
      %get3A_62 = tpu.vector_load %arg9[%get3A_61] {strides = array<i32>} : memref<128xi32, #tpu.memory_space<vmem>>, vector<16xi32>,
      %get3A_63 = vector.shape_cast %get3A_62 : vector<16xi32> to vector<16xi32>
      %sub3A_64 = vector.broadcast %mul3A_29 : i32 to vector<16xi32>
      %sub3A_65 = arith.subi %get3A_63, %sub3A_64 : vector<16xi32>
      %ge3A_66 = arith.constant 0 : i32
      %ge3A_67 = vector.broadcast %ge3A_66 : i32 to vector<16xi32>
      %ge3A_68 = arith.cmpi sge, %sub3A_65, %ge3A_67 : vector<16xi32>
      %lt3A_69 = arith.constant 5008 : i32
      %lt3A_70 = vector.broadcast %lt3A_69 : i32 to vector<16xi32>
      %lt3A_71 = arith.cmpi slt, %sub3A_65, %lt3A_70 : vector<16xi32>
      %and3A_72 = arith.andi %ge3A_68, %lt3A_71 : vector<16xi1>
      %jit3A_73 = arith.constant 5008 : i32
      %broadcast_in_dim3A_74 = vector.broadcast %jit3A_73 : i32 to vector<16xi32>
      %select_n3A_75 = arith.select %and3A_72, %sub3A_65, %broadcast_in_dim3A_74 : vector<16xi1>, vector<16xi32>
      %swap3A_76 = arith.constant 16 : index
      %swap3A_77 = tpu.vector_load %arg9[%swap3A_76] {strides = array<i32>} : memref<128xi32, #tpu.memory_space<vmem>>, vector<16xi32>,
      %swap3A_78 = vector.shape_cast %swap3A_77 : vector<16xi32> to vector<16xi32>
      %swap3A_79 = vector.shape_cast %select_n3A_75 : vector<16xi32> to vector<16xi32>
      tpu.vector_store %arg9[%swap3A_76], %swap3A_79 {strides = array<i32>} : memref<128xi32, #tpu.memory_space<vmem>>, vector<16xi32>,
      %get3A_80 = arith.constant 32 : index
      %get3A_81 = tpu.vector_load %arg9[%get3A_80] {strides = array<i32>} : memref<128xi32, #tpu.memory_space<vmem>>, vector<16xi32>,
      %get3A_82 = vector.shape_cast %get3A_81 : vector<16xi32> to vector<16xi32>
      %sub3A_83 = vector.broadcast %mul3A_29 : i32 to vector<16xi32>
      %sub3A_84 = arith.subi %get3A_82, %sub3A_83 : vector<16xi32>
      %ge3A_85 = arith.constant 0 : i32
      %ge3A_86 = vector.broadcast %ge3A_85 : i32 to vector<16xi32>
      %ge3A_87 = arith.cmpi sge, %sub3A_84, %ge3A_86 : vector<16xi32>
      %lt3A_88 = arith.constant 5008 : i32
      %lt3A_89 = vector.broadcast %lt3A_88 : i32 to vector<16xi32>
      %lt3A_90 = arith.cmpi slt, %sub3A_84, %lt3A_89 : vector<16xi32>
      %and3A_91 = arith.andi %ge3A_87, %lt3A_90 : vector<16xi1>
      %jit3A_92 = arith.constant 5008 : i32
      %broadcast_in_dim3A_93 = vector.broadcast %jit3A_92 : i32 to vector<16xi32>
      %select_n3A_94 = arith.select %and3A_91, %sub3A_84, %broadcast_in_dim3A_93 : vector<16xi1>, vector<16xi32>
      %swap3A_95 = arith.constant 32 : index
      %swap3A_96 = tpu.vector_load %arg9[%swap3A_95] {strides = array<i32>} : memref<128xi32, #tpu.memory_space<vmem>>, vector<16xi32>,
      %swap3A_97 = vector.shape_cast %swap3A_96 : vector<16xi32> to vector<16xi32>
      %swap3A_98 = vector.shape_cast %select_n3A_94 : vector<16xi32> to vector<16xi32>
      tpu.vector_store %arg9[%swap3A_95], %swap3A_98 {strides = array<i32>} : memref<128xi32, #tpu.memory_space<vmem>>, vector<16xi32>,
      %get3A_99 = arith.constant 48 : index
      %get3A_100 = tpu.vector_load %arg9[%get3A_99] {strides = array<i32>} : memref<128xi32, #tpu.memory_space<vmem>>, vector<16xi32>,
      %get3A_101 = vector.shape_cast %get3A_100 : vector<16xi32> to vector<16xi32>
      %sub3A_102 = vector.broadcast %mul3A_29 : i32 to vector<16xi32>
      %sub3A_103 = arith.subi %get3A_101, %sub3A_102 : vector<16xi32>
      %ge3A_104 = arith.constant 0 : i32
      %ge3A_105 = vector.broadcast %ge3A_104 : i32 to vector<16xi32>
      %ge3A_106 = arith.cmpi sge, %sub3A_103, %ge3A_105 : vector<16xi32>
      %lt3A_107 = arith.constant 5008 : i32
      %lt3A_108 = vector.broadcast %lt3A_107 : i32 to vector<16xi32>
      %lt3A_109 = arith.cmpi slt, %sub3A_103, %lt3A_108 : vector<16xi32>
      %and3A_110 = arith.andi %ge3A_106, %lt3A_109 : vector<16xi1>
      %jit3A_111 = arith.constant 5008 : i32
      %broadcast_in_dim3A_112 = vector.broadcast %jit3A_111 : i32 to vector<16xi32>
      %select_n3A_113 = arith.select %and3A_110, %sub3A_103, %broadcast_in_dim3A_112 : vector<16xi1>, vector<16xi32>
      %swap3A_114 = arith.constant 48 : index
      %swap3A_115 = tpu.vector_load %arg9[%swap3A_114] {strides = array<i32>} : memref<128xi32, #tpu.memory_space<vmem>>, vector<16xi32>,
      %swap3A_116 = vector.shape_cast %swap3A_115 : vector<16xi32> to vector<16xi32>
      %swap3A_117 = vector.shape_cast %select_n3A_113 : vector<16xi32> to vector<16xi32>
      tpu.vector_store %arg9[%swap3A_114], %swap3A_117 {strides = array<i32>} : memref<128xi32, #tpu.memory_space<vmem>>, vector<16xi32>,
      %get3A_118 = arith.constant 64 : index
      %get3A_119 = tpu.vector_load %arg9[%get3A_118] {strides = array<i32>} : memref<128xi32, #tpu.memory_space<vmem>>, vector<16xi32>,
      %get3A_120 = vector.shape_cast %get3A_119 : vector<16xi32> to vector<16xi32>
      %sub3A_121 = vector.broadcast %mul3A_29 : i32 to vector<16xi32>
      %sub3A_122 = arith.subi %get3A_120, %sub3A_121 : vector<16xi32>
      %ge3A_123 = arith.constant 0 : i32
      %ge3A_124 = vector.broadcast %ge3A_123 : i32 to vector<16xi32>
      %ge3A_125 = arith.cmpi sge, %sub3A_122, %ge3A_124 : vector<16xi32>
      %lt3A_126 = arith.constant 5008 : i32
      %lt3A_127 = vector.broadcast %lt3A_126 : i32 to vector<16xi32>
      %lt3A_128 = arith.cmpi slt, %sub3A_122, %lt3A_127 : vector<16xi32>
      %and3A_129 = arith.andi %ge3A_125, %lt3A_128 : vector<16xi1>
      %jit3A_130 = arith.constant 5008 : i32
      %broadcast_in_dim3A_131 = vector.broadcast %jit3A_130 : i32 to vector<16xi32>
      %select_n3A_132 = arith.select %and3A_129, %sub3A_122, %broadcast_in_dim3A_131 : vector<16xi1>, vector<16xi32>
      %swap3A_133 = arith.constant 64 : index
      %swap3A_134 = tpu.vector_load %arg9[%swap3A_133] {strides = array<i32>} : memref<128xi32, #tpu.memory_space<vmem>>, vector<16xi32>,
      %swap3A_135 = vector.shape_cast %swap3A_134 : vector<16xi32> to vector<16xi32>
      %swap3A_136 = vector.shape_cast %select_n3A_132 : vector<16xi32> to vector<16xi32>
      tpu.vector_store %arg9[%swap3A_133], %swap3A_136 {strides = array<i32>} : memref<128xi32, #tpu.memory_space<vmem>>, vector<16xi32>,
      %get3A_137 = arith.constant 80 : index
      %get3A_138 = tpu.vector_load %arg9[%get3A_137] {strides = array<i32>} : memref<128xi32, #tpu.memory_space<vmem>>, vector<16xi32>,
      %get3A_139 = vector.shape_cast %get3A_138 : vector<16xi32> to vector<16xi32>
      %sub3A_140 = vector.broadcast %mul3A_29 : i32 to vector<16xi32>
      %sub3A_141 = arith.subi %get3A_139, %sub3A_140 : vector<16xi32>
      %ge3A_142 = arith.constant 0 : i32
      %ge3A_143 = vector.broadcast %ge3A_142 : i32 to vector<16xi32>
      %ge3A_144 = arith.cmpi sge, %sub3A_141, %ge3A_143 : vector<16xi32>
      %lt3A_145 = arith.constant 5008 : i32
      %lt3A_146 = vector.broadcast %lt3A_145 : i32 to vector<16xi32>
      %lt3A_147 = arith.cmpi slt, %sub3A_141, %lt3A_146 : vector<16xi32>
      %and3A_148 = arith.andi %ge3A_144, %lt3A_147 : vector<16xi1>
      %jit3A_149 = arith.constant 5008 : i32
      %broadcast_in_dim3A_150 = vector.broadcast %jit3A_149 : i32 to vector<16xi32>
      %select_n3A_151 = arith.select %and3A_148, %sub3A_141, %broadcast_in_dim3A_150 : vector<16xi1>, vector<16xi32>
      %swap3A_152 = arith.constant 80 : index
      %swap3A_153 = tpu.vector_load %arg9[%swap3A_152] {strides = array<i32>} : memref<128xi32, #tpu.memory_space<vmem>>, vector<16xi32>,
      %swap3A_154 = vector.shape_cast %swap3A_153 : vector<16xi32> to vector<16xi32>
      %swap3A_155 = vector.shape_cast %select_n3A_151 : vector<16xi32> to vector<16xi32>
      tpu.vector_store %arg9[%swap3A_152], %swap3A_155 {strides = array<i32>} : memref<128xi32, #tpu.memory_space<vmem>>, vector<16xi32>,
      %get3A_156 = arith.constant 96 : index
      %get3A_157 = tpu.vector_load %arg9[%get3A_156] {strides = array<i32>} : memref<128xi32, #tpu.memory_space<vmem>>, vector<16xi32>,
      %get3A_158 = vector.shape_cast %get3A_157 : vector<16xi32> to vector<16xi32>
      %sub3A_159 = vector.broadcast %mul3A_29 : i32 to vector<16xi32>
      %sub3A_160 = arith.subi %get3A_158, %sub3A_159 : vector<16xi32>
      %ge3A_161 = arith.constant 0 : i32
      %ge3A_162 = vector.broadcast %ge3A_161 : i32 to vector<16xi32>
      %ge3A_163 = arith.cmpi sge, %sub3A_160, %ge3A_162 : vector<16xi32>
      %lt3A_164 = arith.constant 5008 : i32
      %lt3A_165 = vector.broadcast %lt3A_164 : i32 to vector<16xi32>
      %lt3A_166 = arith.cmpi slt, %sub3A_160, %lt3A_165 : vector<16xi32>
      %and3A_167 = arith.andi %ge3A_163, %lt3A_166 : vector<16xi1>
      %jit3A_168 = arith.constant 5008 : i32
      %broadcast_in_dim3A_169 = vector.broadcast %jit3A_168 : i32 to vector<16xi32>
      %select_n3A_170 = arith.select %and3A_167, %sub3A_160, %broadcast_in_dim3A_169 : vector<16xi1>, vector<16xi32>
      %swap3A_171 = arith.constant 96 : index
      %swap3A_172 = tpu.vector_load %arg9[%swap3A_171] {strides = array<i32>} : memref<128xi32, #tpu.memory_space<vmem>>, vector<16xi32>,
      %swap3A_173 = vector.shape_cast %swap3A_172 : vector<16xi32> to vector<16xi32>
      %swap3A_174 = vector.shape_cast %select_n3A_170 : vector<16xi32> to vector<16xi32>
      tpu.vector_store %arg9[%swap3A_171], %swap3A_174 {strides = array<i32>} : memref<128xi32, #tpu.memory_space<vmem>>, vector<16xi32>,
      %get3A_175 = arith.constant 112 : index
      %get3A_176 = tpu.vector_load %arg9[%get3A_175] {strides = array<i32>} : memref<128xi32, #tpu.memory_space<vmem>>, vector<16xi32>,
      %get3A_177 = vector.shape_cast %get3A_176 : vector<16xi32> to vector<16xi32>
      %sub3A_178 = vector.broadcast %mul3A_29 : i32 to vector<16xi32>
      %sub3A_179 = arith.subi %get3A_177, %sub3A_178 : vector<16xi32>
      %ge3A_180 = arith.constant 0 : i32
      %ge3A_181 = vector.broadcast %ge3A_180 : i32 to vector<16xi32>
      %ge3A_182 = arith.cmpi sge, %sub3A_179, %ge3A_181 : vector<16xi32>
      %lt3A_183 = arith.constant 5008 : i32
      %lt3A_184 = vector.broadcast %lt3A_183 : i32 to vector<16xi32>
      %lt3A_185 = arith.cmpi slt, %sub3A_179, %lt3A_184 : vector<16xi32>
      %and3A_186 = arith.andi %ge3A_182, %lt3A_185 : vector<16xi1>
      %jit3A_187 = arith.constant 5008 : i32
      %broadcast_in_dim3A_188 = vector.broadcast %jit3A_187 : i32 to vector<16xi32>
      %select_n3A_189 = arith.select %and3A_186, %sub3A_179, %broadcast_in_dim3A_188 : vector<16xi1>, vector<16xi32>
      %swap3A_190 = arith.constant 112 : index
      %swap3A_191 = tpu.vector_load %arg9[%swap3A_190] {strides = array<i32>} : memref<128xi32, #tpu.memory_space<vmem>>, vector<16xi32>,
      %swap3A_192 = vector.shape_cast %swap3A_191 : vector<16xi32> to vector<16xi32>
      %swap3A_193 = vector.shape_cast %select_n3A_189 : vector<16xi32> to vector<16xi32>
      tpu.vector_store %arg9[%swap3A_190], %swap3A_193 {strides = array<i32>} : memref<128xi32, #tpu.memory_space<vmem>>, vector<16xi32>,
      %dma_wait3A = arith.constant 0 : i32
      %dma_wait3A_194 = arith.constant 0 : i32
      %dma_wait3A_195 = tpu.memref_slice %arg2[%dma_wait3A, %dma_wait3A_194] : memref<10000x128xf32, #tpu.memory_space<hbm>> -> memref<10000x128xf32, #tpu.memory_space<hbm>>
      tpu.wait_indirect_dma semaphore(%arg14 : memref<!tpu.dma_semaphore, #tpu.memory_space<semaphore_mem>>) src(%dma_wait3A_195 : memref<10000x128xf32, #tpu.memory_space<hbm>>) dst(%arg10 : memref<128x128xf32, #tpu.memory_space<vmem>>)
      %dma_start3A_196 = arith.constant 0 : i32
      %dma_start3A_197 = arith.constant 0 : i32
      %dma_start3A_198 = tpu.memref_slice %arg7[%dma_start3A_196, %dma_start3A_197] : memref<5016x128xf32, #tpu.memory_space<vmem_shared>> -> memref<5016x128xf32, #tpu.memory_space<vmem_shared>>
      tpu.enqueue_indirect_dma source(%arg10 : memref<128x128xf32, #tpu.memory_space<vmem>>) target(%dma_start3A_198 : memref<5016x128xf32, #tpu.memory_space<vmem_shared>>) offsets(%arg9 : memref<128xi32, #tpu.memory_space<vmem>>) semaphore(%arg14 : memref<!tpu.dma_semaphore, #tpu.memory_space<semaphore_mem>>) {add = true}
      %dma_start3A_199 = arith.constant 0 : i32
      %dma_start3A_200 = arith.constant 0 : i32
      %dma_start3A_201 = tpu.memref_slice %arg12[%dma_start3A_199, %dma_start3A_200] : memref<5016x128xf32, #tpu.memory_space<vmem_shared>> -> memref<5016x128xf32, #tpu.memory_space<vmem_shared>>
      tpu.enqueue_indirect_dma source(%arg13 : memref<128x128xf32, #tpu.memory_space<vmem>>) target(%dma_start3A_201 : memref<5016x128xf32, #tpu.memory_space<vmem_shared>>) offsets(%arg9 : memref<128xi32, #tpu.memory_space<vmem>>) semaphore(%arg14 : memref<!tpu.dma_semaphore, #tpu.memory_space<semaphore_mem>>) {add = true}
      %dma_wait3A_202 = arith.constant 0 : i32
      %dma_wait3A_203 = arith.constant 0 : i32
      %dma_wait3A_204 = tpu.memref_slice %arg7[%dma_wait3A_202, %dma_wait3A_203] : memref<5016x128xf32, #tpu.memory_space<vmem_shared>> -> memref<5016x128xf32, #tpu.memory_space<vmem_shared>>
      tpu.wait_indirect_dma semaphore(%arg14 : memref<!tpu.dma_semaphore, #tpu.memory_space<semaphore_mem>>) src(%arg10 : memref<128x128xf32, #tpu.memory_space<vmem>>) dst(%dma_wait3A_204 : memref<5016x128xf32, #tpu.memory_space<vmem_shared>>)
      %dma_wait3A_205 = arith.constant 0 : i32
      %dma_wait3A_206 = arith.constant 0 : i32
      %dma_wait3A_207 = tpu.memref_slice %arg12[%dma_wait3A_205, %dma_wait3A_206] : memref<5016x128xf32, #tpu.memory_space<vmem_shared>> -> memref<5016x128xf32, #tpu.memory_space<vmem_shared>>
      tpu.wait_indirect_dma semaphore(%arg14 : memref<!tpu.dma_semaphore, #tpu.memory_space<semaphore_mem>>) src(%arg13 : memref<128x128xf32, #tpu.memory_space<vmem>>) dst(%dma_wait3A_207 : memref<5016x128xf32, #tpu.memory_space<vmem_shared>>)
      %scan3A_208 = arith.constant 0 : i32
      scf.yield %scan3A_208 : i32
    }
    %scan3A_36 = arith.constant 157 : i32
    %barrier3A_37 = arith.constant 0 : index
    tpu.barrier barrier_id(%barrier3A_37)
    %mul3A_38 = arith.constant 313 : i32
    %mul3A_39 = arith.muli %arg1, %mul3A_38 : i32
    "tpu.region"() ({
      %run_scoped3A = tpu.sem_alloc : memref<!tpu.dma_semaphore, #tpu.memory_space<semaphore_mem>>
      %dma_start3A = arith.constant 0 : i32
      %dma_start3A_42 = arith.constant 0 : i32
      %dma_start3A_43 = tpu.memref_slice %arg5[%arg0, %arg1, %dma_start3A, %dma_start3A_42] : memref<2x16x313x128xf32, #tpu.memory_space<hbm>> -> memref<1x1x313x128xf32, #tpu.memory_space<hbm>>
      %dma_start3A_44 = tpu.memref_squeeze %dma_start3A_43 : memref<1x1x313x128xf32, #tpu.memory_space<hbm>> -> memref<313x128xf32, #tpu.memory_space<hbm>>
      %dma_start3A_45 = arith.constant 0 : i32
      %dma_start3A_46 = tpu.memref_slice %arg7[%mul3A_39, %dma_start3A_45] : memref<5016x128xf32, #tpu.memory_space<vmem_shared>> -> memref<313x128xf32, #tpu.memory_space<vmem_shared>>
      tpu.enqueue_dma source(%dma_start3A_46 : memref<313x128xf32, #tpu.memory_space<vmem_shared>>) target(%dma_start3A_44 : memref<313x128xf32, #tpu.memory_space<hbm>>) target_semaphore(%run_scoped3A : memref<!tpu.dma_semaphore, #tpu.memory_space<semaphore_mem>>)
      %dma_wait3A = arith.constant 0 : i32
      %dma_wait3A_47 = arith.constant 0 : i32
      %dma_wait3A_48 = tpu.memref_slice %arg5[%arg0, %arg1, %dma_wait3A, %dma_wait3A_47] : memref<2x16x313x128xf32, #tpu.memory_space<hbm>> -> memref<1x1x313x128xf32, #tpu.memory_space<hbm>>
      %dma_wait3A_49 = tpu.memref_squeeze %dma_wait3A_48 : memref<1x1x313x128xf32, #tpu.memory_space<hbm>> -> memref<313x128xf32, #tpu.memory_space<hbm>>
      %dma_wait3A_50 = arith.constant 0 : i32
      %dma_wait3A_51 = tpu.memref_slice %arg7[%mul3A_39, %dma_wait3A_50] : memref<5016x128xf32, #tpu.memory_space<vmem_shared>> -> memref<313x128xf32, #tpu.memory_space<vmem_shared>>
      tpu.wait_dma2 semaphore(%run_scoped3A : memref<!tpu.dma_semaphore, #tpu.memory_space<semaphore_mem>>) src(%dma_wait3A_51 : memref<313x128xf32, #tpu.memory_space<vmem_shared>>) dst(%dma_wait3A_49 : memref<313x128xf32, #tpu.memory_space<hbm>>)
      tpu.yield
    }) : () -> ()
    %mul3A_40 = arith.constant 313 : i32
    %mul3A_41 = arith.muli %arg1, %mul3A_40 : i32
    "tpu.region"() ({
      %run_scoped3A = tpu.sem_alloc : memref<!tpu.dma_semaphore, #tpu.memory_space<semaphore_mem>>
      %dma_start3A = arith.constant 0 : i32
      %dma_start3A_42 = arith.constant 0 : i32
      %dma_start3A_43 = tpu.memref_slice %arg6[%arg0, %arg1, %dma_start3A, %dma_start3A_42] : memref<2x16x313x128xf32, #tpu.memory_space<hbm>> -> memref<1x1x313x128xf32, #tpu.memory_space<hbm>>
      %dma_start3A_44 = tpu.memref_squeeze %dma_start3A_43 : memref<1x1x313x128xf32, #tpu.memory_space<hbm>> -> memref<313x128xf32, #tpu.memory_space<hbm>>
      %dma_start3A_45 = arith.constant 0 : i32
      %dma_start3A_46 = tpu.memref_slice %arg12[%mul3A_41, %dma_start3A_45] : memref<5016x128xf32, #tpu.memory_space<vmem_shared>> -> memref<313x128xf32, #tpu.memory_space<vmem_shared>>
      tpu.enqueue_dma source(%dma_start3A_46 : memref<313x128xf32, #tpu.memory_space<vmem_shared>>) target(%dma_start3A_44 : memref<313x128xf32, #tpu.memory_space<hbm>>) target_semaphore(%run_scoped3A : memref<!tpu.dma_semaphore, #tpu.memory_space<semaphore_mem>>)
      %dma_wait3A = arith.constant 0 : i32
      %dma_wait3A_47 = arith.constant 0 : i32
      %dma_wait3A_48 = tpu.memref_slice %arg6[%arg0, %arg1, %dma_wait3A, %dma_wait3A_47] : memref<2x16x313x128xf32, #tpu.memory_space<hbm>> -> memref<1x1x313x128xf32, #tpu.memory_space<hbm>>
      %dma_wait3A_49 = tpu.memref_squeeze %dma_wait3A_48 : memref<1x1x313x128xf32, #tpu.memory_space<hbm>> -> memref<313x128xf32, #tpu.memory_space<hbm>>
      %dma_wait3A_50 = arith.constant 0 : i32
      %dma_wait3A_51 = tpu.memref_slice %arg12[%mul3A_41, %dma_wait3A_50] : memref<5016x128xf32, #tpu.memory_space<vmem_shared>> -> memref<313x128xf32, #tpu.memory_space<vmem_shared>>
      tpu.wait_dma2 semaphore(%run_scoped3A : memref<!tpu.dma_semaphore, #tpu.memory_space<semaphore_mem>>) src(%dma_wait3A_51 : memref<313x128xf32, #tpu.memory_space<vmem_shared>>) dst(%dma_wait3A_49 : memref<313x128xf32, #tpu.memory_space<hbm>>)
      tpu.yield
    }) : () -> ()
    return
  }
}

#map = affine_map<(d0, d1) -> (0, 0)>
#map1 = affine_map<(d0, d1) -> (0)>
#map2 = affine_map<(d0, d1) -> (0, 0, 0, 0)>
module attributes {stable_mosaic.version = 14 : i64} {
  func.func @sc_agg(%arg0: i32, %arg1: i32, %arg2: memref<10000x128xf32, #tpu.memory_space<hbm>>, %arg3: memref<321536xi32, #tpu.memory_space<hbm>>, %arg4: memref<321536xi32, #tpu.memory_space<hbm>>, %arg5: memref<2x16x313x128xf32, #tpu.memory_space<hbm>>, %arg6: memref<5016x128xf32, #tpu.memory_space<vmem_shared>>, %arg7: memref<128xi32, #tpu.memory_space<vmem>>, %arg8: memref<128xi32, #tpu.memory_space<vmem>>, %arg9: memref<128x128xf32, #tpu.memory_space<vmem>>, %arg10: memref<128x128xf32, #tpu.memory_space<vmem>>, %arg11: memref<!tpu.dma_semaphore, #tpu.memory_space<semaphore_mem>>) attributes {dimension_semantics = [#tpu.dimension_semantics<core_parallel>, #tpu.dimension_semantics<subcore_parallel>], iteration_bounds = array<i64: 2, 16>, scalar_prefetch = 0 : i64, scratch_operands = 6 : i64, tpu.core_type = #tpu.core_type<sc_vector_subcore>, window_params = [{transform_indices = #map}, {transform_indices = #map1}, {transform_indices = #map1}, {transform_indices = #map2}]} {
    %scan3A = arith.constant 0 : i32
    %scan3A_0 = arith.constant 0 : i32
    %scan3A_1 = arith.constant 128 : i32
    %scan3A_2 = arith.addi %scan3A_0, %scan3A_1 : i32
    %scan3A_3 = arith.constant 1 : i32
    %scan3A_4 = scf.for %scan3A_28 = %scan3A_0 to %scan3A_2 step %scan3A_3 iter_args(%scan3A_29 = %scan3A) -> (i32)  : i32 {
      %broadcast_in_dim3A = arith.constant 0.000000e+00 : f32
      %broadcast_in_dim3A_30 = vector.broadcast %broadcast_in_dim3A : f32 to vector<16xf32>
      %swap3A = arith.index_cast %scan3A_28 : i32 to index
      %swap3A_31 = arith.constant 0 : index
      %swap3A_32 = tpu.vector_load %arg10[%swap3A, %swap3A_31] {strides = array<i32>} : memref<128x128xf32, #tpu.memory_space<vmem>>, vector<1x16xf32>,
      %swap3A_33 = vector.shape_cast %swap3A_32 : vector<1x16xf32> to vector<16xf32>
      %swap3A_34 = vector.shape_cast %broadcast_in_dim3A_30 : vector<16xf32> to vector<1x16xf32>
      tpu.vector_store %arg10[%swap3A, %swap3A_31], %swap3A_34 {strides = array<i32>} : memref<128x128xf32, #tpu.memory_space<vmem>>, vector<1x16xf32>,
      %broadcast_in_dim3A_35 = arith.constant 0.000000e+00 : f32
      %broadcast_in_dim3A_36 = vector.broadcast %broadcast_in_dim3A_35 : f32 to vector<16xf32>
      %swap3A_37 = arith.index_cast %scan3A_28 : i32 to index
      %swap3A_38 = arith.constant 16 : index
      %swap3A_39 = tpu.vector_load %arg10[%swap3A_37, %swap3A_38] {strides = array<i32>} : memref<128x128xf32, #tpu.memory_space<vmem>>, vector<1x16xf32>,
      %swap3A_40 = vector.shape_cast %swap3A_39 : vector<1x16xf32> to vector<16xf32>
      %swap3A_41 = vector.shape_cast %broadcast_in_dim3A_36 : vector<16xf32> to vector<1x16xf32>
      tpu.vector_store %arg10[%swap3A_37, %swap3A_38], %swap3A_41 {strides = array<i32>} : memref<128x128xf32, #tpu.memory_space<vmem>>, vector<1x16xf32>,
      %broadcast_in_dim3A_42 = arith.constant 0.000000e+00 : f32
      %broadcast_in_dim3A_43 = vector.broadcast %broadcast_in_dim3A_42 : f32 to vector<16xf32>
      %swap3A_44 = arith.index_cast %scan3A_28 : i32 to index
      %swap3A_45 = arith.constant 32 : index
      %swap3A_46 = tpu.vector_load %arg10[%swap3A_44, %swap3A_45] {strides = array<i32>} : memref<128x128xf32, #tpu.memory_space<vmem>>, vector<1x16xf32>,
      %swap3A_47 = vector.shape_cast %swap3A_46 : vector<1x16xf32> to vector<16xf32>
      %swap3A_48 = vector.shape_cast %broadcast_in_dim3A_43 : vector<16xf32> to vector<1x16xf32>
      tpu.vector_store %arg10[%swap3A_44, %swap3A_45], %swap3A_48 {strides = array<i32>} : memref<128x128xf32, #tpu.memory_space<vmem>>, vector<1x16xf32>,
      %broadcast_in_dim3A_49 = arith.constant 0.000000e+00 : f32
      %broadcast_in_dim3A_50 = vector.broadcast %broadcast_in_dim3A_49 : f32 to vector<16xf32>
      %swap3A_51 = arith.index_cast %scan3A_28 : i32 to index
      %swap3A_52 = arith.constant 48 : index
      %swap3A_53 = tpu.vector_load %arg10[%swap3A_51, %swap3A_52] {strides = array<i32>} : memref<128x128xf32, #tpu.memory_space<vmem>>, vector<1x16xf32>,
      %swap3A_54 = vector.shape_cast %swap3A_53 : vector<1x16xf32> to vector<16xf32>
      %swap3A_55 = vector.shape_cast %broadcast_in_dim3A_50 : vector<16xf32> to vector<1x16xf32>
      tpu.vector_store %arg10[%swap3A_51, %swap3A_52], %swap3A_55 {strides = array<i32>} : memref<128x128xf32, #tpu.memory_space<vmem>>, vector<1x16xf32>,
      %broadcast_in_dim3A_56 = arith.constant 0.000000e+00 : f32
      %broadcast_in_dim3A_57 = vector.broadcast %broadcast_in_dim3A_56 : f32 to vector<16xf32>
      %swap3A_58 = arith.index_cast %scan3A_28 : i32 to index
      %swap3A_59 = arith.constant 64 : index
      %swap3A_60 = tpu.vector_load %arg10[%swap3A_58, %swap3A_59] {strides = array<i32>} : memref<128x128xf32, #tpu.memory_space<vmem>>, vector<1x16xf32>,
      %swap3A_61 = vector.shape_cast %swap3A_60 : vector<1x16xf32> to vector<16xf32>
      %swap3A_62 = vector.shape_cast %broadcast_in_dim3A_57 : vector<16xf32> to vector<1x16xf32>
      tpu.vector_store %arg10[%swap3A_58, %swap3A_59], %swap3A_62 {strides = array<i32>} : memref<128x128xf32, #tpu.memory_space<vmem>>, vector<1x16xf32>,
      %broadcast_in_dim3A_63 = arith.constant 0.000000e+00 : f32
      %broadcast_in_dim3A_64 = vector.broadcast %broadcast_in_dim3A_63 : f32 to vector<16xf32>
      %swap3A_65 = arith.index_cast %scan3A_28 : i32 to index
      %swap3A_66 = arith.constant 80 : index
      %swap3A_67 = tpu.vector_load %arg10[%swap3A_65, %swap3A_66] {strides = array<i32>} : memref<128x128xf32, #tpu.memory_space<vmem>>, vector<1x16xf32>,
      %swap3A_68 = vector.shape_cast %swap3A_67 : vector<1x16xf32> to vector<16xf32>
      %swap3A_69 = vector.shape_cast %broadcast_in_dim3A_64 : vector<16xf32> to vector<1x16xf32>
      tpu.vector_store %arg10[%swap3A_65, %swap3A_66], %swap3A_69 {strides = array<i32>} : memref<128x128xf32, #tpu.memory_space<vmem>>, vector<1x16xf32>,
      %broadcast_in_dim3A_70 = arith.constant 0.000000e+00 : f32
      %broadcast_in_dim3A_71 = vector.broadcast %broadcast_in_dim3A_70 : f32 to vector<16xf32>
      %swap3A_72 = arith.index_cast %scan3A_28 : i32 to index
      %swap3A_73 = arith.constant 96 : index
      %swap3A_74 = tpu.vector_load %arg10[%swap3A_72, %swap3A_73] {strides = array<i32>} : memref<128x128xf32, #tpu.memory_space<vmem>>, vector<1x16xf32>,
      %swap3A_75 = vector.shape_cast %swap3A_74 : vector<1x16xf32> to vector<16xf32>
      %swap3A_76 = vector.shape_cast %broadcast_in_dim3A_71 : vector<16xf32> to vector<1x16xf32>
      tpu.vector_store %arg10[%swap3A_72, %swap3A_73], %swap3A_76 {strides = array<i32>} : memref<128x128xf32, #tpu.memory_space<vmem>>, vector<1x16xf32>,
      %broadcast_in_dim3A_77 = arith.constant 0.000000e+00 : f32
      %broadcast_in_dim3A_78 = vector.broadcast %broadcast_in_dim3A_77 : f32 to vector<16xf32>
      %swap3A_79 = arith.index_cast %scan3A_28 : i32 to index
      %swap3A_80 = arith.constant 112 : index
      %swap3A_81 = tpu.vector_load %arg10[%swap3A_79, %swap3A_80] {strides = array<i32>} : memref<128x128xf32, #tpu.memory_space<vmem>>, vector<1x16xf32>,
      %swap3A_82 = vector.shape_cast %swap3A_81 : vector<1x16xf32> to vector<16xf32>
      %swap3A_83 = vector.shape_cast %broadcast_in_dim3A_78 : vector<16xf32> to vector<1x16xf32>
      tpu.vector_store %arg10[%swap3A_79, %swap3A_80], %swap3A_83 {strides = array<i32>} : memref<128x128xf32, #tpu.memory_space<vmem>>, vector<1x16xf32>,
      %scan3A_84 = arith.constant 0 : i32
      scf.yield %scan3A_84 : i32
    }
    %scan3A_5 = arith.constant 128 : i32
    %mul3A = arith.constant 313 : i32
    %mul3A_6 = arith.muli %arg1, %mul3A : i32
    %add3A = arith.constant 0 : i32
    %add3A_7 = arith.addi %mul3A_6, %add3A : i32
    "tpu.region"() ({
      %run_scoped3A = tpu.sem_alloc : memref<!tpu.dma_semaphore, #tpu.memory_space<semaphore_mem>>
      %dma_start3A = arith.constant 0 : i32
      %dma_start3A_28 = tpu.memref_slice %arg6[%add3A_7, %dma_start3A] : memref<5016x128xf32, #tpu.memory_space<vmem_shared>> -> memref<128x128xf32, #tpu.memory_space<vmem_shared>>
      %dma_start3A_29 = arith.constant 0 : i32
      %dma_start3A_30 = tpu.memref_slice %arg6[%add3A_7, %dma_start3A_29] : memref<5016x128xf32, #tpu.memory_space<vmem_shared>> -> memref<128x128xf32, #tpu.memory_space<vmem_shared>>
      tpu.enqueue_dma source(%arg10 : memref<128x128xf32, #tpu.memory_space<vmem>>) target(%dma_start3A_30 : memref<128x128xf32, #tpu.memory_space<vmem_shared>>) target_semaphore(%run_scoped3A : memref<!tpu.dma_semaphore, #tpu.memory_space<semaphore_mem>>)
      %dma_wait3A = arith.constant 0 : i32
      %dma_wait3A_31 = tpu.memref_slice %arg6[%add3A_7, %dma_wait3A] : memref<5016x128xf32, #tpu.memory_space<vmem_shared>> -> memref<128x128xf32, #tpu.memory_space<vmem_shared>>
      %dma_wait3A_32 = arith.constant 0 : i32
      %dma_wait3A_33 = tpu.memref_slice %arg6[%add3A_7, %dma_wait3A_32] : memref<5016x128xf32, #tpu.memory_space<vmem_shared>> -> memref<128x128xf32, #tpu.memory_space<vmem_shared>>
      tpu.wait_dma2 semaphore(%run_scoped3A : memref<!tpu.dma_semaphore, #tpu.memory_space<semaphore_mem>>) src(%arg10 : memref<128x128xf32, #tpu.memory_space<vmem>>) dst(%dma_wait3A_33 : memref<128x128xf32, #tpu.memory_space<vmem_shared>>)
      tpu.yield
    }) : () -> ()
    %mul3A_8 = arith.constant 313 : i32
    %mul3A_9 = arith.muli %arg1, %mul3A_8 : i32
    %add3A_10 = arith.constant 128 : i32
    %add3A_11 = arith.addi %mul3A_9, %add3A_10 : i32
    "tpu.region"() ({
      %run_scoped3A = tpu.sem_alloc : memref<!tpu.dma_semaphore, #tpu.memory_space<semaphore_mem>>
      %dma_start3A = arith.constant 0 : i32
      %dma_start3A_28 = tpu.memref_slice %arg6[%add3A_11, %dma_start3A] : memref<5016x128xf32, #tpu.memory_space<vmem_shared>> -> memref<128x128xf32, #tpu.memory_space<vmem_shared>>
      %dma_start3A_29 = arith.constant 0 : i32
      %dma_start3A_30 = tpu.memref_slice %arg6[%add3A_11, %dma_start3A_29] : memref<5016x128xf32, #tpu.memory_space<vmem_shared>> -> memref<128x128xf32, #tpu.memory_space<vmem_shared>>
      tpu.enqueue_dma source(%arg10 : memref<128x128xf32, #tpu.memory_space<vmem>>) target(%dma_start3A_30 : memref<128x128xf32, #tpu.memory_space<vmem_shared>>) target_semaphore(%run_scoped3A : memref<!tpu.dma_semaphore, #tpu.memory_space<semaphore_mem>>)
      %dma_wait3A = arith.constant 0 : i32
      %dma_wait3A_31 = tpu.memref_slice %arg6[%add3A_11, %dma_wait3A] : memref<5016x128xf32, #tpu.memory_space<vmem_shared>> -> memref<128x128xf32, #tpu.memory_space<vmem_shared>>
      %dma_wait3A_32 = arith.constant 0 : i32
      %dma_wait3A_33 = tpu.memref_slice %arg6[%add3A_11, %dma_wait3A_32] : memref<5016x128xf32, #tpu.memory_space<vmem_shared>> -> memref<128x128xf32, #tpu.memory_space<vmem_shared>>
      tpu.wait_dma2 semaphore(%run_scoped3A : memref<!tpu.dma_semaphore, #tpu.memory_space<semaphore_mem>>) src(%arg10 : memref<128x128xf32, #tpu.memory_space<vmem>>) dst(%dma_wait3A_33 : memref<128x128xf32, #tpu.memory_space<vmem_shared>>)
      tpu.yield
    }) : () -> ()
    %mul3A_12 = arith.constant 313 : i32
    %mul3A_13 = arith.muli %arg1, %mul3A_12 : i32
    %add3A_14 = arith.constant 256 : i32
    %add3A_15 = arith.addi %mul3A_13, %add3A_14 : i32
    "tpu.region"() ({
      %run_scoped3A = tpu.sem_alloc : memref<!tpu.dma_semaphore, #tpu.memory_space<semaphore_mem>>
      %dma_start3A = arith.constant 0 : i32
      %dma_start3A_28 = arith.constant 0 : i32
      %dma_start3A_29 = tpu.memref_slice %arg10[%dma_start3A, %dma_start3A_28] : memref<128x128xf32, #tpu.memory_space<vmem>> -> memref<57x128xf32, #tpu.memory_space<vmem>>
      %dma_start3A_30 = arith.constant 0 : i32
      %dma_start3A_31 = tpu.memref_slice %arg6[%add3A_15, %dma_start3A_30] : memref<5016x128xf32, #tpu.memory_space<vmem_shared>> -> memref<57x128xf32, #tpu.memory_space<vmem_shared>>
      %dma_start3A_32 = arith.constant 0 : i32
      %dma_start3A_33 = tpu.memref_slice %arg6[%add3A_15, %dma_start3A_32] : memref<5016x128xf32, #tpu.memory_space<vmem_shared>> -> memref<57x128xf32, #tpu.memory_space<vmem_shared>>
      %dma_start3A_34 = arith.constant 0 : i32
      %dma_start3A_35 = arith.constant 0 : i32
      %dma_start3A_36 = tpu.memref_slice %arg10[%dma_start3A_34, %dma_start3A_35] : memref<128x128xf32, #tpu.memory_space<vmem>> -> memref<57x128xf32, #tpu.memory_space<vmem>>
      tpu.enqueue_dma source(%dma_start3A_36 : memref<57x128xf32, #tpu.memory_space<vmem>>) target(%dma_start3A_33 : memref<57x128xf32, #tpu.memory_space<vmem_shared>>) target_semaphore(%run_scoped3A : memref<!tpu.dma_semaphore, #tpu.memory_space<semaphore_mem>>)
      %dma_wait3A = arith.constant 0 : i32
      %dma_wait3A_37 = arith.constant 0 : i32
      %dma_wait3A_38 = tpu.memref_slice %arg10[%dma_wait3A, %dma_wait3A_37] : memref<128x128xf32, #tpu.memory_space<vmem>> -> memref<57x128xf32, #tpu.memory_space<vmem>>
      %dma_wait3A_39 = arith.constant 0 : i32
      %dma_wait3A_40 = tpu.memref_slice %arg6[%add3A_15, %dma_wait3A_39] : memref<5016x128xf32, #tpu.memory_space<vmem_shared>> -> memref<57x128xf32, #tpu.memory_space<vmem_shared>>
      %dma_wait3A_41 = arith.constant 0 : i32
      %dma_wait3A_42 = tpu.memref_slice %arg6[%add3A_15, %dma_wait3A_41] : memref<5016x128xf32, #tpu.memory_space<vmem_shared>> -> memref<57x128xf32, #tpu.memory_space<vmem_shared>>
      %dma_wait3A_43 = arith.constant 0 : i32
      %dma_wait3A_44 = arith.constant 0 : i32
      %dma_wait3A_45 = tpu.memref_slice %arg10[%dma_wait3A_43, %dma_wait3A_44] : memref<128x128xf32, #tpu.memory_space<vmem>> -> memref<57x128xf32, #tpu.memory_space<vmem>>
      tpu.wait_dma2 semaphore(%run_scoped3A : memref<!tpu.dma_semaphore, #tpu.memory_space<semaphore_mem>>) src(%dma_wait3A_45 : memref<57x128xf32, #tpu.memory_space<vmem>>) dst(%dma_wait3A_42 : memref<57x128xf32, #tpu.memory_space<vmem_shared>>)
      tpu.yield
    }) : () -> ()
    %barrier3A = arith.constant 0 : index
    tpu.barrier barrier_id(%barrier3A)
    %mul3A_16 = arith.constant 5008 : i32
    %mul3A_17 = arith.muli %arg0, %mul3A_16 : i32
    %scan3A_18 = arith.constant 0 : i32
    %scan3A_19 = arith.constant 0 : i32
    %scan3A_20 = arith.constant 157 : i32
    %scan3A_21 = arith.addi %scan3A_19, %scan3A_20 : i32
    %scan3A_22 = arith.constant 1 : i32
    %scan3A_23 = scf.for %scan3A_28 = %scan3A_19 to %scan3A_21 step %scan3A_22 iter_args(%scan3A_29 = %scan3A_18) -> (i32)  : i32 {
      %mul3A_30 = arith.constant 157 : i32
      %mul3A_31 = arith.muli %arg1, %mul3A_30 : i32
      %add3A_32 = arith.addi %mul3A_31, %scan3A_28 : i32
      %mul3A_33 = arith.constant 128 : i32
      %mul3A_34 = arith.muli %add3A_32, %mul3A_33 : i32
      "tpu.region"() ({
        %run_scoped3A = tpu.sem_alloc : memref<!tpu.dma_semaphore, #tpu.memory_space<semaphore_mem>>
        %dma_start3A_183 = tpu.memref_slice %arg3[%mul3A_34] : memref<321536xi32, #tpu.memory_space<hbm>> -> memref<128xi32, #tpu.memory_space<hbm>>
        %dma_start3A_184 = tpu.memref_slice %arg3[%mul3A_34] : memref<321536xi32, #tpu.memory_space<hbm>> -> memref<128xi32, #tpu.memory_space<hbm>>
        tpu.enqueue_dma source(%dma_start3A_184 : memref<128xi32, #tpu.memory_space<hbm>>) target(%arg7 : memref<128xi32, #tpu.memory_space<vmem>>) target_semaphore(%run_scoped3A : memref<!tpu.dma_semaphore, #tpu.memory_space<semaphore_mem>>)
        %dma_wait3A_185 = tpu.memref_slice %arg3[%mul3A_34] : memref<321536xi32, #tpu.memory_space<hbm>> -> memref<128xi32, #tpu.memory_space<hbm>>
        %dma_wait3A_186 = tpu.memref_slice %arg3[%mul3A_34] : memref<321536xi32, #tpu.memory_space<hbm>> -> memref<128xi32, #tpu.memory_space<hbm>>
        tpu.wait_dma2 semaphore(%run_scoped3A : memref<!tpu.dma_semaphore, #tpu.memory_space<semaphore_mem>>) src(%dma_wait3A_186 : memref<128xi32, #tpu.memory_space<hbm>>) dst(%arg7 : memref<128xi32, #tpu.memory_space<vmem>>)
        tpu.yield
      }) : () -> ()
      "tpu.region"() ({
        %run_scoped3A = tpu.sem_alloc : memref<!tpu.dma_semaphore, #tpu.memory_space<semaphore_mem>>
        %dma_start3A_183 = tpu.memref_slice %arg4[%mul3A_34] : memref<321536xi32, #tpu.memory_space<hbm>> -> memref<128xi32, #tpu.memory_space<hbm>>
        %dma_start3A_184 = tpu.memref_slice %arg4[%mul3A_34] : memref<321536xi32, #tpu.memory_space<hbm>> -> memref<128xi32, #tpu.memory_space<hbm>>
        tpu.enqueue_dma source(%dma_start3A_184 : memref<128xi32, #tpu.memory_space<hbm>>) target(%arg8 : memref<128xi32, #tpu.memory_space<vmem>>) target_semaphore(%run_scoped3A : memref<!tpu.dma_semaphore, #tpu.memory_space<semaphore_mem>>)
        %dma_wait3A_185 = tpu.memref_slice %arg4[%mul3A_34] : memref<321536xi32, #tpu.memory_space<hbm>> -> memref<128xi32, #tpu.memory_space<hbm>>
        %dma_wait3A_186 = tpu.memref_slice %arg4[%mul3A_34] : memref<321536xi32, #tpu.memory_space<hbm>> -> memref<128xi32, #tpu.memory_space<hbm>>
        tpu.wait_dma2 semaphore(%run_scoped3A : memref<!tpu.dma_semaphore, #tpu.memory_space<semaphore_mem>>) src(%dma_wait3A_186 : memref<128xi32, #tpu.memory_space<hbm>>) dst(%arg8 : memref<128xi32, #tpu.memory_space<vmem>>)
        tpu.yield
      }) : () -> ()
      %dma_start3A = arith.constant 0 : i32
      %dma_start3A_35 = arith.constant 0 : i32
      %dma_start3A_36 = tpu.memref_slice %arg2[%dma_start3A, %dma_start3A_35] : memref<10000x128xf32, #tpu.memory_space<hbm>> -> memref<10000x128xf32, #tpu.memory_space<hbm>>
      tpu.enqueue_indirect_dma source(%dma_start3A_36 : memref<10000x128xf32, #tpu.memory_space<hbm>>) target(%arg9 : memref<128x128xf32, #tpu.memory_space<vmem>>) offsets(%arg7 : memref<128xi32, #tpu.memory_space<vmem>>) semaphore(%arg11 : memref<!tpu.dma_semaphore, #tpu.memory_space<semaphore_mem>>)
      %get3A = arith.constant 0 : index
      %get3A_37 = tpu.vector_load %arg8[%get3A] {strides = array<i32>} : memref<128xi32, #tpu.memory_space<vmem>>, vector<16xi32>,
      %get3A_38 = vector.shape_cast %get3A_37 : vector<16xi32> to vector<16xi32>
      %sub3A = vector.broadcast %mul3A_17 : i32 to vector<16xi32>
      %sub3A_39 = arith.subi %get3A_38, %sub3A : vector<16xi32>
      %ge3A = arith.constant 0 : i32
      %ge3A_40 = vector.broadcast %ge3A : i32 to vector<16xi32>
      %ge3A_41 = arith.cmpi sge, %sub3A_39, %ge3A_40 : vector<16xi32>
      %lt3A = arith.constant 5008 : i32
      %lt3A_42 = vector.broadcast %lt3A : i32 to vector<16xi32>
      %lt3A_43 = arith.cmpi slt, %sub3A_39, %lt3A_42 : vector<16xi32>
      %and3A = arith.andi %ge3A_41, %lt3A_43 : vector<16xi1>
      %jit3A = arith.constant 5008 : i32
      %broadcast_in_dim3A = vector.broadcast %jit3A : i32 to vector<16xi32>
      %select_n3A = arith.select %and3A, %sub3A_39, %broadcast_in_dim3A : vector<16xi1>, vector<16xi32>
      %swap3A = arith.constant 0 : index
      %swap3A_44 = tpu.vector_load %arg8[%swap3A] {strides = array<i32>} : memref<128xi32, #tpu.memory_space<vmem>>, vector<16xi32>,
      %swap3A_45 = vector.shape_cast %swap3A_44 : vector<16xi32> to vector<16xi32>
      %swap3A_46 = vector.shape_cast %select_n3A : vector<16xi32> to vector<16xi32>
      tpu.vector_store %arg8[%swap3A], %swap3A_46 {strides = array<i32>} : memref<128xi32, #tpu.memory_space<vmem>>, vector<16xi32>,
      %get3A_47 = arith.constant 16 : index
      %get3A_48 = tpu.vector_load %arg8[%get3A_47] {strides = array<i32>} : memref<128xi32, #tpu.memory_space<vmem>>, vector<16xi32>,
      %get3A_49 = vector.shape_cast %get3A_48 : vector<16xi32> to vector<16xi32>
      %sub3A_50 = vector.broadcast %mul3A_17 : i32 to vector<16xi32>
      %sub3A_51 = arith.subi %get3A_49, %sub3A_50 : vector<16xi32>
      %ge3A_52 = arith.constant 0 : i32
      %ge3A_53 = vector.broadcast %ge3A_52 : i32 to vector<16xi32>
      %ge3A_54 = arith.cmpi sge, %sub3A_51, %ge3A_53 : vector<16xi32>
      %lt3A_55 = arith.constant 5008 : i32
      %lt3A_56 = vector.broadcast %lt3A_55 : i32 to vector<16xi32>
      %lt3A_57 = arith.cmpi slt, %sub3A_51, %lt3A_56 : vector<16xi32>
      %and3A_58 = arith.andi %ge3A_54, %lt3A_57 : vector<16xi1>
      %jit3A_59 = arith.constant 5008 : i32
      %broadcast_in_dim3A_60 = vector.broadcast %jit3A_59 : i32 to vector<16xi32>
      %select_n3A_61 = arith.select %and3A_58, %sub3A_51, %broadcast_in_dim3A_60 : vector<16xi1>, vector<16xi32>
      %swap3A_62 = arith.constant 16 : index
      %swap3A_63 = tpu.vector_load %arg8[%swap3A_62] {strides = array<i32>} : memref<128xi32, #tpu.memory_space<vmem>>, vector<16xi32>,
      %swap3A_64 = vector.shape_cast %swap3A_63 : vector<16xi32> to vector<16xi32>
      %swap3A_65 = vector.shape_cast %select_n3A_61 : vector<16xi32> to vector<16xi32>
      tpu.vector_store %arg8[%swap3A_62], %swap3A_65 {strides = array<i32>} : memref<128xi32, #tpu.memory_space<vmem>>, vector<16xi32>,
      %get3A_66 = arith.constant 32 : index
      %get3A_67 = tpu.vector_load %arg8[%get3A_66] {strides = array<i32>} : memref<128xi32, #tpu.memory_space<vmem>>, vector<16xi32>,
      %get3A_68 = vector.shape_cast %get3A_67 : vector<16xi32> to vector<16xi32>
      %sub3A_69 = vector.broadcast %mul3A_17 : i32 to vector<16xi32>
      %sub3A_70 = arith.subi %get3A_68, %sub3A_69 : vector<16xi32>
      %ge3A_71 = arith.constant 0 : i32
      %ge3A_72 = vector.broadcast %ge3A_71 : i32 to vector<16xi32>
      %ge3A_73 = arith.cmpi sge, %sub3A_70, %ge3A_72 : vector<16xi32>
      %lt3A_74 = arith.constant 5008 : i32
      %lt3A_75 = vector.broadcast %lt3A_74 : i32 to vector<16xi32>
      %lt3A_76 = arith.cmpi slt, %sub3A_70, %lt3A_75 : vector<16xi32>
      %and3A_77 = arith.andi %ge3A_73, %lt3A_76 : vector<16xi1>
      %jit3A_78 = arith.constant 5008 : i32
      %broadcast_in_dim3A_79 = vector.broadcast %jit3A_78 : i32 to vector<16xi32>
      %select_n3A_80 = arith.select %and3A_77, %sub3A_70, %broadcast_in_dim3A_79 : vector<16xi1>, vector<16xi32>
      %swap3A_81 = arith.constant 32 : index
      %swap3A_82 = tpu.vector_load %arg8[%swap3A_81] {strides = array<i32>} : memref<128xi32, #tpu.memory_space<vmem>>, vector<16xi32>,
      %swap3A_83 = vector.shape_cast %swap3A_82 : vector<16xi32> to vector<16xi32>
      %swap3A_84 = vector.shape_cast %select_n3A_80 : vector<16xi32> to vector<16xi32>
      tpu.vector_store %arg8[%swap3A_81], %swap3A_84 {strides = array<i32>} : memref<128xi32, #tpu.memory_space<vmem>>, vector<16xi32>,
      %get3A_85 = arith.constant 48 : index
      %get3A_86 = tpu.vector_load %arg8[%get3A_85] {strides = array<i32>} : memref<128xi32, #tpu.memory_space<vmem>>, vector<16xi32>,
      %get3A_87 = vector.shape_cast %get3A_86 : vector<16xi32> to vector<16xi32>
      %sub3A_88 = vector.broadcast %mul3A_17 : i32 to vector<16xi32>
      %sub3A_89 = arith.subi %get3A_87, %sub3A_88 : vector<16xi32>
      %ge3A_90 = arith.constant 0 : i32
      %ge3A_91 = vector.broadcast %ge3A_90 : i32 to vector<16xi32>
      %ge3A_92 = arith.cmpi sge, %sub3A_89, %ge3A_91 : vector<16xi32>
      %lt3A_93 = arith.constant 5008 : i32
      %lt3A_94 = vector.broadcast %lt3A_93 : i32 to vector<16xi32>
      %lt3A_95 = arith.cmpi slt, %sub3A_89, %lt3A_94 : vector<16xi32>
      %and3A_96 = arith.andi %ge3A_92, %lt3A_95 : vector<16xi1>
      %jit3A_97 = arith.constant 5008 : i32
      %broadcast_in_dim3A_98 = vector.broadcast %jit3A_97 : i32 to vector<16xi32>
      %select_n3A_99 = arith.select %and3A_96, %sub3A_89, %broadcast_in_dim3A_98 : vector<16xi1>, vector<16xi32>
      %swap3A_100 = arith.constant 48 : index
      %swap3A_101 = tpu.vector_load %arg8[%swap3A_100] {strides = array<i32>} : memref<128xi32, #tpu.memory_space<vmem>>, vector<16xi32>,
      %swap3A_102 = vector.shape_cast %swap3A_101 : vector<16xi32> to vector<16xi32>
      %swap3A_103 = vector.shape_cast %select_n3A_99 : vector<16xi32> to vector<16xi32>
      tpu.vector_store %arg8[%swap3A_100], %swap3A_103 {strides = array<i32>} : memref<128xi32, #tpu.memory_space<vmem>>, vector<16xi32>,
      %get3A_104 = arith.constant 64 : index
      %get3A_105 = tpu.vector_load %arg8[%get3A_104] {strides = array<i32>} : memref<128xi32, #tpu.memory_space<vmem>>, vector<16xi32>,
      %get3A_106 = vector.shape_cast %get3A_105 : vector<16xi32> to vector<16xi32>
      %sub3A_107 = vector.broadcast %mul3A_17 : i32 to vector<16xi32>
      %sub3A_108 = arith.subi %get3A_106, %sub3A_107 : vector<16xi32>
      %ge3A_109 = arith.constant 0 : i32
      %ge3A_110 = vector.broadcast %ge3A_109 : i32 to vector<16xi32>
      %ge3A_111 = arith.cmpi sge, %sub3A_108, %ge3A_110 : vector<16xi32>
      %lt3A_112 = arith.constant 5008 : i32
      %lt3A_113 = vector.broadcast %lt3A_112 : i32 to vector<16xi32>
      %lt3A_114 = arith.cmpi slt, %sub3A_108, %lt3A_113 : vector<16xi32>
      %and3A_115 = arith.andi %ge3A_111, %lt3A_114 : vector<16xi1>
      %jit3A_116 = arith.constant 5008 : i32
      %broadcast_in_dim3A_117 = vector.broadcast %jit3A_116 : i32 to vector<16xi32>
      %select_n3A_118 = arith.select %and3A_115, %sub3A_108, %broadcast_in_dim3A_117 : vector<16xi1>, vector<16xi32>
      %swap3A_119 = arith.constant 64 : index
      %swap3A_120 = tpu.vector_load %arg8[%swap3A_119] {strides = array<i32>} : memref<128xi32, #tpu.memory_space<vmem>>, vector<16xi32>,
      %swap3A_121 = vector.shape_cast %swap3A_120 : vector<16xi32> to vector<16xi32>
      %swap3A_122 = vector.shape_cast %select_n3A_118 : vector<16xi32> to vector<16xi32>
      tpu.vector_store %arg8[%swap3A_119], %swap3A_122 {strides = array<i32>} : memref<128xi32, #tpu.memory_space<vmem>>, vector<16xi32>,
      %get3A_123 = arith.constant 80 : index
      %get3A_124 = tpu.vector_load %arg8[%get3A_123] {strides = array<i32>} : memref<128xi32, #tpu.memory_space<vmem>>, vector<16xi32>,
      %get3A_125 = vector.shape_cast %get3A_124 : vector<16xi32> to vector<16xi32>
      %sub3A_126 = vector.broadcast %mul3A_17 : i32 to vector<16xi32>
      %sub3A_127 = arith.subi %get3A_125, %sub3A_126 : vector<16xi32>
      %ge3A_128 = arith.constant 0 : i32
      %ge3A_129 = vector.broadcast %ge3A_128 : i32 to vector<16xi32>
      %ge3A_130 = arith.cmpi sge, %sub3A_127, %ge3A_129 : vector<16xi32>
      %lt3A_131 = arith.constant 5008 : i32
      %lt3A_132 = vector.broadcast %lt3A_131 : i32 to vector<16xi32>
      %lt3A_133 = arith.cmpi slt, %sub3A_127, %lt3A_132 : vector<16xi32>
      %and3A_134 = arith.andi %ge3A_130, %lt3A_133 : vector<16xi1>
      %jit3A_135 = arith.constant 5008 : i32
      %broadcast_in_dim3A_136 = vector.broadcast %jit3A_135 : i32 to vector<16xi32>
      %select_n3A_137 = arith.select %and3A_134, %sub3A_127, %broadcast_in_dim3A_136 : vector<16xi1>, vector<16xi32>
      %swap3A_138 = arith.constant 80 : index
      %swap3A_139 = tpu.vector_load %arg8[%swap3A_138] {strides = array<i32>} : memref<128xi32, #tpu.memory_space<vmem>>, vector<16xi32>,
      %swap3A_140 = vector.shape_cast %swap3A_139 : vector<16xi32> to vector<16xi32>
      %swap3A_141 = vector.shape_cast %select_n3A_137 : vector<16xi32> to vector<16xi32>
      tpu.vector_store %arg8[%swap3A_138], %swap3A_141 {strides = array<i32>} : memref<128xi32, #tpu.memory_space<vmem>>, vector<16xi32>,
      %get3A_142 = arith.constant 96 : index
      %get3A_143 = tpu.vector_load %arg8[%get3A_142] {strides = array<i32>} : memref<128xi32, #tpu.memory_space<vmem>>, vector<16xi32>,
      %get3A_144 = vector.shape_cast %get3A_143 : vector<16xi32> to vector<16xi32>
      %sub3A_145 = vector.broadcast %mul3A_17 : i32 to vector<16xi32>
      %sub3A_146 = arith.subi %get3A_144, %sub3A_145 : vector<16xi32>
      %ge3A_147 = arith.constant 0 : i32
      %ge3A_148 = vector.broadcast %ge3A_147 : i32 to vector<16xi32>
      %ge3A_149 = arith.cmpi sge, %sub3A_146, %ge3A_148 : vector<16xi32>
      %lt3A_150 = arith.constant 5008 : i32
      %lt3A_151 = vector.broadcast %lt3A_150 : i32 to vector<16xi32>
      %lt3A_152 = arith.cmpi slt, %sub3A_146, %lt3A_151 : vector<16xi32>
      %and3A_153 = arith.andi %ge3A_149, %lt3A_152 : vector<16xi1>
      %jit3A_154 = arith.constant 5008 : i32
      %broadcast_in_dim3A_155 = vector.broadcast %jit3A_154 : i32 to vector<16xi32>
      %select_n3A_156 = arith.select %and3A_153, %sub3A_146, %broadcast_in_dim3A_155 : vector<16xi1>, vector<16xi32>
      %swap3A_157 = arith.constant 96 : index
      %swap3A_158 = tpu.vector_load %arg8[%swap3A_157] {strides = array<i32>} : memref<128xi32, #tpu.memory_space<vmem>>, vector<16xi32>,
      %swap3A_159 = vector.shape_cast %swap3A_158 : vector<16xi32> to vector<16xi32>
      %swap3A_160 = vector.shape_cast %select_n3A_156 : vector<16xi32> to vector<16xi32>
      tpu.vector_store %arg8[%swap3A_157], %swap3A_160 {strides = array<i32>} : memref<128xi32, #tpu.memory_space<vmem>>, vector<16xi32>,
      %get3A_161 = arith.constant 112 : index
      %get3A_162 = tpu.vector_load %arg8[%get3A_161] {strides = array<i32>} : memref<128xi32, #tpu.memory_space<vmem>>, vector<16xi32>,
      %get3A_163 = vector.shape_cast %get3A_162 : vector<16xi32> to vector<16xi32>
      %sub3A_164 = vector.broadcast %mul3A_17 : i32 to vector<16xi32>
      %sub3A_165 = arith.subi %get3A_163, %sub3A_164 : vector<16xi32>
      %ge3A_166 = arith.constant 0 : i32
      %ge3A_167 = vector.broadcast %ge3A_166 : i32 to vector<16xi32>
      %ge3A_168 = arith.cmpi sge, %sub3A_165, %ge3A_167 : vector<16xi32>
      %lt3A_169 = arith.constant 5008 : i32
      %lt3A_170 = vector.broadcast %lt3A_169 : i32 to vector<16xi32>
      %lt3A_171 = arith.cmpi slt, %sub3A_165, %lt3A_170 : vector<16xi32>
      %and3A_172 = arith.andi %ge3A_168, %lt3A_171 : vector<16xi1>
      %jit3A_173 = arith.constant 5008 : i32
      %broadcast_in_dim3A_174 = vector.broadcast %jit3A_173 : i32 to vector<16xi32>
      %select_n3A_175 = arith.select %and3A_172, %sub3A_165, %broadcast_in_dim3A_174 : vector<16xi1>, vector<16xi32>
      %swap3A_176 = arith.constant 112 : index
      %swap3A_177 = tpu.vector_load %arg8[%swap3A_176] {strides = array<i32>} : memref<128xi32, #tpu.memory_space<vmem>>, vector<16xi32>,
      %swap3A_178 = vector.shape_cast %swap3A_177 : vector<16xi32> to vector<16xi32>
      %swap3A_179 = vector.shape_cast %select_n3A_175 : vector<16xi32> to vector<16xi32>
      tpu.vector_store %arg8[%swap3A_176], %swap3A_179 {strides = array<i32>} : memref<128xi32, #tpu.memory_space<vmem>>, vector<16xi32>,
      %dma_wait3A = arith.constant 0 : i32
      %dma_wait3A_180 = arith.constant 0 : i32
      %dma_wait3A_181 = tpu.memref_slice %arg2[%dma_wait3A, %dma_wait3A_180] : memref<10000x128xf32, #tpu.memory_space<hbm>> -> memref<10000x128xf32, #tpu.memory_space<hbm>>
      tpu.wait_indirect_dma semaphore(%arg11 : memref<!tpu.dma_semaphore, #tpu.memory_space<semaphore_mem>>) src(%dma_wait3A_181 : memref<10000x128xf32, #tpu.memory_space<hbm>>) dst(%arg9 : memref<128x128xf32, #tpu.memory_space<vmem>>)
      "tpu.region"() ({
        %run_scoped3A = tpu.sem_alloc : memref<!tpu.dma_semaphore, #tpu.memory_space<semaphore_mem>>
        %dma_start3A_183 = arith.constant 0 : i32
        %dma_start3A_184 = arith.constant 0 : i32
        %dma_start3A_185 = tpu.memref_slice %arg6[%dma_start3A_183, %dma_start3A_184] : memref<5016x128xf32, #tpu.memory_space<vmem_shared>> -> memref<5016x128xf32, #tpu.memory_space<vmem_shared>>
        tpu.enqueue_indirect_dma source(%arg9 : memref<128x128xf32, #tpu.memory_space<vmem>>) target(%dma_start3A_185 : memref<5016x128xf32, #tpu.memory_space<vmem_shared>>) offsets(%arg8 : memref<128xi32, #tpu.memory_space<vmem>>) semaphore(%run_scoped3A : memref<!tpu.dma_semaphore, #tpu.memory_space<semaphore_mem>>) {add = true}
        %dma_wait3A_186 = arith.constant 0 : i32
        %dma_wait3A_187 = arith.constant 0 : i32
        %dma_wait3A_188 = tpu.memref_slice %arg6[%dma_wait3A_186, %dma_wait3A_187] : memref<5016x128xf32, #tpu.memory_space<vmem_shared>> -> memref<5016x128xf32, #tpu.memory_space<vmem_shared>>
        tpu.wait_indirect_dma semaphore(%run_scoped3A : memref<!tpu.dma_semaphore, #tpu.memory_space<semaphore_mem>>) src(%arg9 : memref<128x128xf32, #tpu.memory_space<vmem>>) dst(%dma_wait3A_188 : memref<5016x128xf32, #tpu.memory_space<vmem_shared>>)
        tpu.yield
      }) : () -> ()
      %scan3A_182 = arith.constant 0 : i32
      scf.yield %scan3A_182 : i32
    }
    %scan3A_24 = arith.constant 157 : i32
    %barrier3A_25 = arith.constant 0 : index
    tpu.barrier barrier_id(%barrier3A_25)
    %mul3A_26 = arith.constant 313 : i32
    %mul3A_27 = arith.muli %arg1, %mul3A_26 : i32
    "tpu.region"() ({
      %run_scoped3A = tpu.sem_alloc : memref<!tpu.dma_semaphore, #tpu.memory_space<semaphore_mem>>
      %dma_start3A = arith.constant 0 : i32
      %dma_start3A_28 = arith.constant 0 : i32
      %dma_start3A_29 = tpu.memref_slice %arg5[%arg0, %arg1, %dma_start3A, %dma_start3A_28] : memref<2x16x313x128xf32, #tpu.memory_space<hbm>> -> memref<1x1x313x128xf32, #tpu.memory_space<hbm>>
      %dma_start3A_30 = tpu.memref_squeeze %dma_start3A_29 : memref<1x1x313x128xf32, #tpu.memory_space<hbm>> -> memref<313x128xf32, #tpu.memory_space<hbm>>
      %dma_start3A_31 = arith.constant 0 : i32
      %dma_start3A_32 = tpu.memref_slice %arg6[%mul3A_27, %dma_start3A_31] : memref<5016x128xf32, #tpu.memory_space<vmem_shared>> -> memref<313x128xf32, #tpu.memory_space<vmem_shared>>
      tpu.enqueue_dma source(%dma_start3A_32 : memref<313x128xf32, #tpu.memory_space<vmem_shared>>) target(%dma_start3A_30 : memref<313x128xf32, #tpu.memory_space<hbm>>) target_semaphore(%run_scoped3A : memref<!tpu.dma_semaphore, #tpu.memory_space<semaphore_mem>>)
      %dma_wait3A = arith.constant 0 : i32
      %dma_wait3A_33 = arith.constant 0 : i32
      %dma_wait3A_34 = tpu.memref_slice %arg5[%arg0, %arg1, %dma_wait3A, %dma_wait3A_33] : memref<2x16x313x128xf32, #tpu.memory_space<hbm>> -> memref<1x1x313x128xf32, #tpu.memory_space<hbm>>
      %dma_wait3A_35 = tpu.memref_squeeze %dma_wait3A_34 : memref<1x1x313x128xf32, #tpu.memory_space<hbm>> -> memref<313x128xf32, #tpu.memory_space<hbm>>
      %dma_wait3A_36 = arith.constant 0 : i32
      %dma_wait3A_37 = tpu.memref_slice %arg6[%mul3A_27, %dma_wait3A_36] : memref<5016x128xf32, #tpu.memory_space<vmem_shared>> -> memref<313x128xf32, #tpu.memory_space<vmem_shared>>
      tpu.wait_dma2 semaphore(%run_scoped3A : memref<!tpu.dma_semaphore, #tpu.memory_space<semaphore_mem>>) src(%dma_wait3A_37 : memref<313x128xf32, #tpu.memory_space<vmem_shared>>) dst(%dma_wait3A_35 : memref<313x128xf32, #tpu.memory_space<hbm>>)
      tpu.yield
    }) : () -> ()
    return
  }
}

module attributes {stable_mosaic.version = 14 : i64} {
  func.func @_tc1_body(%arg0: i32, %arg1: memref<1024x128xf32, #tpu.memory_space<vmem>>, %arg2: memref<1024x128xf32, #tpu.memory_space<vmem>>, %arg3: memref<1024x128xf32, #tpu.memory_space<vmem>>, %arg4: memref<128x256xf32, #tpu.memory_space<vmem>>, %arg5: memref<1x256xf32, #tpu.memory_space<vmem>>, %arg6: memref<256x128xf32, #tpu.memory_space<vmem>>, %arg7: memref<32x128xi32, #tpu.memory_space<vmem>>, %arg8: memref<32x128xi32, #tpu.memory_space<vmem>>, %arg9: memref<1008x128xf32, #tpu.memory_space<vmem>>, %arg10: memref<128x256xf32, #tpu.memory_space<vmem>>, %arg11: memref<1x256xf32, #tpu.memory_space<vmem>>, %arg12: memref<256x128xf32, #tpu.memory_space<vmem>>, %arg13: memref<1024x128xf32, #tpu.memory_space<vmem>>, %arg14: memref<1008x128xf32, #tpu.memory_space<vmem>>, %arg15: memref<1008x1008xf32, #tpu.memory_space<vmem>>) attributes {dimension_semantics = [#tpu.dimension_semantics<arbitrary>], iteration_bounds = array<i64: 10>, scalar_prefetch = 0 : i64, scratch_operands = 0 : i64, tpu.core_type = #tpu.core_type<tc>, window_params = [{transform_indices = @transform_0, window_bounds = array<i64: 1024, 128>}, {transform_indices = @transform_1, window_bounds = array<i64: 1024, 128>}, {transform_indices = @transform_2, window_bounds = array<i64: 1024, 128>}, {pipeline_mode = #tpu.pipeline_mode<synchronous>, transform_indices = @transform_3, window_bounds = array<i64: 128, 256>}, {pipeline_mode = #tpu.pipeline_mode<synchronous>, transform_indices = @transform_4, window_bounds = array<i64: 1, 256>}, {pipeline_mode = #tpu.pipeline_mode<synchronous>, transform_indices = @transform_5, window_bounds = array<i64: 256, 128>}, {pipeline_mode = #tpu.pipeline_mode<synchronous>, transform_indices = @transform_6, window_bounds = array<i64: 32, 128>}, {pipeline_mode = #tpu.pipeline_mode<synchronous>, transform_indices = @transform_7, window_bounds = array<i64: 32, 128>}, {pipeline_mode = #tpu.pipeline_mode<synchronous>, transform_indices = @transform_8, window_bounds = array<i64: 1008, 128>}, {pipeline_mode = #tpu.pipeline_mode<synchronous>, transform_indices = @transform_9, window_bounds = array<i64: 128, 256>}, {pipeline_mode = #tpu.pipeline_mode<synchronous>, transform_indices = @transform_10, window_bounds = array<i64: 1, 256>}, {pipeline_mode = #tpu.pipeline_mode<synchronous>, transform_indices = @transform_11, window_bounds = array<i64: 256, 128>}, {transform_indices = @transform_12, window_bounds = array<i64: 1024, 128>}, {pipeline_mode = #tpu.pipeline_mode<synchronous>, transform_indices = @transform_13, window_bounds = array<i64: 1008, 128>}, {pipeline_mode = #tpu.pipeline_mode<synchronous>, transform_indices = @transform_14, window_bounds = array<i64: 1008, 1008>}]} {
    %get3A = arith.constant 0 : index
    %get3A_0 = arith.constant 0 : index
    %get3A_1 = vector.load %arg2[%get3A, %get3A_0] : memref<1024x128xf32, #tpu.memory_space<vmem>>, vector<1024x1xf32>
    %max3A = arith.constant 1.000000e+00 : f32
    %max3A_2 = vector.broadcast %max3A : f32 to vector<1024x1xf32>
    %max3A_3 = arith.maximumf %get3A_1, %max3A_2 : vector<1024x1xf32>
    %get3A_4 = arith.constant 0 : index
    %get3A_5 = arith.constant 0 : index
    %get3A_6 = vector.load %arg1[%get3A_4, %get3A_5] : memref<1024x128xf32, #tpu.memory_space<vmem>>, vector<1024x128xf32>
    %div3A = vector.broadcast %max3A_3 : vector<1024x1xf32> to vector<1024x128xf32>
    %div3A_7 = arith.divf %get3A_6, %div3A : vector<1024x128xf32>
    %get3A_8 = arith.constant 0 : index
    %get3A_9 = arith.constant 0 : index
    %get3A_10 = vector.load %arg3[%get3A_8, %get3A_9] : memref<1024x128xf32, #tpu.memory_space<vmem>>, vector<1024x128xf32>
    %add3A = arith.addf %div3A_7, %get3A_10 : vector<1024x128xf32>
    %get3A_11 = arith.constant 0 : index
    %get3A_12 = arith.constant 0 : index
    %get3A_13 = vector.load %arg4[%get3A_11, %get3A_12] : memref<128x256xf32, #tpu.memory_space<vmem>>, vector<128x256xf32>
    %dot_general3A = arith.constant dense<0.000000e+00> : vector<1024x256xf32>
    %dot_general3A_14 = tpu.matmul %add3A, %get3A_13, %dot_general3A {dimension_numbers = #tpu.dot_dimension_numbers<[1], [0], [0], [1], [0, 0, 1, 1], [], []>, transpose_lhs_hint = false} : vector<1024x128xf32>, vector<128x256xf32>, vector<1024x256xf32> -> vector<1024x256xf32>
    %get3A_15 = arith.constant 0 : index
    %get3A_16 = arith.constant 0 : index
    %get3A_17 = vector.load %arg5[%get3A_15, %get3A_16] : memref<1x256xf32, #tpu.memory_space<vmem>>, vector<1x256xf32>
    %add3A_18 = vector.broadcast %get3A_17 : vector<1x256xf32> to vector<1024x256xf32>
    %add3A_19 = arith.addf %dot_general3A_14, %add3A_18 : vector<1024x256xf32>
    %max3A_20 = arith.constant 0.000000e+00 : f32
    %max3A_21 = vector.broadcast %max3A_20 : f32 to vector<1024x256xf32>
    %max3A_22 = arith.maximumf %add3A_19, %max3A_21 : vector<1024x256xf32>
    %get3A_23 = arith.constant 0 : index
    %get3A_24 = arith.constant 0 : index
    %get3A_25 = vector.load %arg6[%get3A_23, %get3A_24] : memref<256x128xf32, #tpu.memory_space<vmem>>, vector<256x128xf32>
    %dot_general3A_26 = arith.constant dense<0.000000e+00> : vector<1024x128xf32>
    %dot_general3A_27 = tpu.matmul %max3A_22, %get3A_25, %dot_general3A_26 {dimension_numbers = #tpu.dot_dimension_numbers<[1], [0], [0], [1], [0, 0, 1, 1], [], []>, transpose_lhs_hint = false} : vector<1024x256xf32>, vector<256x128xf32>, vector<1024x128xf32> -> vector<1024x128xf32>
    %swap3A = arith.constant 0 : index
    %swap3A_28 = arith.constant 0 : index
    %swap3A_29 = vector.load %arg13[%swap3A, %swap3A_28] : memref<1024x128xf32, #tpu.memory_space<vmem>>, vector<1024x128xf32>
    tpu.vector_store %arg13[%swap3A, %swap3A_28], %dot_general3A_27 {strides = array<i32>} : memref<1024x128xf32, #tpu.memory_space<vmem>>, vector<1024x128xf32>,
    %eq3A = arith.constant 0 : i32
    %eq3A_30 = arith.cmpi eq, %arg0, %eq3A : i32
    %convert_element_type3A = arith.extui %eq3A_30 : i1 to i32
    %cond3A = arith.constant 0 : i32
    %cond3A_31 = arith.cmpi ne, %convert_element_type3A, %cond3A : i32
    scf.if %cond3A_31 {
      %iota3A = tpu.iota {dimensions = array<i32: 0>} : vector<1008x1xi32>
      %broadcast_in_dim3A = arith.constant 0.000000e+00 : f32
      %broadcast_in_dim3A_32 = vector.broadcast %broadcast_in_dim3A : f32 to vector<1008x1008xf32>
      %get3A_33 = arith.constant 0 : index
      %get3A_34 = arith.constant 0 : index
      %get3A_35 = vector.load %arg7[%get3A_33, %get3A_34] : memref<32x128xi32, #tpu.memory_space<vmem>>, vector<1x128xi32>
      %get3A_36 = vector.shape_cast %get3A_35 : vector<1x128xi32> to vector<128xi32>
      %reshape3A = vector.shape_cast %get3A_36 : vector<128xi32> to vector<1x128xi32>
      %get3A_37 = arith.constant 0 : index
      %get3A_38 = arith.constant 0 : index
      %get3A_39 = vector.load %arg8[%get3A_37, %get3A_38] : memref<32x128xi32, #tpu.memory_space<vmem>>, vector<1x128xi32>
      %get3A_40 = vector.shape_cast %get3A_39 : vector<1x128xi32> to vector<128xi32>
      %reshape3A_41 = vector.shape_cast %get3A_40 : vector<128xi32> to vector<1x128xi32>
      %eq3A_42 = vector.broadcast %iota3A : vector<1008x1xi32> to vector<1008x128xi32>
      %eq3A_43 = vector.broadcast %reshape3A : vector<1x128xi32> to vector<1008x128xi32>
      %eq3A_44 = arith.cmpi eq, %eq3A_42, %eq3A_43 : vector<1008x128xi32>
      %convert_element_type3A_45 = arith.extui %eq3A_44 : vector<1008x128xi1> to vector<1008x128xi32>
      %convert_element_type3A_46 = arith.sitofp %convert_element_type3A_45 : vector<1008x128xi32> to vector<1008x128xf32>
      %eq3A_47 = vector.broadcast %iota3A : vector<1008x1xi32> to vector<1008x128xi32>
      %eq3A_48 = vector.broadcast %reshape3A_41 : vector<1x128xi32> to vector<1008x128xi32>
      %eq3A_49 = arith.cmpi eq, %eq3A_47, %eq3A_48 : vector<1008x128xi32>
      %convert_element_type3A_50 = arith.extui %eq3A_49 : vector<1008x128xi1> to vector<1008x128xi32>
      %convert_element_type3A_51 = arith.sitofp %convert_element_type3A_50 : vector<1008x128xi32> to vector<1008x128xf32>
      %dot_general3A_52 = arith.constant dense<0.000000e+00> : vector<1008x1008xf32>
      %dot_general3A_53 = tpu.matmul %convert_element_type3A_51, %convert_element_type3A_46, %dot_general3A_52 {dimension_numbers = #tpu.dot_dimension_numbers<[1], [1], [0], [0], [0, 0, 1, 0], [], []>, transpose_lhs_hint = false} : vector<1008x128xf32>, vector<1008x128xf32>, vector<1008x1008xf32> -> vector<1008x1008xf32>
      %add3A_54 = arith.addf %broadcast_in_dim3A_32, %dot_general3A_53 : vector<1008x1008xf32>
      %get3A_55 = arith.constant 1 : index
      %get3A_56 = arith.constant 0 : index
      %get3A_57 = vector.load %arg7[%get3A_55, %get3A_56] : memref<32x128xi32, #tpu.memory_space<vmem>>, vector<1x128xi32>
      %get3A_58 = vector.shape_cast %get3A_57 : vector<1x128xi32> to vector<128xi32>
      %reshape3A_59 = vector.shape_cast %get3A_58 : vector<128xi32> to vector<1x128xi32>
      %get3A_60 = arith.constant 1 : index
      %get3A_61 = arith.constant 0 : index
      %get3A_62 = vector.load %arg8[%get3A_60, %get3A_61] : memref<32x128xi32, #tpu.memory_space<vmem>>, vector<1x128xi32>
      %get3A_63 = vector.shape_cast %get3A_62 : vector<1x128xi32> to vector<128xi32>
      %reshape3A_64 = vector.shape_cast %get3A_63 : vector<128xi32> to vector<1x128xi32>
      %eq3A_65 = vector.broadcast %iota3A : vector<1008x1xi32> to vector<1008x128xi32>
      %eq3A_66 = vector.broadcast %reshape3A_59 : vector<1x128xi32> to vector<1008x128xi32>
      %eq3A_67 = arith.cmpi eq, %eq3A_65, %eq3A_66 : vector<1008x128xi32>
      %convert_element_type3A_68 = arith.extui %eq3A_67 : vector<1008x128xi1> to vector<1008x128xi32>
      %convert_element_type3A_69 = arith.sitofp %convert_element_type3A_68 : vector<1008x128xi32> to vector<1008x128xf32>
      %eq3A_70 = vector.broadcast %iota3A : vector<1008x1xi32> to vector<1008x128xi32>
      %eq3A_71 = vector.broadcast %reshape3A_64 : vector<1x128xi32> to vector<1008x128xi32>
      %eq3A_72 = arith.cmpi eq, %eq3A_70, %eq3A_71 : vector<1008x128xi32>
      %convert_element_type3A_73 = arith.extui %eq3A_72 : vector<1008x128xi1> to vector<1008x128xi32>
      %convert_element_type3A_74 = arith.sitofp %convert_element_type3A_73 : vector<1008x128xi32> to vector<1008x128xf32>
      %dot_general3A_75 = arith.constant dense<0.000000e+00> : vector<1008x1008xf32>
      %dot_general3A_76 = tpu.matmul %convert_element_type3A_74, %convert_element_type3A_69, %dot_general3A_75 {dimension_numbers = #tpu.dot_dimension_numbers<[1], [1], [0], [0], [0, 0, 1, 0], [], []>, transpose_lhs_hint = false} : vector<1008x128xf32>, vector<1008x128xf32>, vector<1008x1008xf32> -> vector<1008x1008xf32>
      %add3A_77 = arith.addf %add3A_54, %dot_general3A_76 : vector<1008x1008xf32>
      %get3A_78 = arith.constant 2 : index
      %get3A_79 = arith.constant 0 : index
      %get3A_80 = vector.load %arg7[%get3A_78, %get3A_79] : memref<32x128xi32, #tpu.memory_space<vmem>>, vector<1x128xi32>
      %get3A_81 = vector.shape_cast %get3A_80 : vector<1x128xi32> to vector<128xi32>
      %reshape3A_82 = vector.shape_cast %get3A_81 : vector<128xi32> to vector<1x128xi32>
      %get3A_83 = arith.constant 2 : index
      %get3A_84 = arith.constant 0 : index
      %get3A_85 = vector.load %arg8[%get3A_83, %get3A_84] : memref<32x128xi32, #tpu.memory_space<vmem>>, vector<1x128xi32>
      %get3A_86 = vector.shape_cast %get3A_85 : vector<1x128xi32> to vector<128xi32>
      %reshape3A_87 = vector.shape_cast %get3A_86 : vector<128xi32> to vector<1x128xi32>
      %eq3A_88 = vector.broadcast %iota3A : vector<1008x1xi32> to vector<1008x128xi32>
      %eq3A_89 = vector.broadcast %reshape3A_82 : vector<1x128xi32> to vector<1008x128xi32>
      %eq3A_90 = arith.cmpi eq, %eq3A_88, %eq3A_89 : vector<1008x128xi32>
      %convert_element_type3A_91 = arith.extui %eq3A_90 : vector<1008x128xi1> to vector<1008x128xi32>
      %convert_element_type3A_92 = arith.sitofp %convert_element_type3A_91 : vector<1008x128xi32> to vector<1008x128xf32>
      %eq3A_93 = vector.broadcast %iota3A : vector<1008x1xi32> to vector<1008x128xi32>
      %eq3A_94 = vector.broadcast %reshape3A_87 : vector<1x128xi32> to vector<1008x128xi32>
      %eq3A_95 = arith.cmpi eq, %eq3A_93, %eq3A_94 : vector<1008x128xi32>
      %convert_element_type3A_96 = arith.extui %eq3A_95 : vector<1008x128xi1> to vector<1008x128xi32>
      %convert_element_type3A_97 = arith.sitofp %convert_element_type3A_96 : vector<1008x128xi32> to vector<1008x128xf32>
      %dot_general3A_98 = arith.constant dense<0.000000e+00> : vector<1008x1008xf32>
      %dot_general3A_99 = tpu.matmul %convert_element_type3A_97, %convert_element_type3A_92, %dot_general3A_98 {dimension_numbers = #tpu.dot_dimension_numbers<[1], [1], [0], [0], [0, 0, 1, 0], [], []>, transpose_lhs_hint = false} : vector<1008x128xf32>, vector<1008x128xf32>, vector<1008x1008xf32> -> vector<1008x1008xf32>
      %add3A_100 = arith.addf %add3A_77, %dot_general3A_99 : vector<1008x1008xf32>
      %get3A_101 = arith.constant 3 : index
      %get3A_102 = arith.constant 0 : index
      %get3A_103 = vector.load %arg7[%get3A_101, %get3A_102] : memref<32x128xi32, #tpu.memory_space<vmem>>, vector<1x128xi32>
      %get3A_104 = vector.shape_cast %get3A_103 : vector<1x128xi32> to vector<128xi32>
      %reshape3A_105 = vector.shape_cast %get3A_104 : vector<128xi32> to vector<1x128xi32>
      %get3A_106 = arith.constant 3 : index
      %get3A_107 = arith.constant 0 : index
      %get3A_108 = vector.load %arg8[%get3A_106, %get3A_107] : memref<32x128xi32, #tpu.memory_space<vmem>>, vector<1x128xi32>
      %get3A_109 = vector.shape_cast %get3A_108 : vector<1x128xi32> to vector<128xi32>
      %reshape3A_110 = vector.shape_cast %get3A_109 : vector<128xi32> to vector<1x128xi32>
      %eq3A_111 = vector.broadcast %iota3A : vector<1008x1xi32> to vector<1008x128xi32>
      %eq3A_112 = vector.broadcast %reshape3A_105 : vector<1x128xi32> to vector<1008x128xi32>
      %eq3A_113 = arith.cmpi eq, %eq3A_111, %eq3A_112 : vector<1008x128xi32>
      %convert_element_type3A_114 = arith.extui %eq3A_113 : vector<1008x128xi1> to vector<1008x128xi32>
      %convert_element_type3A_115 = arith.sitofp %convert_element_type3A_114 : vector<1008x128xi32> to vector<1008x128xf32>
      %eq3A_116 = vector.broadcast %iota3A : vector<1008x1xi32> to vector<1008x128xi32>
      %eq3A_117 = vector.broadcast %reshape3A_110 : vector<1x128xi32> to vector<1008x128xi32>
      %eq3A_118 = arith.cmpi eq, %eq3A_116, %eq3A_117 : vector<1008x128xi32>
      %convert_element_type3A_119 = arith.extui %eq3A_118 : vector<1008x128xi1> to vector<1008x128xi32>
      %convert_element_type3A_120 = arith.sitofp %convert_element_type3A_119 : vector<1008x128xi32> to vector<1008x128xf32>
      %dot_general3A_121 = arith.constant dense<0.000000e+00> : vector<1008x1008xf32>
      %dot_general3A_122 = tpu.matmul %convert_element_type3A_120, %convert_element_type3A_115, %dot_general3A_121 {dimension_numbers = #tpu.dot_dimension_numbers<[1], [1], [0], [0], [0, 0, 1, 0], [], []>, transpose_lhs_hint = false} : vector<1008x128xf32>, vector<1008x128xf32>, vector<1008x1008xf32> -> vector<1008x1008xf32>
      %add3A_123 = arith.addf %add3A_100, %dot_general3A_122 : vector<1008x1008xf32>
      %get3A_124 = arith.constant 4 : index
      %get3A_125 = arith.constant 0 : index
      %get3A_126 = vector.load %arg7[%get3A_124, %get3A_125] : memref<32x128xi32, #tpu.memory_space<vmem>>, vector<1x128xi32>
      %get3A_127 = vector.shape_cast %get3A_126 : vector<1x128xi32> to vector<128xi32>
      %reshape3A_128 = vector.shape_cast %get3A_127 : vector<128xi32> to vector<1x128xi32>
      %get3A_129 = arith.constant 4 : index
      %get3A_130 = arith.constant 0 : index
      %get3A_131 = vector.load %arg8[%get3A_129, %get3A_130] : memref<32x128xi32, #tpu.memory_space<vmem>>, vector<1x128xi32>
      %get3A_132 = vector.shape_cast %get3A_131 : vector<1x128xi32> to vector<128xi32>
      %reshape3A_133 = vector.shape_cast %get3A_132 : vector<128xi32> to vector<1x128xi32>
      %eq3A_134 = vector.broadcast %iota3A : vector<1008x1xi32> to vector<1008x128xi32>
      %eq3A_135 = vector.broadcast %reshape3A_128 : vector<1x128xi32> to vector<1008x128xi32>
      %eq3A_136 = arith.cmpi eq, %eq3A_134, %eq3A_135 : vector<1008x128xi32>
      %convert_element_type3A_137 = arith.extui %eq3A_136 : vector<1008x128xi1> to vector<1008x128xi32>
      %convert_element_type3A_138 = arith.sitofp %convert_element_type3A_137 : vector<1008x128xi32> to vector<1008x128xf32>
      %eq3A_139 = vector.broadcast %iota3A : vector<1008x1xi32> to vector<1008x128xi32>
      %eq3A_140 = vector.broadcast %reshape3A_133 : vector<1x128xi32> to vector<1008x128xi32>
      %eq3A_141 = arith.cmpi eq, %eq3A_139, %eq3A_140 : vector<1008x128xi32>
      %convert_element_type3A_142 = arith.extui %eq3A_141 : vector<1008x128xi1> to vector<1008x128xi32>
      %convert_element_type3A_143 = arith.sitofp %convert_element_type3A_142 : vector<1008x128xi32> to vector<1008x128xf32>
      %dot_general3A_144 = arith.constant dense<0.000000e+00> : vector<1008x1008xf32>
      %dot_general3A_145 = tpu.matmul %convert_element_type3A_143, %convert_element_type3A_138, %dot_general3A_144 {dimension_numbers = #tpu.dot_dimension_numbers<[1], [1], [0], [0], [0, 0, 1, 0], [], []>, transpose_lhs_hint = false} : vector<1008x128xf32>, vector<1008x128xf32>, vector<1008x1008xf32> -> vector<1008x1008xf32>
      %add3A_146 = arith.addf %add3A_123, %dot_general3A_145 : vector<1008x1008xf32>
      %get3A_147 = arith.constant 5 : index
      %get3A_148 = arith.constant 0 : index
      %get3A_149 = vector.load %arg7[%get3A_147, %get3A_148] : memref<32x128xi32, #tpu.memory_space<vmem>>, vector<1x128xi32>
      %get3A_150 = vector.shape_cast %get3A_149 : vector<1x128xi32> to vector<128xi32>
      %reshape3A_151 = vector.shape_cast %get3A_150 : vector<128xi32> to vector<1x128xi32>
      %get3A_152 = arith.constant 5 : index
      %get3A_153 = arith.constant 0 : index
      %get3A_154 = vector.load %arg8[%get3A_152, %get3A_153] : memref<32x128xi32, #tpu.memory_space<vmem>>, vector<1x128xi32>
      %get3A_155 = vector.shape_cast %get3A_154 : vector<1x128xi32> to vector<128xi32>
      %reshape3A_156 = vector.shape_cast %get3A_155 : vector<128xi32> to vector<1x128xi32>
      %eq3A_157 = vector.broadcast %iota3A : vector<1008x1xi32> to vector<1008x128xi32>
      %eq3A_158 = vector.broadcast %reshape3A_151 : vector<1x128xi32> to vector<1008x128xi32>
      %eq3A_159 = arith.cmpi eq, %eq3A_157, %eq3A_158 : vector<1008x128xi32>
      %convert_element_type3A_160 = arith.extui %eq3A_159 : vector<1008x128xi1> to vector<1008x128xi32>
      %convert_element_type3A_161 = arith.sitofp %convert_element_type3A_160 : vector<1008x128xi32> to vector<1008x128xf32>
      %eq3A_162 = vector.broadcast %iota3A : vector<1008x1xi32> to vector<1008x128xi32>
      %eq3A_163 = vector.broadcast %reshape3A_156 : vector<1x128xi32> to vector<1008x128xi32>
      %eq3A_164 = arith.cmpi eq, %eq3A_162, %eq3A_163 : vector<1008x128xi32>
      %convert_element_type3A_165 = arith.extui %eq3A_164 : vector<1008x128xi1> to vector<1008x128xi32>
      %convert_element_type3A_166 = arith.sitofp %convert_element_type3A_165 : vector<1008x128xi32> to vector<1008x128xf32>
      %dot_general3A_167 = arith.constant dense<0.000000e+00> : vector<1008x1008xf32>
      %dot_general3A_168 = tpu.matmul %convert_element_type3A_166, %convert_element_type3A_161, %dot_general3A_167 {dimension_numbers = #tpu.dot_dimension_numbers<[1], [1], [0], [0], [0, 0, 1, 0], [], []>, transpose_lhs_hint = false} : vector<1008x128xf32>, vector<1008x128xf32>, vector<1008x1008xf32> -> vector<1008x1008xf32>
      %add3A_169 = arith.addf %add3A_146, %dot_general3A_168 : vector<1008x1008xf32>
      %get3A_170 = arith.constant 6 : index
      %get3A_171 = arith.constant 0 : index
      %get3A_172 = vector.load %arg7[%get3A_170, %get3A_171] : memref<32x128xi32, #tpu.memory_space<vmem>>, vector<1x128xi32>
      %get3A_173 = vector.shape_cast %get3A_172 : vector<1x128xi32> to vector<128xi32>
      %reshape3A_174 = vector.shape_cast %get3A_173 : vector<128xi32> to vector<1x128xi32>
      %get3A_175 = arith.constant 6 : index
      %get3A_176 = arith.constant 0 : index
      %get3A_177 = vector.load %arg8[%get3A_175, %get3A_176] : memref<32x128xi32, #tpu.memory_space<vmem>>, vector<1x128xi32>
      %get3A_178 = vector.shape_cast %get3A_177 : vector<1x128xi32> to vector<128xi32>
      %reshape3A_179 = vector.shape_cast %get3A_178 : vector<128xi32> to vector<1x128xi32>
      %eq3A_180 = vector.broadcast %iota3A : vector<1008x1xi32> to vector<1008x128xi32>
      %eq3A_181 = vector.broadcast %reshape3A_174 : vector<1x128xi32> to vector<1008x128xi32>
      %eq3A_182 = arith.cmpi eq, %eq3A_180, %eq3A_181 : vector<1008x128xi32>
      %convert_element_type3A_183 = arith.extui %eq3A_182 : vector<1008x128xi1> to vector<1008x128xi32>
      %convert_element_type3A_184 = arith.sitofp %convert_element_type3A_183 : vector<1008x128xi32> to vector<1008x128xf32>
      %eq3A_185 = vector.broadcast %iota3A : vector<1008x1xi32> to vector<1008x128xi32>
      %eq3A_186 = vector.broadcast %reshape3A_179 : vector<1x128xi32> to vector<1008x128xi32>
      %eq3A_187 = arith.cmpi eq, %eq3A_185, %eq3A_186 : vector<1008x128xi32>
      %convert_element_type3A_188 = arith.extui %eq3A_187 : vector<1008x128xi1> to vector<1008x128xi32>
      %convert_element_type3A_189 = arith.sitofp %convert_element_type3A_188 : vector<1008x128xi32> to vector<1008x128xf32>
      %dot_general3A_190 = arith.constant dense<0.000000e+00> : vector<1008x1008xf32>
      %dot_general3A_191 = tpu.matmul %convert_element_type3A_189, %convert_element_type3A_184, %dot_general3A_190 {dimension_numbers = #tpu.dot_dimension_numbers<[1], [1], [0], [0], [0, 0, 1, 0], [], []>, transpose_lhs_hint = false} : vector<1008x128xf32>, vector<1008x128xf32>, vector<1008x1008xf32> -> vector<1008x1008xf32>
      %add3A_192 = arith.addf %add3A_169, %dot_general3A_191 : vector<1008x1008xf32>
      %get3A_193 = arith.constant 7 : index
      %get3A_194 = arith.constant 0 : index
      %get3A_195 = vector.load %arg7[%get3A_193, %get3A_194] : memref<32x128xi32, #tpu.memory_space<vmem>>, vector<1x128xi32>
      %get3A_196 = vector.shape_cast %get3A_195 : vector<1x128xi32> to vector<128xi32>
      %reshape3A_197 = vector.shape_cast %get3A_196 : vector<128xi32> to vector<1x128xi32>
      %get3A_198 = arith.constant 7 : index
      %get3A_199 = arith.constant 0 : index
      %get3A_200 = vector.load %arg8[%get3A_198, %get3A_199] : memref<32x128xi32, #tpu.memory_space<vmem>>, vector<1x128xi32>
      %get3A_201 = vector.shape_cast %get3A_200 : vector<1x128xi32> to vector<128xi32>
      %reshape3A_202 = vector.shape_cast %get3A_201 : vector<128xi32> to vector<1x128xi32>
      %eq3A_203 = vector.broadcast %iota3A : vector<1008x1xi32> to vector<1008x128xi32>
      %eq3A_204 = vector.broadcast %reshape3A_197 : vector<1x128xi32> to vector<1008x128xi32>
      %eq3A_205 = arith.cmpi eq, %eq3A_203, %eq3A_204 : vector<1008x128xi32>
      %convert_element_type3A_206 = arith.extui %eq3A_205 : vector<1008x128xi1> to vector<1008x128xi32>
      %convert_element_type3A_207 = arith.sitofp %convert_element_type3A_206 : vector<1008x128xi32> to vector<1008x128xf32>
      %eq3A_208 = vector.broadcast %iota3A : vector<1008x1xi32> to vector<1008x128xi32>
      %eq3A_209 = vector.broadcast %reshape3A_202 : vector<1x128xi32> to vector<1008x128xi32>
      %eq3A_210 = arith.cmpi eq, %eq3A_208, %eq3A_209 : vector<1008x128xi32>
      %convert_element_type3A_211 = arith.extui %eq3A_210 : vector<1008x128xi1> to vector<1008x128xi32>
      %convert_element_type3A_212 = arith.sitofp %convert_element_type3A_211 : vector<1008x128xi32> to vector<1008x128xf32>
      %dot_general3A_213 = arith.constant dense<0.000000e+00> : vector<1008x1008xf32>
      %dot_general3A_214 = tpu.matmul %convert_element_type3A_212, %convert_element_type3A_207, %dot_general3A_213 {dimension_numbers = #tpu.dot_dimension_numbers<[1], [1], [0], [0], [0, 0, 1, 0], [], []>, transpose_lhs_hint = false} : vector<1008x128xf32>, vector<1008x128xf32>, vector<1008x1008xf32> -> vector<1008x1008xf32>
      %add3A_215 = arith.addf %add3A_192, %dot_general3A_214 : vector<1008x1008xf32>
      %get3A_216 = arith.constant 8 : index
      %get3A_217 = arith.constant 0 : index
      %get3A_218 = vector.load %arg7[%get3A_216, %get3A_217] : memref<32x128xi32, #tpu.memory_space<vmem>>, vector<1x128xi32>
      %get3A_219 = vector.shape_cast %get3A_218 : vector<1x128xi32> to vector<128xi32>
      %reshape3A_220 = vector.shape_cast %get3A_219 : vector<128xi32> to vector<1x128xi32>
      %get3A_221 = arith.constant 8 : index
      %get3A_222 = arith.constant 0 : index
      %get3A_223 = vector.load %arg8[%get3A_221, %get3A_222] : memref<32x128xi32, #tpu.memory_space<vmem>>, vector<1x128xi32>
      %get3A_224 = vector.shape_cast %get3A_223 : vector<1x128xi32> to vector<128xi32>
      %reshape3A_225 = vector.shape_cast %get3A_224 : vector<128xi32> to vector<1x128xi32>
      %eq3A_226 = vector.broadcast %iota3A : vector<1008x1xi32> to vector<1008x128xi32>
      %eq3A_227 = vector.broadcast %reshape3A_220 : vector<1x128xi32> to vector<1008x128xi32>
      %eq3A_228 = arith.cmpi eq, %eq3A_226, %eq3A_227 : vector<1008x128xi32>
      %convert_element_type3A_229 = arith.extui %eq3A_228 : vector<1008x128xi1> to vector<1008x128xi32>
      %convert_element_type3A_230 = arith.sitofp %convert_element_type3A_229 : vector<1008x128xi32> to vector<1008x128xf32>
      %eq3A_231 = vector.broadcast %iota3A : vector<1008x1xi32> to vector<1008x128xi32>
      %eq3A_232 = vector.broadcast %reshape3A_225 : vector<1x128xi32> to vector<1008x128xi32>
      %eq3A_233 = arith.cmpi eq, %eq3A_231, %eq3A_232 : vector<1008x128xi32>
      %convert_element_type3A_234 = arith.extui %eq3A_233 : vector<1008x128xi1> to vector<1008x128xi32>
      %convert_element_type3A_235 = arith.sitofp %convert_element_type3A_234 : vector<1008x128xi32> to vector<1008x128xf32>
      %dot_general3A_236 = arith.constant dense<0.000000e+00> : vector<1008x1008xf32>
      %dot_general3A_237 = tpu.matmul %convert_element_type3A_235, %convert_element_type3A_230, %dot_general3A_236 {dimension_numbers = #tpu.dot_dimension_numbers<[1], [1], [0], [0], [0, 0, 1, 0], [], []>, transpose_lhs_hint = false} : vector<1008x128xf32>, vector<1008x128xf32>, vector<1008x1008xf32> -> vector<1008x1008xf32>
      %add3A_238 = arith.addf %add3A_215, %dot_general3A_237 : vector<1008x1008xf32>
      %get3A_239 = arith.constant 9 : index
      %get3A_240 = arith.constant 0 : index
      %get3A_241 = vector.load %arg7[%get3A_239, %get3A_240] : memref<32x128xi32, #tpu.memory_space<vmem>>, vector<1x128xi32>
      %get3A_242 = vector.shape_cast %get3A_241 : vector<1x128xi32> to vector<128xi32>
      %reshape3A_243 = vector.shape_cast %get3A_242 : vector<128xi32> to vector<1x128xi32>
      %get3A_244 = arith.constant 9 : index
      %get3A_245 = arith.constant 0 : index
      %get3A_246 = vector.load %arg8[%get3A_244, %get3A_245] : memref<32x128xi32, #tpu.memory_space<vmem>>, vector<1x128xi32>
      %get3A_247 = vector.shape_cast %get3A_246 : vector<1x128xi32> to vector<128xi32>
      %reshape3A_248 = vector.shape_cast %get3A_247 : vector<128xi32> to vector<1x128xi32>
      %eq3A_249 = vector.broadcast %iota3A : vector<1008x1xi32> to vector<1008x128xi32>
      %eq3A_250 = vector.broadcast %reshape3A_243 : vector<1x128xi32> to vector<1008x128xi32>
      %eq3A_251 = arith.cmpi eq, %eq3A_249, %eq3A_250 : vector<1008x128xi32>
      %convert_element_type3A_252 = arith.extui %eq3A_251 : vector<1008x128xi1> to vector<1008x128xi32>
      %convert_element_type3A_253 = arith.sitofp %convert_element_type3A_252 : vector<1008x128xi32> to vector<1008x128xf32>
      %eq3A_254 = vector.broadcast %iota3A : vector<1008x1xi32> to vector<1008x128xi32>
      %eq3A_255 = vector.broadcast %reshape3A_248 : vector<1x128xi32> to vector<1008x128xi32>
      %eq3A_256 = arith.cmpi eq, %eq3A_254, %eq3A_255 : vector<1008x128xi32>
      %convert_element_type3A_257 = arith.extui %eq3A_256 : vector<1008x128xi1> to vector<1008x128xi32>
      %convert_element_type3A_258 = arith.sitofp %convert_element_type3A_257 : vector<1008x128xi32> to vector<1008x128xf32>
      %dot_general3A_259 = arith.constant dense<0.000000e+00> : vector<1008x1008xf32>
      %dot_general3A_260 = tpu.matmul %convert_element_type3A_258, %convert_element_type3A_253, %dot_general3A_259 {dimension_numbers = #tpu.dot_dimension_numbers<[1], [1], [0], [0], [0, 0, 1, 0], [], []>, transpose_lhs_hint = false} : vector<1008x128xf32>, vector<1008x128xf32>, vector<1008x1008xf32> -> vector<1008x1008xf32>
      %add3A_261 = arith.addf %add3A_238, %dot_general3A_260 : vector<1008x1008xf32>
      %get3A_262 = arith.constant 10 : index
      %get3A_263 = arith.constant 0 : index
      %get3A_264 = vector.load %arg7[%get3A_262, %get3A_263] : memref<32x128xi32, #tpu.memory_space<vmem>>, vector<1x128xi32>
      %get3A_265 = vector.shape_cast %get3A_264 : vector<1x128xi32> to vector<128xi32>
      %reshape3A_266 = vector.shape_cast %get3A_265 : vector<128xi32> to vector<1x128xi32>
      %get3A_267 = arith.constant 10 : index
      %get3A_268 = arith.constant 0 : index
      %get3A_269 = vector.load %arg8[%get3A_267, %get3A_268] : memref<32x128xi32, #tpu.memory_space<vmem>>, vector<1x128xi32>
      %get3A_270 = vector.shape_cast %get3A_269 : vector<1x128xi32> to vector<128xi32>
      %reshape3A_271 = vector.shape_cast %get3A_270 : vector<128xi32> to vector<1x128xi32>
      %eq3A_272 = vector.broadcast %iota3A : vector<1008x1xi32> to vector<1008x128xi32>
      %eq3A_273 = vector.broadcast %reshape3A_266 : vector<1x128xi32> to vector<1008x128xi32>
      %eq3A_274 = arith.cmpi eq, %eq3A_272, %eq3A_273 : vector<1008x128xi32>
      %convert_element_type3A_275 = arith.extui %eq3A_274 : vector<1008x128xi1> to vector<1008x128xi32>
      %convert_element_type3A_276 = arith.sitofp %convert_element_type3A_275 : vector<1008x128xi32> to vector<1008x128xf32>
      %eq3A_277 = vector.broadcast %iota3A : vector<1008x1xi32> to vector<1008x128xi32>
      %eq3A_278 = vector.broadcast %reshape3A_271 : vector<1x128xi32> to vector<1008x128xi32>
      %eq3A_279 = arith.cmpi eq, %eq3A_277, %eq3A_278 : vector<1008x128xi32>
      %convert_element_type3A_280 = arith.extui %eq3A_279 : vector<1008x128xi1> to vector<1008x128xi32>
      %convert_element_type3A_281 = arith.sitofp %convert_element_type3A_280 : vector<1008x128xi32> to vector<1008x128xf32>
      %dot_general3A_282 = arith.constant dense<0.000000e+00> : vector<1008x1008xf32>
      %dot_general3A_283 = tpu.matmul %convert_element_type3A_281, %convert_element_type3A_276, %dot_general3A_282 {dimension_numbers = #tpu.dot_dimension_numbers<[1], [1], [0], [0], [0, 0, 1, 0], [], []>, transpose_lhs_hint = false} : vector<1008x128xf32>, vector<1008x128xf32>, vector<1008x1008xf32> -> vector<1008x1008xf32>
      %add3A_284 = arith.addf %add3A_261, %dot_general3A_283 : vector<1008x1008xf32>
      %get3A_285 = arith.constant 11 : index
      %get3A_286 = arith.constant 0 : index
      %get3A_287 = vector.load %arg7[%get3A_285, %get3A_286] : memref<32x128xi32, #tpu.memory_space<vmem>>, vector<1x128xi32>
      %get3A_288 = vector.shape_cast %get3A_287 : vector<1x128xi32> to vector<128xi32>
      %reshape3A_289 = vector.shape_cast %get3A_288 : vector<128xi32> to vector<1x128xi32>
      %get3A_290 = arith.constant 11 : index
      %get3A_291 = arith.constant 0 : index
      %get3A_292 = vector.load %arg8[%get3A_290, %get3A_291] : memref<32x128xi32, #tpu.memory_space<vmem>>, vector<1x128xi32>
      %get3A_293 = vector.shape_cast %get3A_292 : vector<1x128xi32> to vector<128xi32>
      %reshape3A_294 = vector.shape_cast %get3A_293 : vector<128xi32> to vector<1x128xi32>
      %eq3A_295 = vector.broadcast %iota3A : vector<1008x1xi32> to vector<1008x128xi32>
      %eq3A_296 = vector.broadcast %reshape3A_289 : vector<1x128xi32> to vector<1008x128xi32>
      %eq3A_297 = arith.cmpi eq, %eq3A_295, %eq3A_296 : vector<1008x128xi32>
      %convert_element_type3A_298 = arith.extui %eq3A_297 : vector<1008x128xi1> to vector<1008x128xi32>
      %convert_element_type3A_299 = arith.sitofp %convert_element_type3A_298 : vector<1008x128xi32> to vector<1008x128xf32>
      %eq3A_300 = vector.broadcast %iota3A : vector<1008x1xi32> to vector<1008x128xi32>
      %eq3A_301 = vector.broadcast %reshape3A_294 : vector<1x128xi32> to vector<1008x128xi32>
      %eq3A_302 = arith.cmpi eq, %eq3A_300, %eq3A_301 : vector<1008x128xi32>
      %convert_element_type3A_303 = arith.extui %eq3A_302 : vector<1008x128xi1> to vector<1008x128xi32>
      %convert_element_type3A_304 = arith.sitofp %convert_element_type3A_303 : vector<1008x128xi32> to vector<1008x128xf32>
      %dot_general3A_305 = arith.constant dense<0.000000e+00> : vector<1008x1008xf32>
      %dot_general3A_306 = tpu.matmul %convert_element_type3A_304, %convert_element_type3A_299, %dot_general3A_305 {dimension_numbers = #tpu.dot_dimension_numbers<[1], [1], [0], [0], [0, 0, 1, 0], [], []>, transpose_lhs_hint = false} : vector<1008x128xf32>, vector<1008x128xf32>, vector<1008x1008xf32> -> vector<1008x1008xf32>
      %add3A_307 = arith.addf %add3A_284, %dot_general3A_306 : vector<1008x1008xf32>
      %get3A_308 = arith.constant 12 : index
      %get3A_309 = arith.constant 0 : index
      %get3A_310 = vector.load %arg7[%get3A_308, %get3A_309] : memref<32x128xi32, #tpu.memory_space<vmem>>, vector<1x128xi32>
      %get3A_311 = vector.shape_cast %get3A_310 : vector<1x128xi32> to vector<128xi32>
      %reshape3A_312 = vector.shape_cast %get3A_311 : vector<128xi32> to vector<1x128xi32>
      %get3A_313 = arith.constant 12 : index
      %get3A_314 = arith.constant 0 : index
      %get3A_315 = vector.load %arg8[%get3A_313, %get3A_314] : memref<32x128xi32, #tpu.memory_space<vmem>>, vector<1x128xi32>
      %get3A_316 = vector.shape_cast %get3A_315 : vector<1x128xi32> to vector<128xi32>
      %reshape3A_317 = vector.shape_cast %get3A_316 : vector<128xi32> to vector<1x128xi32>
      %eq3A_318 = vector.broadcast %iota3A : vector<1008x1xi32> to vector<1008x128xi32>
      %eq3A_319 = vector.broadcast %reshape3A_312 : vector<1x128xi32> to vector<1008x128xi32>
      %eq3A_320 = arith.cmpi eq, %eq3A_318, %eq3A_319 : vector<1008x128xi32>
      %convert_element_type3A_321 = arith.extui %eq3A_320 : vector<1008x128xi1> to vector<1008x128xi32>
      %convert_element_type3A_322 = arith.sitofp %convert_element_type3A_321 : vector<1008x128xi32> to vector<1008x128xf32>
      %eq3A_323 = vector.broadcast %iota3A : vector<1008x1xi32> to vector<1008x128xi32>
      %eq3A_324 = vector.broadcast %reshape3A_317 : vector<1x128xi32> to vector<1008x128xi32>
      %eq3A_325 = arith.cmpi eq, %eq3A_323, %eq3A_324 : vector<1008x128xi32>
      %convert_element_type3A_326 = arith.extui %eq3A_325 : vector<1008x128xi1> to vector<1008x128xi32>
      %convert_element_type3A_327 = arith.sitofp %convert_element_type3A_326 : vector<1008x128xi32> to vector<1008x128xf32>
      %dot_general3A_328 = arith.constant dense<0.000000e+00> : vector<1008x1008xf32>
      %dot_general3A_329 = tpu.matmul %convert_element_type3A_327, %convert_element_type3A_322, %dot_general3A_328 {dimension_numbers = #tpu.dot_dimension_numbers<[1], [1], [0], [0], [0, 0, 1, 0], [], []>, transpose_lhs_hint = false} : vector<1008x128xf32>, vector<1008x128xf32>, vector<1008x1008xf32> -> vector<1008x1008xf32>
      %add3A_330 = arith.addf %add3A_307, %dot_general3A_329 : vector<1008x1008xf32>
      %get3A_331 = arith.constant 13 : index
      %get3A_332 = arith.constant 0 : index
      %get3A_333 = vector.load %arg7[%get3A_331, %get3A_332] : memref<32x128xi32, #tpu.memory_space<vmem>>, vector<1x128xi32>
      %get3A_334 = vector.shape_cast %get3A_333 : vector<1x128xi32> to vector<128xi32>
      %reshape3A_335 = vector.shape_cast %get3A_334 : vector<128xi32> to vector<1x128xi32>
      %get3A_336 = arith.constant 13 : index
      %get3A_337 = arith.constant 0 : index
      %get3A_338 = vector.load %arg8[%get3A_336, %get3A_337] : memref<32x128xi32, #tpu.memory_space<vmem>>, vector<1x128xi32>
      %get3A_339 = vector.shape_cast %get3A_338 : vector<1x128xi32> to vector<128xi32>
      %reshape3A_340 = vector.shape_cast %get3A_339 : vector<128xi32> to vector<1x128xi32>
      %eq3A_341 = vector.broadcast %iota3A : vector<1008x1xi32> to vector<1008x128xi32>
      %eq3A_342 = vector.broadcast %reshape3A_335 : vector<1x128xi32> to vector<1008x128xi32>
      %eq3A_343 = arith.cmpi eq, %eq3A_341, %eq3A_342 : vector<1008x128xi32>
      %convert_element_type3A_344 = arith.extui %eq3A_343 : vector<1008x128xi1> to vector<1008x128xi32>
      %convert_element_type3A_345 = arith.sitofp %convert_element_type3A_344 : vector<1008x128xi32> to vector<1008x128xf32>
      %eq3A_346 = vector.broadcast %iota3A : vector<1008x1xi32> to vector<1008x128xi32>
      %eq3A_347 = vector.broadcast %reshape3A_340 : vector<1x128xi32> to vector<1008x128xi32>
      %eq3A_348 = arith.cmpi eq, %eq3A_346, %eq3A_347 : vector<1008x128xi32>
      %convert_element_type3A_349 = arith.extui %eq3A_348 : vector<1008x128xi1> to vector<1008x128xi32>
      %convert_element_type3A_350 = arith.sitofp %convert_element_type3A_349 : vector<1008x128xi32> to vector<1008x128xf32>
      %dot_general3A_351 = arith.constant dense<0.000000e+00> : vector<1008x1008xf32>
      %dot_general3A_352 = tpu.matmul %convert_element_type3A_350, %convert_element_type3A_345, %dot_general3A_351 {dimension_numbers = #tpu.dot_dimension_numbers<[1], [1], [0], [0], [0, 0, 1, 0], [], []>, transpose_lhs_hint = false} : vector<1008x128xf32>, vector<1008x128xf32>, vector<1008x1008xf32> -> vector<1008x1008xf32>
      %add3A_353 = arith.addf %add3A_330, %dot_general3A_352 : vector<1008x1008xf32>
      %get3A_354 = arith.constant 14 : index
      %get3A_355 = arith.constant 0 : index
      %get3A_356 = vector.load %arg7[%get3A_354, %get3A_355] : memref<32x128xi32, #tpu.memory_space<vmem>>, vector<1x128xi32>
      %get3A_357 = vector.shape_cast %get3A_356 : vector<1x128xi32> to vector<128xi32>
      %reshape3A_358 = vector.shape_cast %get3A_357 : vector<128xi32> to vector<1x128xi32>
      %get3A_359 = arith.constant 14 : index
      %get3A_360 = arith.constant 0 : index
      %get3A_361 = vector.load %arg8[%get3A_359, %get3A_360] : memref<32x128xi32, #tpu.memory_space<vmem>>, vector<1x128xi32>
      %get3A_362 = vector.shape_cast %get3A_361 : vector<1x128xi32> to vector<128xi32>
      %reshape3A_363 = vector.shape_cast %get3A_362 : vector<128xi32> to vector<1x128xi32>
      %eq3A_364 = vector.broadcast %iota3A : vector<1008x1xi32> to vector<1008x128xi32>
      %eq3A_365 = vector.broadcast %reshape3A_358 : vector<1x128xi32> to vector<1008x128xi32>
      %eq3A_366 = arith.cmpi eq, %eq3A_364, %eq3A_365 : vector<1008x128xi32>
      %convert_element_type3A_367 = arith.extui %eq3A_366 : vector<1008x128xi1> to vector<1008x128xi32>
      %convert_element_type3A_368 = arith.sitofp %convert_element_type3A_367 : vector<1008x128xi32> to vector<1008x128xf32>
      %eq3A_369 = vector.broadcast %iota3A : vector<1008x1xi32> to vector<1008x128xi32>
      %eq3A_370 = vector.broadcast %reshape3A_363 : vector<1x128xi32> to vector<1008x128xi32>
      %eq3A_371 = arith.cmpi eq, %eq3A_369, %eq3A_370 : vector<1008x128xi32>
      %convert_element_type3A_372 = arith.extui %eq3A_371 : vector<1008x128xi1> to vector<1008x128xi32>
      %convert_element_type3A_373 = arith.sitofp %convert_element_type3A_372 : vector<1008x128xi32> to vector<1008x128xf32>
      %dot_general3A_374 = arith.constant dense<0.000000e+00> : vector<1008x1008xf32>
      %dot_general3A_375 = tpu.matmul %convert_element_type3A_373, %convert_element_type3A_368, %dot_general3A_374 {dimension_numbers = #tpu.dot_dimension_numbers<[1], [1], [0], [0], [0, 0, 1, 0], [], []>, transpose_lhs_hint = false} : vector<1008x128xf32>, vector<1008x128xf32>, vector<1008x1008xf32> -> vector<1008x1008xf32>
      %add3A_376 = arith.addf %add3A_353, %dot_general3A_375 : vector<1008x1008xf32>
      %get3A_377 = arith.constant 15 : index
      %get3A_378 = arith.constant 0 : index
      %get3A_379 = vector.load %arg7[%get3A_377, %get3A_378] : memref<32x128xi32, #tpu.memory_space<vmem>>, vector<1x128xi32>
      %get3A_380 = vector.shape_cast %get3A_379 : vector<1x128xi32> to vector<128xi32>
      %reshape3A_381 = vector.shape_cast %get3A_380 : vector<128xi32> to vector<1x128xi32>
      %get3A_382 = arith.constant 15 : index
      %get3A_383 = arith.constant 0 : index
      %get3A_384 = vector.load %arg8[%get3A_382, %get3A_383] : memref<32x128xi32, #tpu.memory_space<vmem>>, vector<1x128xi32>
      %get3A_385 = vector.shape_cast %get3A_384 : vector<1x128xi32> to vector<128xi32>
      %reshape3A_386 = vector.shape_cast %get3A_385 : vector<128xi32> to vector<1x128xi32>
      %eq3A_387 = vector.broadcast %iota3A : vector<1008x1xi32> to vector<1008x128xi32>
      %eq3A_388 = vector.broadcast %reshape3A_381 : vector<1x128xi32> to vector<1008x128xi32>
      %eq3A_389 = arith.cmpi eq, %eq3A_387, %eq3A_388 : vector<1008x128xi32>
      %convert_element_type3A_390 = arith.extui %eq3A_389 : vector<1008x128xi1> to vector<1008x128xi32>
      %convert_element_type3A_391 = arith.sitofp %convert_element_type3A_390 : vector<1008x128xi32> to vector<1008x128xf32>
      %eq3A_392 = vector.broadcast %iota3A : vector<1008x1xi32> to vector<1008x128xi32>
      %eq3A_393 = vector.broadcast %reshape3A_386 : vector<1x128xi32> to vector<1008x128xi32>
      %eq3A_394 = arith.cmpi eq, %eq3A_392, %eq3A_393 : vector<1008x128xi32>
      %convert_element_type3A_395 = arith.extui %eq3A_394 : vector<1008x128xi1> to vector<1008x128xi32>
      %convert_element_type3A_396 = arith.sitofp %convert_element_type3A_395 : vector<1008x128xi32> to vector<1008x128xf32>
      %dot_general3A_397 = arith.constant dense<0.000000e+00> : vector<1008x1008xf32>
      %dot_general3A_398 = tpu.matmul %convert_element_type3A_396, %convert_element_type3A_391, %dot_general3A_397 {dimension_numbers = #tpu.dot_dimension_numbers<[1], [1], [0], [0], [0, 0, 1, 0], [], []>, transpose_lhs_hint = false} : vector<1008x128xf32>, vector<1008x128xf32>, vector<1008x1008xf32> -> vector<1008x1008xf32>
      %add3A_399 = arith.addf %add3A_376, %dot_general3A_398 : vector<1008x1008xf32>
      %get3A_400 = arith.constant 16 : index
      %get3A_401 = arith.constant 0 : index
      %get3A_402 = vector.load %arg7[%get3A_400, %get3A_401] : memref<32x128xi32, #tpu.memory_space<vmem>>, vector<1x128xi32>
      %get3A_403 = vector.shape_cast %get3A_402 : vector<1x128xi32> to vector<128xi32>
      %reshape3A_404 = vector.shape_cast %get3A_403 : vector<128xi32> to vector<1x128xi32>
      %get3A_405 = arith.constant 16 : index
      %get3A_406 = arith.constant 0 : index
      %get3A_407 = vector.load %arg8[%get3A_405, %get3A_406] : memref<32x128xi32, #tpu.memory_space<vmem>>, vector<1x128xi32>
      %get3A_408 = vector.shape_cast %get3A_407 : vector<1x128xi32> to vector<128xi32>
      %reshape3A_409 = vector.shape_cast %get3A_408 : vector<128xi32> to vector<1x128xi32>
      %eq3A_410 = vector.broadcast %iota3A : vector<1008x1xi32> to vector<1008x128xi32>
      %eq3A_411 = vector.broadcast %reshape3A_404 : vector<1x128xi32> to vector<1008x128xi32>
      %eq3A_412 = arith.cmpi eq, %eq3A_410, %eq3A_411 : vector<1008x128xi32>
      %convert_element_type3A_413 = arith.extui %eq3A_412 : vector<1008x128xi1> to vector<1008x128xi32>
      %convert_element_type3A_414 = arith.sitofp %convert_element_type3A_413 : vector<1008x128xi32> to vector<1008x128xf32>
      %eq3A_415 = vector.broadcast %iota3A : vector<1008x1xi32> to vector<1008x128xi32>
      %eq3A_416 = vector.broadcast %reshape3A_409 : vector<1x128xi32> to vector<1008x128xi32>
      %eq3A_417 = arith.cmpi eq, %eq3A_415, %eq3A_416 : vector<1008x128xi32>
      %convert_element_type3A_418 = arith.extui %eq3A_417 : vector<1008x128xi1> to vector<1008x128xi32>
      %convert_element_type3A_419 = arith.sitofp %convert_element_type3A_418 : vector<1008x128xi32> to vector<1008x128xf32>
      %dot_general3A_420 = arith.constant dense<0.000000e+00> : vector<1008x1008xf32>
      %dot_general3A_421 = tpu.matmul %convert_element_type3A_419, %convert_element_type3A_414, %dot_general3A_420 {dimension_numbers = #tpu.dot_dimension_numbers<[1], [1], [0], [0], [0, 0, 1, 0], [], []>, transpose_lhs_hint = false} : vector<1008x128xf32>, vector<1008x128xf32>, vector<1008x1008xf32> -> vector<1008x1008xf32>
      %add3A_422 = arith.addf %add3A_399, %dot_general3A_421 : vector<1008x1008xf32>
      %get3A_423 = arith.constant 17 : index
      %get3A_424 = arith.constant 0 : index
      %get3A_425 = vector.load %arg7[%get3A_423, %get3A_424] : memref<32x128xi32, #tpu.memory_space<vmem>>, vector<1x128xi32>
      %get3A_426 = vector.shape_cast %get3A_425 : vector<1x128xi32> to vector<128xi32>
      %reshape3A_427 = vector.shape_cast %get3A_426 : vector<128xi32> to vector<1x128xi32>
      %get3A_428 = arith.constant 17 : index
      %get3A_429 = arith.constant 0 : index
      %get3A_430 = vector.load %arg8[%get3A_428, %get3A_429] : memref<32x128xi32, #tpu.memory_space<vmem>>, vector<1x128xi32>
      %get3A_431 = vector.shape_cast %get3A_430 : vector<1x128xi32> to vector<128xi32>
      %reshape3A_432 = vector.shape_cast %get3A_431 : vector<128xi32> to vector<1x128xi32>
      %eq3A_433 = vector.broadcast %iota3A : vector<1008x1xi32> to vector<1008x128xi32>
      %eq3A_434 = vector.broadcast %reshape3A_427 : vector<1x128xi32> to vector<1008x128xi32>
      %eq3A_435 = arith.cmpi eq, %eq3A_433, %eq3A_434 : vector<1008x128xi32>
      %convert_element_type3A_436 = arith.extui %eq3A_435 : vector<1008x128xi1> to vector<1008x128xi32>
      %convert_element_type3A_437 = arith.sitofp %convert_element_type3A_436 : vector<1008x128xi32> to vector<1008x128xf32>
      %eq3A_438 = vector.broadcast %iota3A : vector<1008x1xi32> to vector<1008x128xi32>
      %eq3A_439 = vector.broadcast %reshape3A_432 : vector<1x128xi32> to vector<1008x128xi32>
      %eq3A_440 = arith.cmpi eq, %eq3A_438, %eq3A_439 : vector<1008x128xi32>
      %convert_element_type3A_441 = arith.extui %eq3A_440 : vector<1008x128xi1> to vector<1008x128xi32>
      %convert_element_type3A_442 = arith.sitofp %convert_element_type3A_441 : vector<1008x128xi32> to vector<1008x128xf32>
      %dot_general3A_443 = arith.constant dense<0.000000e+00> : vector<1008x1008xf32>
      %dot_general3A_444 = tpu.matmul %convert_element_type3A_442, %convert_element_type3A_437, %dot_general3A_443 {dimension_numbers = #tpu.dot_dimension_numbers<[1], [1], [0], [0], [0, 0, 1, 0], [], []>, transpose_lhs_hint = false} : vector<1008x128xf32>, vector<1008x128xf32>, vector<1008x1008xf32> -> vector<1008x1008xf32>
      %add3A_445 = arith.addf %add3A_422, %dot_general3A_444 : vector<1008x1008xf32>
      %get3A_446 = arith.constant 18 : index
      %get3A_447 = arith.constant 0 : index
      %get3A_448 = vector.load %arg7[%get3A_446, %get3A_447] : memref<32x128xi32, #tpu.memory_space<vmem>>, vector<1x128xi32>
      %get3A_449 = vector.shape_cast %get3A_448 : vector<1x128xi32> to vector<128xi32>
      %reshape3A_450 = vector.shape_cast %get3A_449 : vector<128xi32> to vector<1x128xi32>
      %get3A_451 = arith.constant 18 : index
      %get3A_452 = arith.constant 0 : index
      %get3A_453 = vector.load %arg8[%get3A_451, %get3A_452] : memref<32x128xi32, #tpu.memory_space<vmem>>, vector<1x128xi32>
      %get3A_454 = vector.shape_cast %get3A_453 : vector<1x128xi32> to vector<128xi32>
      %reshape3A_455 = vector.shape_cast %get3A_454 : vector<128xi32> to vector<1x128xi32>
      %eq3A_456 = vector.broadcast %iota3A : vector<1008x1xi32> to vector<1008x128xi32>
      %eq3A_457 = vector.broadcast %reshape3A_450 : vector<1x128xi32> to vector<1008x128xi32>
      %eq3A_458 = arith.cmpi eq, %eq3A_456, %eq3A_457 : vector<1008x128xi32>
      %convert_element_type3A_459 = arith.extui %eq3A_458 : vector<1008x128xi1> to vector<1008x128xi32>
      %convert_element_type3A_460 = arith.sitofp %convert_element_type3A_459 : vector<1008x128xi32> to vector<1008x128xf32>
      %eq3A_461 = vector.broadcast %iota3A : vector<1008x1xi32> to vector<1008x128xi32>
      %eq3A_462 = vector.broadcast %reshape3A_455 : vector<1x128xi32> to vector<1008x128xi32>
      %eq3A_463 = arith.cmpi eq, %eq3A_461, %eq3A_462 : vector<1008x128xi32>
      %convert_element_type3A_464 = arith.extui %eq3A_463 : vector<1008x128xi1> to vector<1008x128xi32>
      %convert_element_type3A_465 = arith.sitofp %convert_element_type3A_464 : vector<1008x128xi32> to vector<1008x128xf32>
      %dot_general3A_466 = arith.constant dense<0.000000e+00> : vector<1008x1008xf32>
      %dot_general3A_467 = tpu.matmul %convert_element_type3A_465, %convert_element_type3A_460, %dot_general3A_466 {dimension_numbers = #tpu.dot_dimension_numbers<[1], [1], [0], [0], [0, 0, 1, 0], [], []>, transpose_lhs_hint = false} : vector<1008x128xf32>, vector<1008x128xf32>, vector<1008x1008xf32> -> vector<1008x1008xf32>
      %add3A_468 = arith.addf %add3A_445, %dot_general3A_467 : vector<1008x1008xf32>
      %get3A_469 = arith.constant 19 : index
      %get3A_470 = arith.constant 0 : index
      %get3A_471 = vector.load %arg7[%get3A_469, %get3A_470] : memref<32x128xi32, #tpu.memory_space<vmem>>, vector<1x128xi32>
      %get3A_472 = vector.shape_cast %get3A_471 : vector<1x128xi32> to vector<128xi32>
      %reshape3A_473 = vector.shape_cast %get3A_472 : vector<128xi32> to vector<1x128xi32>
      %get3A_474 = arith.constant 19 : index
      %get3A_475 = arith.constant 0 : index
      %get3A_476 = vector.load %arg8[%get3A_474, %get3A_475] : memref<32x128xi32, #tpu.memory_space<vmem>>, vector<1x128xi32>
      %get3A_477 = vector.shape_cast %get3A_476 : vector<1x128xi32> to vector<128xi32>
      %reshape3A_478 = vector.shape_cast %get3A_477 : vector<128xi32> to vector<1x128xi32>
      %eq3A_479 = vector.broadcast %iota3A : vector<1008x1xi32> to vector<1008x128xi32>
      %eq3A_480 = vector.broadcast %reshape3A_473 : vector<1x128xi32> to vector<1008x128xi32>
      %eq3A_481 = arith.cmpi eq, %eq3A_479, %eq3A_480 : vector<1008x128xi32>
      %convert_element_type3A_482 = arith.extui %eq3A_481 : vector<1008x128xi1> to vector<1008x128xi32>
      %convert_element_type3A_483 = arith.sitofp %convert_element_type3A_482 : vector<1008x128xi32> to vector<1008x128xf32>
      %eq3A_484 = vector.broadcast %iota3A : vector<1008x1xi32> to vector<1008x128xi32>
      %eq3A_485 = vector.broadcast %reshape3A_478 : vector<1x128xi32> to vector<1008x128xi32>
      %eq3A_486 = arith.cmpi eq, %eq3A_484, %eq3A_485 : vector<1008x128xi32>
      %convert_element_type3A_487 = arith.extui %eq3A_486 : vector<1008x128xi1> to vector<1008x128xi32>
      %convert_element_type3A_488 = arith.sitofp %convert_element_type3A_487 : vector<1008x128xi32> to vector<1008x128xf32>
      %dot_general3A_489 = arith.constant dense<0.000000e+00> : vector<1008x1008xf32>
      %dot_general3A_490 = tpu.matmul %convert_element_type3A_488, %convert_element_type3A_483, %dot_general3A_489 {dimension_numbers = #tpu.dot_dimension_numbers<[1], [1], [0], [0], [0, 0, 1, 0], [], []>, transpose_lhs_hint = false} : vector<1008x128xf32>, vector<1008x128xf32>, vector<1008x1008xf32> -> vector<1008x1008xf32>
      %add3A_491 = arith.addf %add3A_468, %dot_general3A_490 : vector<1008x1008xf32>
      %get3A_492 = arith.constant 20 : index
      %get3A_493 = arith.constant 0 : index
      %get3A_494 = vector.load %arg7[%get3A_492, %get3A_493] : memref<32x128xi32, #tpu.memory_space<vmem>>, vector<1x128xi32>
      %get3A_495 = vector.shape_cast %get3A_494 : vector<1x128xi32> to vector<128xi32>
      %reshape3A_496 = vector.shape_cast %get3A_495 : vector<128xi32> to vector<1x128xi32>
      %get3A_497 = arith.constant 20 : index
      %get3A_498 = arith.constant 0 : index
      %get3A_499 = vector.load %arg8[%get3A_497, %get3A_498] : memref<32x128xi32, #tpu.memory_space<vmem>>, vector<1x128xi32>
      %get3A_500 = vector.shape_cast %get3A_499 : vector<1x128xi32> to vector<128xi32>
      %reshape3A_501 = vector.shape_cast %get3A_500 : vector<128xi32> to vector<1x128xi32>
      %eq3A_502 = vector.broadcast %iota3A : vector<1008x1xi32> to vector<1008x128xi32>
      %eq3A_503 = vector.broadcast %reshape3A_496 : vector<1x128xi32> to vector<1008x128xi32>
      %eq3A_504 = arith.cmpi eq, %eq3A_502, %eq3A_503 : vector<1008x128xi32>
      %convert_element_type3A_505 = arith.extui %eq3A_504 : vector<1008x128xi1> to vector<1008x128xi32>
      %convert_element_type3A_506 = arith.sitofp %convert_element_type3A_505 : vector<1008x128xi32> to vector<1008x128xf32>
      %eq3A_507 = vector.broadcast %iota3A : vector<1008x1xi32> to vector<1008x128xi32>
      %eq3A_508 = vector.broadcast %reshape3A_501 : vector<1x128xi32> to vector<1008x128xi32>
      %eq3A_509 = arith.cmpi eq, %eq3A_507, %eq3A_508 : vector<1008x128xi32>
      %convert_element_type3A_510 = arith.extui %eq3A_509 : vector<1008x128xi1> to vector<1008x128xi32>
      %convert_element_type3A_511 = arith.sitofp %convert_element_type3A_510 : vector<1008x128xi32> to vector<1008x128xf32>
      %dot_general3A_512 = arith.constant dense<0.000000e+00> : vector<1008x1008xf32>
      %dot_general3A_513 = tpu.matmul %convert_element_type3A_511, %convert_element_type3A_506, %dot_general3A_512 {dimension_numbers = #tpu.dot_dimension_numbers<[1], [1], [0], [0], [0, 0, 1, 0], [], []>, transpose_lhs_hint = false} : vector<1008x128xf32>, vector<1008x128xf32>, vector<1008x1008xf32> -> vector<1008x1008xf32>
      %add3A_514 = arith.addf %add3A_491, %dot_general3A_513 : vector<1008x1008xf32>
      %get3A_515 = arith.constant 21 : index
      %get3A_516 = arith.constant 0 : index
      %get3A_517 = vector.load %arg7[%get3A_515, %get3A_516] : memref<32x128xi32, #tpu.memory_space<vmem>>, vector<1x128xi32>
      %get3A_518 = vector.shape_cast %get3A_517 : vector<1x128xi32> to vector<128xi32>
      %reshape3A_519 = vector.shape_cast %get3A_518 : vector<128xi32> to vector<1x128xi32>
      %get3A_520 = arith.constant 21 : index
      %get3A_521 = arith.constant 0 : index
      %get3A_522 = vector.load %arg8[%get3A_520, %get3A_521] : memref<32x128xi32, #tpu.memory_space<vmem>>, vector<1x128xi32>
      %get3A_523 = vector.shape_cast %get3A_522 : vector<1x128xi32> to vector<128xi32>
      %reshape3A_524 = vector.shape_cast %get3A_523 : vector<128xi32> to vector<1x128xi32>
      %eq3A_525 = vector.broadcast %iota3A : vector<1008x1xi32> to vector<1008x128xi32>
      %eq3A_526 = vector.broadcast %reshape3A_519 : vector<1x128xi32> to vector<1008x128xi32>
      %eq3A_527 = arith.cmpi eq, %eq3A_525, %eq3A_526 : vector<1008x128xi32>
      %convert_element_type3A_528 = arith.extui %eq3A_527 : vector<1008x128xi1> to vector<1008x128xi32>
      %convert_element_type3A_529 = arith.sitofp %convert_element_type3A_528 : vector<1008x128xi32> to vector<1008x128xf32>
      %eq3A_530 = vector.broadcast %iota3A : vector<1008x1xi32> to vector<1008x128xi32>
      %eq3A_531 = vector.broadcast %reshape3A_524 : vector<1x128xi32> to vector<1008x128xi32>
      %eq3A_532 = arith.cmpi eq, %eq3A_530, %eq3A_531 : vector<1008x128xi32>
      %convert_element_type3A_533 = arith.extui %eq3A_532 : vector<1008x128xi1> to vector<1008x128xi32>
      %convert_element_type3A_534 = arith.sitofp %convert_element_type3A_533 : vector<1008x128xi32> to vector<1008x128xf32>
      %dot_general3A_535 = arith.constant dense<0.000000e+00> : vector<1008x1008xf32>
      %dot_general3A_536 = tpu.matmul %convert_element_type3A_534, %convert_element_type3A_529, %dot_general3A_535 {dimension_numbers = #tpu.dot_dimension_numbers<[1], [1], [0], [0], [0, 0, 1, 0], [], []>, transpose_lhs_hint = false} : vector<1008x128xf32>, vector<1008x128xf32>, vector<1008x1008xf32> -> vector<1008x1008xf32>
      %add3A_537 = arith.addf %add3A_514, %dot_general3A_536 : vector<1008x1008xf32>
      %get3A_538 = arith.constant 22 : index
      %get3A_539 = arith.constant 0 : index
      %get3A_540 = vector.load %arg7[%get3A_538, %get3A_539] : memref<32x128xi32, #tpu.memory_space<vmem>>, vector<1x128xi32>
      %get3A_541 = vector.shape_cast %get3A_540 : vector<1x128xi32> to vector<128xi32>
      %reshape3A_542 = vector.shape_cast %get3A_541 : vector<128xi32> to vector<1x128xi32>
      %get3A_543 = arith.constant 22 : index
      %get3A_544 = arith.constant 0 : index
      %get3A_545 = vector.load %arg8[%get3A_543, %get3A_544] : memref<32x128xi32, #tpu.memory_space<vmem>>, vector<1x128xi32>
      %get3A_546 = vector.shape_cast %get3A_545 : vector<1x128xi32> to vector<128xi32>
      %reshape3A_547 = vector.shape_cast %get3A_546 : vector<128xi32> to vector<1x128xi32>
      %eq3A_548 = vector.broadcast %iota3A : vector<1008x1xi32> to vector<1008x128xi32>
      %eq3A_549 = vector.broadcast %reshape3A_542 : vector<1x128xi32> to vector<1008x128xi32>
      %eq3A_550 = arith.cmpi eq, %eq3A_548, %eq3A_549 : vector<1008x128xi32>
      %convert_element_type3A_551 = arith.extui %eq3A_550 : vector<1008x128xi1> to vector<1008x128xi32>
      %convert_element_type3A_552 = arith.sitofp %convert_element_type3A_551 : vector<1008x128xi32> to vector<1008x128xf32>
      %eq3A_553 = vector.broadcast %iota3A : vector<1008x1xi32> to vector<1008x128xi32>
      %eq3A_554 = vector.broadcast %reshape3A_547 : vector<1x128xi32> to vector<1008x128xi32>
      %eq3A_555 = arith.cmpi eq, %eq3A_553, %eq3A_554 : vector<1008x128xi32>
      %convert_element_type3A_556 = arith.extui %eq3A_555 : vector<1008x128xi1> to vector<1008x128xi32>
      %convert_element_type3A_557 = arith.sitofp %convert_element_type3A_556 : vector<1008x128xi32> to vector<1008x128xf32>
      %dot_general3A_558 = arith.constant dense<0.000000e+00> : vector<1008x1008xf32>
      %dot_general3A_559 = tpu.matmul %convert_element_type3A_557, %convert_element_type3A_552, %dot_general3A_558 {dimension_numbers = #tpu.dot_dimension_numbers<[1], [1], [0], [0], [0, 0, 1, 0], [], []>, transpose_lhs_hint = false} : vector<1008x128xf32>, vector<1008x128xf32>, vector<1008x1008xf32> -> vector<1008x1008xf32>
      %add3A_560 = arith.addf %add3A_537, %dot_general3A_559 : vector<1008x1008xf32>
      %get3A_561 = arith.constant 23 : index
      %get3A_562 = arith.constant 0 : index
      %get3A_563 = vector.load %arg7[%get3A_561, %get3A_562] : memref<32x128xi32, #tpu.memory_space<vmem>>, vector<1x128xi32>
      %get3A_564 = vector.shape_cast %get3A_563 : vector<1x128xi32> to vector<128xi32>
      %reshape3A_565 = vector.shape_cast %get3A_564 : vector<128xi32> to vector<1x128xi32>
      %get3A_566 = arith.constant 23 : index
      %get3A_567 = arith.constant 0 : index
      %get3A_568 = vector.load %arg8[%get3A_566, %get3A_567] : memref<32x128xi32, #tpu.memory_space<vmem>>, vector<1x128xi32>
      %get3A_569 = vector.shape_cast %get3A_568 : vector<1x128xi32> to vector<128xi32>
      %reshape3A_570 = vector.shape_cast %get3A_569 : vector<128xi32> to vector<1x128xi32>
      %eq3A_571 = vector.broadcast %iota3A : vector<1008x1xi32> to vector<1008x128xi32>
      %eq3A_572 = vector.broadcast %reshape3A_565 : vector<1x128xi32> to vector<1008x128xi32>
      %eq3A_573 = arith.cmpi eq, %eq3A_571, %eq3A_572 : vector<1008x128xi32>
      %convert_element_type3A_574 = arith.extui %eq3A_573 : vector<1008x128xi1> to vector<1008x128xi32>
      %convert_element_type3A_575 = arith.sitofp %convert_element_type3A_574 : vector<1008x128xi32> to vector<1008x128xf32>
      %eq3A_576 = vector.broadcast %iota3A : vector<1008x1xi32> to vector<1008x128xi32>
      %eq3A_577 = vector.broadcast %reshape3A_570 : vector<1x128xi32> to vector<1008x128xi32>
      %eq3A_578 = arith.cmpi eq, %eq3A_576, %eq3A_577 : vector<1008x128xi32>
      %convert_element_type3A_579 = arith.extui %eq3A_578 : vector<1008x128xi1> to vector<1008x128xi32>
      %convert_element_type3A_580 = arith.sitofp %convert_element_type3A_579 : vector<1008x128xi32> to vector<1008x128xf32>
      %dot_general3A_581 = arith.constant dense<0.000000e+00> : vector<1008x1008xf32>
      %dot_general3A_582 = tpu.matmul %convert_element_type3A_580, %convert_element_type3A_575, %dot_general3A_581 {dimension_numbers = #tpu.dot_dimension_numbers<[1], [1], [0], [0], [0, 0, 1, 0], [], []>, transpose_lhs_hint = false} : vector<1008x128xf32>, vector<1008x128xf32>, vector<1008x1008xf32> -> vector<1008x1008xf32>
      %add3A_583 = arith.addf %add3A_560, %dot_general3A_582 : vector<1008x1008xf32>
      %get3A_584 = arith.constant 24 : index
      %get3A_585 = arith.constant 0 : index
      %get3A_586 = vector.load %arg7[%get3A_584, %get3A_585] : memref<32x128xi32, #tpu.memory_space<vmem>>, vector<1x128xi32>
      %get3A_587 = vector.shape_cast %get3A_586 : vector<1x128xi32> to vector<128xi32>
      %reshape3A_588 = vector.shape_cast %get3A_587 : vector<128xi32> to vector<1x128xi32>
      %get3A_589 = arith.constant 24 : index
      %get3A_590 = arith.constant 0 : index
      %get3A_591 = vector.load %arg8[%get3A_589, %get3A_590] : memref<32x128xi32, #tpu.memory_space<vmem>>, vector<1x128xi32>
      %get3A_592 = vector.shape_cast %get3A_591 : vector<1x128xi32> to vector<128xi32>
      %reshape3A_593 = vector.shape_cast %get3A_592 : vector<128xi32> to vector<1x128xi32>
      %eq3A_594 = vector.broadcast %iota3A : vector<1008x1xi32> to vector<1008x128xi32>
      %eq3A_595 = vector.broadcast %reshape3A_588 : vector<1x128xi32> to vector<1008x128xi32>
      %eq3A_596 = arith.cmpi eq, %eq3A_594, %eq3A_595 : vector<1008x128xi32>
      %convert_element_type3A_597 = arith.extui %eq3A_596 : vector<1008x128xi1> to vector<1008x128xi32>
      %convert_element_type3A_598 = arith.sitofp %convert_element_type3A_597 : vector<1008x128xi32> to vector<1008x128xf32>
      %eq3A_599 = vector.broadcast %iota3A : vector<1008x1xi32> to vector<1008x128xi32>
      %eq3A_600 = vector.broadcast %reshape3A_593 : vector<1x128xi32> to vector<1008x128xi32>
      %eq3A_601 = arith.cmpi eq, %eq3A_599, %eq3A_600 : vector<1008x128xi32>
      %convert_element_type3A_602 = arith.extui %eq3A_601 : vector<1008x128xi1> to vector<1008x128xi32>
      %convert_element_type3A_603 = arith.sitofp %convert_element_type3A_602 : vector<1008x128xi32> to vector<1008x128xf32>
      %dot_general3A_604 = arith.constant dense<0.000000e+00> : vector<1008x1008xf32>
      %dot_general3A_605 = tpu.matmul %convert_element_type3A_603, %convert_element_type3A_598, %dot_general3A_604 {dimension_numbers = #tpu.dot_dimension_numbers<[1], [1], [0], [0], [0, 0, 1, 0], [], []>, transpose_lhs_hint = false} : vector<1008x128xf32>, vector<1008x128xf32>, vector<1008x1008xf32> -> vector<1008x1008xf32>
      %add3A_606 = arith.addf %add3A_583, %dot_general3A_605 : vector<1008x1008xf32>
      %get3A_607 = arith.constant 25 : index
      %get3A_608 = arith.constant 0 : index
      %get3A_609 = vector.load %arg7[%get3A_607, %get3A_608] : memref<32x128xi32, #tpu.memory_space<vmem>>, vector<1x128xi32>
      %get3A_610 = vector.shape_cast %get3A_609 : vector<1x128xi32> to vector<128xi32>
      %reshape3A_611 = vector.shape_cast %get3A_610 : vector<128xi32> to vector<1x128xi32>
      %get3A_612 = arith.constant 25 : index
      %get3A_613 = arith.constant 0 : index
      %get3A_614 = vector.load %arg8[%get3A_612, %get3A_613] : memref<32x128xi32, #tpu.memory_space<vmem>>, vector<1x128xi32>
      %get3A_615 = vector.shape_cast %get3A_614 : vector<1x128xi32> to vector<128xi32>
      %reshape3A_616 = vector.shape_cast %get3A_615 : vector<128xi32> to vector<1x128xi32>
      %eq3A_617 = vector.broadcast %iota3A : vector<1008x1xi32> to vector<1008x128xi32>
      %eq3A_618 = vector.broadcast %reshape3A_611 : vector<1x128xi32> to vector<1008x128xi32>
      %eq3A_619 = arith.cmpi eq, %eq3A_617, %eq3A_618 : vector<1008x128xi32>
      %convert_element_type3A_620 = arith.extui %eq3A_619 : vector<1008x128xi1> to vector<1008x128xi32>
      %convert_element_type3A_621 = arith.sitofp %convert_element_type3A_620 : vector<1008x128xi32> to vector<1008x128xf32>
      %eq3A_622 = vector.broadcast %iota3A : vector<1008x1xi32> to vector<1008x128xi32>
      %eq3A_623 = vector.broadcast %reshape3A_616 : vector<1x128xi32> to vector<1008x128xi32>
      %eq3A_624 = arith.cmpi eq, %eq3A_622, %eq3A_623 : vector<1008x128xi32>
      %convert_element_type3A_625 = arith.extui %eq3A_624 : vector<1008x128xi1> to vector<1008x128xi32>
      %convert_element_type3A_626 = arith.sitofp %convert_element_type3A_625 : vector<1008x128xi32> to vector<1008x128xf32>
      %dot_general3A_627 = arith.constant dense<0.000000e+00> : vector<1008x1008xf32>
      %dot_general3A_628 = tpu.matmul %convert_element_type3A_626, %convert_element_type3A_621, %dot_general3A_627 {dimension_numbers = #tpu.dot_dimension_numbers<[1], [1], [0], [0], [0, 0, 1, 0], [], []>, transpose_lhs_hint = false} : vector<1008x128xf32>, vector<1008x128xf32>, vector<1008x1008xf32> -> vector<1008x1008xf32>
      %add3A_629 = arith.addf %add3A_606, %dot_general3A_628 : vector<1008x1008xf32>
      %get3A_630 = arith.constant 26 : index
      %get3A_631 = arith.constant 0 : index
      %get3A_632 = vector.load %arg7[%get3A_630, %get3A_631] : memref<32x128xi32, #tpu.memory_space<vmem>>, vector<1x128xi32>
      %get3A_633 = vector.shape_cast %get3A_632 : vector<1x128xi32> to vector<128xi32>
      %reshape3A_634 = vector.shape_cast %get3A_633 : vector<128xi32> to vector<1x128xi32>
      %get3A_635 = arith.constant 26 : index
      %get3A_636 = arith.constant 0 : index
      %get3A_637 = vector.load %arg8[%get3A_635, %get3A_636] : memref<32x128xi32, #tpu.memory_space<vmem>>, vector<1x128xi32>
      %get3A_638 = vector.shape_cast %get3A_637 : vector<1x128xi32> to vector<128xi32>
      %reshape3A_639 = vector.shape_cast %get3A_638 : vector<128xi32> to vector<1x128xi32>
      %eq3A_640 = vector.broadcast %iota3A : vector<1008x1xi32> to vector<1008x128xi32>
      %eq3A_641 = vector.broadcast %reshape3A_634 : vector<1x128xi32> to vector<1008x128xi32>
      %eq3A_642 = arith.cmpi eq, %eq3A_640, %eq3A_641 : vector<1008x128xi32>
      %convert_element_type3A_643 = arith.extui %eq3A_642 : vector<1008x128xi1> to vector<1008x128xi32>
      %convert_element_type3A_644 = arith.sitofp %convert_element_type3A_643 : vector<1008x128xi32> to vector<1008x128xf32>
      %eq3A_645 = vector.broadcast %iota3A : vector<1008x1xi32> to vector<1008x128xi32>
      %eq3A_646 = vector.broadcast %reshape3A_639 : vector<1x128xi32> to vector<1008x128xi32>
      %eq3A_647 = arith.cmpi eq, %eq3A_645, %eq3A_646 : vector<1008x128xi32>
      %convert_element_type3A_648 = arith.extui %eq3A_647 : vector<1008x128xi1> to vector<1008x128xi32>
      %convert_element_type3A_649 = arith.sitofp %convert_element_type3A_648 : vector<1008x128xi32> to vector<1008x128xf32>
      %dot_general3A_650 = arith.constant dense<0.000000e+00> : vector<1008x1008xf32>
      %dot_general3A_651 = tpu.matmul %convert_element_type3A_649, %convert_element_type3A_644, %dot_general3A_650 {dimension_numbers = #tpu.dot_dimension_numbers<[1], [1], [0], [0], [0, 0, 1, 0], [], []>, transpose_lhs_hint = false} : vector<1008x128xf32>, vector<1008x128xf32>, vector<1008x1008xf32> -> vector<1008x1008xf32>
      %add3A_652 = arith.addf %add3A_629, %dot_general3A_651 : vector<1008x1008xf32>
      %get3A_653 = arith.constant 27 : index
      %get3A_654 = arith.constant 0 : index
      %get3A_655 = vector.load %arg7[%get3A_653, %get3A_654] : memref<32x128xi32, #tpu.memory_space<vmem>>, vector<1x128xi32>
      %get3A_656 = vector.shape_cast %get3A_655 : vector<1x128xi32> to vector<128xi32>
      %reshape3A_657 = vector.shape_cast %get3A_656 : vector<128xi32> to vector<1x128xi32>
      %get3A_658 = arith.constant 27 : index
      %get3A_659 = arith.constant 0 : index
      %get3A_660 = vector.load %arg8[%get3A_658, %get3A_659] : memref<32x128xi32, #tpu.memory_space<vmem>>, vector<1x128xi32>
      %get3A_661 = vector.shape_cast %get3A_660 : vector<1x128xi32> to vector<128xi32>
      %reshape3A_662 = vector.shape_cast %get3A_661 : vector<128xi32> to vector<1x128xi32>
      %eq3A_663 = vector.broadcast %iota3A : vector<1008x1xi32> to vector<1008x128xi32>
      %eq3A_664 = vector.broadcast %reshape3A_657 : vector<1x128xi32> to vector<1008x128xi32>
      %eq3A_665 = arith.cmpi eq, %eq3A_663, %eq3A_664 : vector<1008x128xi32>
      %convert_element_type3A_666 = arith.extui %eq3A_665 : vector<1008x128xi1> to vector<1008x128xi32>
      %convert_element_type3A_667 = arith.sitofp %convert_element_type3A_666 : vector<1008x128xi32> to vector<1008x128xf32>
      %eq3A_668 = vector.broadcast %iota3A : vector<1008x1xi32> to vector<1008x128xi32>
      %eq3A_669 = vector.broadcast %reshape3A_662 : vector<1x128xi32> to vector<1008x128xi32>
      %eq3A_670 = arith.cmpi eq, %eq3A_668, %eq3A_669 : vector<1008x128xi32>
      %convert_element_type3A_671 = arith.extui %eq3A_670 : vector<1008x128xi1> to vector<1008x128xi32>
      %convert_element_type3A_672 = arith.sitofp %convert_element_type3A_671 : vector<1008x128xi32> to vector<1008x128xf32>
      %dot_general3A_673 = arith.constant dense<0.000000e+00> : vector<1008x1008xf32>
      %dot_general3A_674 = tpu.matmul %convert_element_type3A_672, %convert_element_type3A_667, %dot_general3A_673 {dimension_numbers = #tpu.dot_dimension_numbers<[1], [1], [0], [0], [0, 0, 1, 0], [], []>, transpose_lhs_hint = false} : vector<1008x128xf32>, vector<1008x128xf32>, vector<1008x1008xf32> -> vector<1008x1008xf32>
      %add3A_675 = arith.addf %add3A_652, %dot_general3A_674 : vector<1008x1008xf32>
      %get3A_676 = arith.constant 28 : index
      %get3A_677 = arith.constant 0 : index
      %get3A_678 = vector.load %arg7[%get3A_676, %get3A_677] : memref<32x128xi32, #tpu.memory_space<vmem>>, vector<1x128xi32>
      %get3A_679 = vector.shape_cast %get3A_678 : vector<1x128xi32> to vector<128xi32>
      %reshape3A_680 = vector.shape_cast %get3A_679 : vector<128xi32> to vector<1x128xi32>
      %get3A_681 = arith.constant 28 : index
      %get3A_682 = arith.constant 0 : index
      %get3A_683 = vector.load %arg8[%get3A_681, %get3A_682] : memref<32x128xi32, #tpu.memory_space<vmem>>, vector<1x128xi32>
      %get3A_684 = vector.shape_cast %get3A_683 : vector<1x128xi32> to vector<128xi32>
      %reshape3A_685 = vector.shape_cast %get3A_684 : vector<128xi32> to vector<1x128xi32>
      %eq3A_686 = vector.broadcast %iota3A : vector<1008x1xi32> to vector<1008x128xi32>
      %eq3A_687 = vector.broadcast %reshape3A_680 : vector<1x128xi32> to vector<1008x128xi32>
      %eq3A_688 = arith.cmpi eq, %eq3A_686, %eq3A_687 : vector<1008x128xi32>
      %convert_element_type3A_689 = arith.extui %eq3A_688 : vector<1008x128xi1> to vector<1008x128xi32>
      %convert_element_type3A_690 = arith.sitofp %convert_element_type3A_689 : vector<1008x128xi32> to vector<1008x128xf32>
      %eq3A_691 = vector.broadcast %iota3A : vector<1008x1xi32> to vector<1008x128xi32>
      %eq3A_692 = vector.broadcast %reshape3A_685 : vector<1x128xi32> to vector<1008x128xi32>
      %eq3A_693 = arith.cmpi eq, %eq3A_691, %eq3A_692 : vector<1008x128xi32>
      %convert_element_type3A_694 = arith.extui %eq3A_693 : vector<1008x128xi1> to vector<1008x128xi32>
      %convert_element_type3A_695 = arith.sitofp %convert_element_type3A_694 : vector<1008x128xi32> to vector<1008x128xf32>
      %dot_general3A_696 = arith.constant dense<0.000000e+00> : vector<1008x1008xf32>
      %dot_general3A_697 = tpu.matmul %convert_element_type3A_695, %convert_element_type3A_690, %dot_general3A_696 {dimension_numbers = #tpu.dot_dimension_numbers<[1], [1], [0], [0], [0, 0, 1, 0], [], []>, transpose_lhs_hint = false} : vector<1008x128xf32>, vector<1008x128xf32>, vector<1008x1008xf32> -> vector<1008x1008xf32>
      %add3A_698 = arith.addf %add3A_675, %dot_general3A_697 : vector<1008x1008xf32>
      %get3A_699 = arith.constant 29 : index
      %get3A_700 = arith.constant 0 : index
      %get3A_701 = vector.load %arg7[%get3A_699, %get3A_700] : memref<32x128xi32, #tpu.memory_space<vmem>>, vector<1x128xi32>
      %get3A_702 = vector.shape_cast %get3A_701 : vector<1x128xi32> to vector<128xi32>
      %reshape3A_703 = vector.shape_cast %get3A_702 : vector<128xi32> to vector<1x128xi32>
      %get3A_704 = arith.constant 29 : index
      %get3A_705 = arith.constant 0 : index
      %get3A_706 = vector.load %arg8[%get3A_704, %get3A_705] : memref<32x128xi32, #tpu.memory_space<vmem>>, vector<1x128xi32>
      %get3A_707 = vector.shape_cast %get3A_706 : vector<1x128xi32> to vector<128xi32>
      %reshape3A_708 = vector.shape_cast %get3A_707 : vector<128xi32> to vector<1x128xi32>
      %eq3A_709 = vector.broadcast %iota3A : vector<1008x1xi32> to vector<1008x128xi32>
      %eq3A_710 = vector.broadcast %reshape3A_703 : vector<1x128xi32> to vector<1008x128xi32>
      %eq3A_711 = arith.cmpi eq, %eq3A_709, %eq3A_710 : vector<1008x128xi32>
      %convert_element_type3A_712 = arith.extui %eq3A_711 : vector<1008x128xi1> to vector<1008x128xi32>
      %convert_element_type3A_713 = arith.sitofp %convert_element_type3A_712 : vector<1008x128xi32> to vector<1008x128xf32>
      %eq3A_714 = vector.broadcast %iota3A : vector<1008x1xi32> to vector<1008x128xi32>
      %eq3A_715 = vector.broadcast %reshape3A_708 : vector<1x128xi32> to vector<1008x128xi32>
      %eq3A_716 = arith.cmpi eq, %eq3A_714, %eq3A_715 : vector<1008x128xi32>
      %convert_element_type3A_717 = arith.extui %eq3A_716 : vector<1008x128xi1> to vector<1008x128xi32>
      %convert_element_type3A_718 = arith.sitofp %convert_element_type3A_717 : vector<1008x128xi32> to vector<1008x128xf32>
      %dot_general3A_719 = arith.constant dense<0.000000e+00> : vector<1008x1008xf32>
      %dot_general3A_720 = tpu.matmul %convert_element_type3A_718, %convert_element_type3A_713, %dot_general3A_719 {dimension_numbers = #tpu.dot_dimension_numbers<[1], [1], [0], [0], [0, 0, 1, 0], [], []>, transpose_lhs_hint = false} : vector<1008x128xf32>, vector<1008x128xf32>, vector<1008x1008xf32> -> vector<1008x1008xf32>
      %add3A_721 = arith.addf %add3A_698, %dot_general3A_720 : vector<1008x1008xf32>
      %get3A_722 = arith.constant 30 : index
      %get3A_723 = arith.constant 0 : index
      %get3A_724 = vector.load %arg7[%get3A_722, %get3A_723] : memref<32x128xi32, #tpu.memory_space<vmem>>, vector<1x128xi32>
      %get3A_725 = vector.shape_cast %get3A_724 : vector<1x128xi32> to vector<128xi32>
      %reshape3A_726 = vector.shape_cast %get3A_725 : vector<128xi32> to vector<1x128xi32>
      %get3A_727 = arith.constant 30 : index
      %get3A_728 = arith.constant 0 : index
      %get3A_729 = vector.load %arg8[%get3A_727, %get3A_728] : memref<32x128xi32, #tpu.memory_space<vmem>>, vector<1x128xi32>
      %get3A_730 = vector.shape_cast %get3A_729 : vector<1x128xi32> to vector<128xi32>
      %reshape3A_731 = vector.shape_cast %get3A_730 : vector<128xi32> to vector<1x128xi32>
      %eq3A_732 = vector.broadcast %iota3A : vector<1008x1xi32> to vector<1008x128xi32>
      %eq3A_733 = vector.broadcast %reshape3A_726 : vector<1x128xi32> to vector<1008x128xi32>
      %eq3A_734 = arith.cmpi eq, %eq3A_732, %eq3A_733 : vector<1008x128xi32>
      %convert_element_type3A_735 = arith.extui %eq3A_734 : vector<1008x128xi1> to vector<1008x128xi32>
      %convert_element_type3A_736 = arith.sitofp %convert_element_type3A_735 : vector<1008x128xi32> to vector<1008x128xf32>
      %eq3A_737 = vector.broadcast %iota3A : vector<1008x1xi32> to vector<1008x128xi32>
      %eq3A_738 = vector.broadcast %reshape3A_731 : vector<1x128xi32> to vector<1008x128xi32>
      %eq3A_739 = arith.cmpi eq, %eq3A_737, %eq3A_738 : vector<1008x128xi32>
      %convert_element_type3A_740 = arith.extui %eq3A_739 : vector<1008x128xi1> to vector<1008x128xi32>
      %convert_element_type3A_741 = arith.sitofp %convert_element_type3A_740 : vector<1008x128xi32> to vector<1008x128xf32>
      %dot_general3A_742 = arith.constant dense<0.000000e+00> : vector<1008x1008xf32>
      %dot_general3A_743 = tpu.matmul %convert_element_type3A_741, %convert_element_type3A_736, %dot_general3A_742 {dimension_numbers = #tpu.dot_dimension_numbers<[1], [1], [0], [0], [0, 0, 1, 0], [], []>, transpose_lhs_hint = false} : vector<1008x128xf32>, vector<1008x128xf32>, vector<1008x1008xf32> -> vector<1008x1008xf32>
      %add3A_744 = arith.addf %add3A_721, %dot_general3A_743 : vector<1008x1008xf32>
      %get3A_745 = arith.constant 31 : index
      %get3A_746 = arith.constant 0 : index
      %get3A_747 = vector.load %arg7[%get3A_745, %get3A_746] : memref<32x128xi32, #tpu.memory_space<vmem>>, vector<1x128xi32>
      %get3A_748 = vector.shape_cast %get3A_747 : vector<1x128xi32> to vector<128xi32>
      %reshape3A_749 = vector.shape_cast %get3A_748 : vector<128xi32> to vector<1x128xi32>
      %get3A_750 = arith.constant 31 : index
      %get3A_751 = arith.constant 0 : index
      %get3A_752 = vector.load %arg8[%get3A_750, %get3A_751] : memref<32x128xi32, #tpu.memory_space<vmem>>, vector<1x128xi32>
      %get3A_753 = vector.shape_cast %get3A_752 : vector<1x128xi32> to vector<128xi32>
      %reshape3A_754 = vector.shape_cast %get3A_753 : vector<128xi32> to vector<1x128xi32>
      %eq3A_755 = vector.broadcast %iota3A : vector<1008x1xi32> to vector<1008x128xi32>
      %eq3A_756 = vector.broadcast %reshape3A_749 : vector<1x128xi32> to vector<1008x128xi32>
      %eq3A_757 = arith.cmpi eq, %eq3A_755, %eq3A_756 : vector<1008x128xi32>
      %convert_element_type3A_758 = arith.extui %eq3A_757 : vector<1008x128xi1> to vector<1008x128xi32>
      %convert_element_type3A_759 = arith.sitofp %convert_element_type3A_758 : vector<1008x128xi32> to vector<1008x128xf32>
      %eq3A_760 = vector.broadcast %iota3A : vector<1008x1xi32> to vector<1008x128xi32>
      %eq3A_761 = vector.broadcast %reshape3A_754 : vector<1x128xi32> to vector<1008x128xi32>
      %eq3A_762 = arith.cmpi eq, %eq3A_760, %eq3A_761 : vector<1008x128xi32>
      %convert_element_type3A_763 = arith.extui %eq3A_762 : vector<1008x128xi1> to vector<1008x128xi32>
      %convert_element_type3A_764 = arith.sitofp %convert_element_type3A_763 : vector<1008x128xi32> to vector<1008x128xf32>
      %dot_general3A_765 = arith.constant dense<0.000000e+00> : vector<1008x1008xf32>
      %dot_general3A_766 = tpu.matmul %convert_element_type3A_764, %convert_element_type3A_759, %dot_general3A_765 {dimension_numbers = #tpu.dot_dimension_numbers<[1], [1], [0], [0], [0, 0, 1, 0], [], []>, transpose_lhs_hint = false} : vector<1008x128xf32>, vector<1008x128xf32>, vector<1008x1008xf32> -> vector<1008x1008xf32>
      %add3A_767 = arith.addf %add3A_744, %dot_general3A_766 : vector<1008x1008xf32>
      %swap3A_768 = arith.constant 0 : index
      %swap3A_769 = arith.constant 0 : index
      %swap3A_770 = vector.load %arg15[%swap3A_768, %swap3A_769] : memref<1008x1008xf32, #tpu.memory_space<vmem>>, vector<1008x1008xf32>
      tpu.vector_store %arg15[%swap3A_768, %swap3A_769], %add3A_767 {strides = array<i32>} : memref<1008x1008xf32, #tpu.memory_space<vmem>>, vector<1008x1008xf32>,
      %broadcast_in_dim3A_771 = arith.constant 1.000000e+00 : f32
      %broadcast_in_dim3A_772 = vector.broadcast %broadcast_in_dim3A_771 : f32 to vector<1008x1xf32>
      %dot_general3A_773 = arith.constant dense<0.000000e+00> : vector<1008x1xf32>
      %dot_general3A_774 = tpu.matmul %add3A_767, %broadcast_in_dim3A_772, %dot_general3A_773 {dimension_numbers = #tpu.dot_dimension_numbers<[1], [0], [0], [1], [0, 0, 1, 1], [], []>, transpose_lhs_hint = false} : vector<1008x1008xf32>, vector<1008x1xf32>, vector<1008x1xf32> -> vector<1008x1xf32>
      %max3A_775 = arith.constant 1.000000e+00 : f32
      %max3A_776 = vector.broadcast %max3A_775 : f32 to vector<1008x1xf32>
      %max3A_777 = arith.maximumf %dot_general3A_774, %max3A_776 : vector<1008x1xf32>
      %get3A_778 = arith.constant 0 : index
      %get3A_779 = arith.constant 0 : index
      %get3A_780 = vector.load %arg9[%get3A_778, %get3A_779] : memref<1008x128xf32, #tpu.memory_space<vmem>>, vector<1008x128xf32>
      %dot_general3A_781 = arith.constant dense<0.000000e+00> : vector<1008x128xf32>
      %dot_general3A_782 = tpu.matmul %add3A_767, %get3A_780, %dot_general3A_781 {dimension_numbers = #tpu.dot_dimension_numbers<[1], [0], [0], [1], [0, 0, 1, 1], [], []>, transpose_lhs_hint = false} : vector<1008x1008xf32>, vector<1008x128xf32>, vector<1008x128xf32> -> vector<1008x128xf32>
      %div3A_783 = vector.broadcast %max3A_777 : vector<1008x1xf32> to vector<1008x128xf32>
      %div3A_784 = arith.divf %dot_general3A_782, %div3A_783 : vector<1008x128xf32>
      %get3A_785 = arith.constant 0 : index
      %get3A_786 = arith.constant 0 : index
      %get3A_787 = vector.load %arg9[%get3A_785, %get3A_786] : memref<1008x128xf32, #tpu.memory_space<vmem>>, vector<1008x128xf32>
      %add3A_788 = arith.addf %div3A_784, %get3A_787 : vector<1008x128xf32>
      %get3A_789 = arith.constant 0 : index
      %get3A_790 = arith.constant 0 : index
      %get3A_791 = vector.load %arg10[%get3A_789, %get3A_790] : memref<128x256xf32, #tpu.memory_space<vmem>>, vector<128x256xf32>
      %dot_general3A_792 = arith.constant dense<0.000000e+00> : vector<1008x256xf32>
      %dot_general3A_793 = tpu.matmul %add3A_788, %get3A_791, %dot_general3A_792 {dimension_numbers = #tpu.dot_dimension_numbers<[1], [0], [0], [1], [0, 0, 1, 1], [], []>, transpose_lhs_hint = false} : vector<1008x128xf32>, vector<128x256xf32>, vector<1008x256xf32> -> vector<1008x256xf32>
      %get3A_794 = arith.constant 0 : index
      %get3A_795 = arith.constant 0 : index
      %get3A_796 = vector.load %arg11[%get3A_794, %get3A_795] : memref<1x256xf32, #tpu.memory_space<vmem>>, vector<1x256xf32>
      %add3A_797 = vector.broadcast %get3A_796 : vector<1x256xf32> to vector<1008x256xf32>
      %add3A_798 = arith.addf %dot_general3A_793, %add3A_797 : vector<1008x256xf32>
      %max3A_799 = arith.constant 0.000000e+00 : f32
      %max3A_800 = vector.broadcast %max3A_799 : f32 to vector<1008x256xf32>
      %max3A_801 = arith.maximumf %add3A_798, %max3A_800 : vector<1008x256xf32>
      %get3A_802 = arith.constant 0 : index
      %get3A_803 = arith.constant 0 : index
      %get3A_804 = vector.load %arg12[%get3A_802, %get3A_803] : memref<256x128xf32, #tpu.memory_space<vmem>>, vector<256x128xf32>
      %dot_general3A_805 = arith.constant dense<0.000000e+00> : vector<1008x128xf32>
      %dot_general3A_806 = tpu.matmul %max3A_801, %get3A_804, %dot_general3A_805 {dimension_numbers = #tpu.dot_dimension_numbers<[1], [0], [0], [1], [0, 0, 1, 1], [], []>, transpose_lhs_hint = false} : vector<1008x256xf32>, vector<256x128xf32>, vector<1008x128xf32> -> vector<1008x128xf32>
      %swap3A_807 = arith.constant 0 : index
      %swap3A_808 = arith.constant 0 : index
      %swap3A_809 = vector.load %arg14[%swap3A_807, %swap3A_808] : memref<1008x128xf32, #tpu.memory_space<vmem>>, vector<1008x128xf32>
      tpu.vector_store %arg14[%swap3A_807, %swap3A_808], %dot_general3A_806 {strides = array<i32>} : memref<1008x128xf32, #tpu.memory_space<vmem>>, vector<1008x128xf32>,
    } else {
    }
    return
  }
  func.func @transform_0(%arg0: i32) -> (i32, i32) {
    %c0_i32 = arith.constant 0 : i32
    %c0_i32_0 = arith.constant 0 : i32
    return %arg0, %c0_i32 : i32, i32
  }
  func.func @transform_1(%arg0: i32) -> (i32, i32) {
    %c0_i32 = arith.constant 0 : i32
    %c0_i32_0 = arith.constant 0 : i32
    return %arg0, %c0_i32 : i32, i32
  }
  func.func @transform_2(%arg0: i32) -> (i32, i32) {
    %c0_i32 = arith.constant 0 : i32
    %c0_i32_0 = arith.constant 0 : i32
    return %arg0, %c0_i32 : i32, i32
  }
  func.func @transform_3(%arg0: i32) -> (i32, i32) {
    %c0_i32 = arith.constant 0 : i32
    %c0_i32_0 = arith.constant 0 : i32
    %c0_i32_1 = arith.constant 0 : i32
    return %c0_i32, %c0_i32_0 : i32, i32
  }
  func.func @transform_4(%arg0: i32) -> (i32, i32) {
    %c0_i32 = arith.constant 0 : i32
    %c0_i32_0 = arith.constant 0 : i32
    %c0_i32_1 = arith.constant 0 : i32
    return %c0_i32, %c0_i32_0 : i32, i32
  }
  func.func @transform_5(%arg0: i32) -> (i32, i32) {
    %c0_i32 = arith.constant 0 : i32
    %c0_i32_0 = arith.constant 0 : i32
    %c0_i32_1 = arith.constant 0 : i32
    return %c0_i32, %c0_i32_0 : i32, i32
  }
  func.func @transform_6(%arg0: i32) -> (i32, i32) {
    %c0_i32 = arith.constant 0 : i32
    %c0_i32_0 = arith.constant 0 : i32
    %c0_i32_1 = arith.constant 0 : i32
    return %c0_i32, %c0_i32_0 : i32, i32
  }
  func.func @transform_7(%arg0: i32) -> (i32, i32) {
    %c0_i32 = arith.constant 0 : i32
    %c0_i32_0 = arith.constant 0 : i32
    %c0_i32_1 = arith.constant 0 : i32
    return %c0_i32, %c0_i32_0 : i32, i32
  }
  func.func @transform_8(%arg0: i32) -> (i32, i32) {
    %c0_i32 = arith.constant 0 : i32
    %c0_i32_0 = arith.constant 0 : i32
    %c0_i32_1 = arith.constant 0 : i32
    return %c0_i32, %c0_i32_0 : i32, i32
  }
  func.func @transform_9(%arg0: i32) -> (i32, i32) {
    %c0_i32 = arith.constant 0 : i32
    %c0_i32_0 = arith.constant 0 : i32
    %c0_i32_1 = arith.constant 0 : i32
    return %c0_i32, %c0_i32_0 : i32, i32
  }
  func.func @transform_10(%arg0: i32) -> (i32, i32) {
    %c0_i32 = arith.constant 0 : i32
    %c0_i32_0 = arith.constant 0 : i32
    %c0_i32_1 = arith.constant 0 : i32
    return %c0_i32, %c0_i32_0 : i32, i32
  }
  func.func @transform_11(%arg0: i32) -> (i32, i32) {
    %c0_i32 = arith.constant 0 : i32
    %c0_i32_0 = arith.constant 0 : i32
    %c0_i32_1 = arith.constant 0 : i32
    return %c0_i32, %c0_i32_0 : i32, i32
  }
  func.func @transform_12(%arg0: i32) -> (i32, i32) {
    %c0_i32 = arith.constant 0 : i32
    %c0_i32_0 = arith.constant 0 : i32
    return %arg0, %c0_i32 : i32, i32
  }
  func.func @transform_13(%arg0: i32) -> (i32, i32) {
    %c0_i32 = arith.constant 0 : i32
    %c0_i32_0 = arith.constant 0 : i32
    %c0_i32_1 = arith.constant 0 : i32
    return %c0_i32, %c0_i32_0 : i32, i32
  }
  func.func @transform_14(%arg0: i32) -> (i32, i32) {
    %c0_i32 = arith.constant 0 : i32
    %c0_i32_0 = arith.constant 0 : i32
    %c0_i32_1 = arith.constant 0 : i32
    return %c0_i32, %c0_i32_0 : i32, i32
  }
}

module attributes {stable_mosaic.version = 14 : i64} {
  func.func @_tc2_body(%arg0: i32, %arg1: memref<1x1xi32, #tpu.memory_space<smem>>, %arg2: memref<1024x128xf32, #tpu.memory_space<vmem>>, %arg3: memref<1024x128xf32, #tpu.memory_space<vmem>>, %arg4: memref<1024x128xf32, #tpu.memory_space<vmem>>, %arg5: memref<1x128xf32, #tpu.memory_space<vmem>>, %arg6: memref<128x1xf32, #tpu.memory_space<vmem>>, %arg7: memref<1008x1008xf32, #tpu.memory_space<vmem>>, %arg8: memref<1008x128xf32, #tpu.memory_space<vmem>>, %arg9: memref<1x128xf32, #tpu.memory_space<vmem>>, %arg10: memref<128x128xf32, #tpu.memory_space<vmem>>, %arg11: memref<256x256xf32, #tpu.memory_space<vmem>>, %arg12: memref<1x256xf32, #tpu.memory_space<vmem>>, %arg13: memref<256x256xf32, #tpu.memory_space<vmem>>, %arg14: memref<1x256xf32, #tpu.memory_space<vmem>>, %arg15: memref<1x256xf32, #tpu.memory_space<vmem>>, %arg16: memref<1x128xf32, #tpu.memory_space<vmem>>, %arg17: memref<2xf32, #tpu.memory_space<smem>>) attributes {dimension_semantics = [#tpu.dimension_semantics<arbitrary>], iteration_bounds = array<i64: 11>, scalar_prefetch = 0 : i64, scratch_operands = 2 : i64, tpu.core_type = #tpu.core_type<tc>, window_params = [{transform_indices = @transform_0, window_bounds = array<i64: 1, 1>}, {transform_indices = @transform_1, window_bounds = array<i64: 1024, 128>}, {transform_indices = @transform_2, window_bounds = array<i64: 1024, 128>}, {transform_indices = @transform_3, window_bounds = array<i64: 1024, 128>}, {pipeline_mode = #tpu.pipeline_mode<synchronous>, transform_indices = @transform_4, window_bounds = array<i64: 1, 128>}, {pipeline_mode = #tpu.pipeline_mode<synchronous>, transform_indices = @transform_5, window_bounds = array<i64: 128, 1>}, {pipeline_mode = #tpu.pipeline_mode<synchronous>, transform_indices = @transform_6, window_bounds = array<i64: 1008, 1008>}, {pipeline_mode = #tpu.pipeline_mode<synchronous>, transform_indices = @transform_7, window_bounds = array<i64: 1008, 128>}, {pipeline_mode = #tpu.pipeline_mode<synchronous>, transform_indices = @transform_8, window_bounds = array<i64: 1, 128>}, {pipeline_mode = #tpu.pipeline_mode<synchronous>, transform_indices = @transform_9, window_bounds = array<i64: 128, 128>}, {pipeline_mode = #tpu.pipeline_mode<synchronous>, transform_indices = @transform_10, window_bounds = array<i64: 256, 256>}, {pipeline_mode = #tpu.pipeline_mode<synchronous>, transform_indices = @transform_11, window_bounds = array<i64: 1, 256>}, {pipeline_mode = #tpu.pipeline_mode<synchronous>, transform_indices = @transform_12, window_bounds = array<i64: 256, 256>}, {pipeline_mode = #tpu.pipeline_mode<synchronous>, transform_indices = @transform_13, window_bounds = array<i64: 1, 256>}, {pipeline_mode = #tpu.pipeline_mode<synchronous>, transform_indices = @transform_14, window_bounds = array<i64: 1, 256>}]} {
    %eq3A = arith.constant 0 : i32
    %eq3A_0 = arith.cmpi eq, %arg0, %eq3A : i32
    %convert_element_type3A = arith.extui %eq3A_0 : i1 to i32
    %cond3A = arith.constant 0 : i32
    %cond3A_1 = arith.cmpi ne, %convert_element_type3A, %cond3A : i32
    scf.if %cond3A_1 {
      %swap3A = arith.constant -1.000000e+30 : f32
      %swap3A_11 = arith.constant 0 : index
      %swap3A_12 = memref.load %arg17[%swap3A_11] : memref<2xf32, #tpu.memory_space<smem>>
      memref.store %swap3A, %arg17[%swap3A_11] : memref<2xf32, #tpu.memory_space<smem>>
      %swap3A_13 = arith.constant 0.000000e+00 : f32
      %swap3A_14 = arith.constant 1 : index
      %swap3A_15 = memref.load %arg17[%swap3A_14] : memref<2xf32, #tpu.memory_space<smem>>
      memref.store %swap3A_13, %arg17[%swap3A_14] : memref<2xf32, #tpu.memory_space<smem>>
      %broadcast_in_dim3A = arith.constant 0.000000e+00 : f32
      %broadcast_in_dim3A_16 = vector.broadcast %broadcast_in_dim3A : f32 to vector<1x128xf32>
      %swap3A_17 = arith.constant 0 : index
      %swap3A_18 = arith.constant 0 : index
      %swap3A_19 = vector.load %arg16[%swap3A_17, %swap3A_18] : memref<1x128xf32, #tpu.memory_space<vmem>>, vector<1x128xf32>
      tpu.vector_store %arg16[%swap3A_17, %swap3A_18], %broadcast_in_dim3A_16 {strides = array<i32>} : memref<1x128xf32, #tpu.memory_space<vmem>>, vector<1x128xf32>,
    } else {
    }
    %lt3A = arith.constant 10 : i32
    %lt3A_2 = arith.cmpi slt, %arg0, %lt3A : i32
    %convert_element_type3A_3 = arith.extui %lt3A_2 : i1 to i32
    %cond3A_4 = arith.constant 0 : i32
    %cond3A_5 = arith.cmpi ne, %convert_element_type3A_3, %cond3A_4 : i32
    scf.if %cond3A_5 {
      %get3A = arith.constant 0 : index
      %get3A_11 = arith.constant 0 : index
      %get3A_12 = vector.load %arg3[%get3A, %get3A_11] : memref<1024x128xf32, #tpu.memory_space<vmem>>, vector<1024x1xf32>
      %max3A = arith.constant 1.000000e+00 : f32
      %max3A_13 = vector.broadcast %max3A : f32 to vector<1024x1xf32>
      %max3A_14 = arith.maximumf %get3A_12, %max3A_13 : vector<1024x1xf32>
      %get3A_15 = arith.constant 0 : index
      %get3A_16 = arith.constant 0 : index
      %get3A_17 = vector.load %arg2[%get3A_15, %get3A_16] : memref<1024x128xf32, #tpu.memory_space<vmem>>, vector<1024x128xf32>
      %div3A = vector.broadcast %max3A_14 : vector<1024x1xf32> to vector<1024x128xf32>
      %div3A_18 = arith.divf %get3A_17, %div3A : vector<1024x128xf32>
      %get3A_19 = arith.constant 0 : index
      %get3A_20 = arith.constant 0 : index
      %get3A_21 = vector.load %arg4[%get3A_19, %get3A_20] : memref<1024x128xf32, #tpu.memory_space<vmem>>, vector<1024x128xf32>
      %add3A = arith.addf %div3A_18, %get3A_21 : vector<1024x128xf32>
      %get3A_22 = arith.constant 0 : index
      %get3A_23 = arith.constant 0 : index
      %get3A_24 = vector.load %arg5[%get3A_22, %get3A_23] : memref<1x128xf32, #tpu.memory_space<vmem>>, vector<1x128xf32>
      %add3A_25 = vector.broadcast %get3A_24 : vector<1x128xf32> to vector<1024x128xf32>
      %add3A_26 = arith.addf %add3A, %add3A_25 : vector<1024x128xf32>
      %mul3A = arith.constant 1024 : i32
      %mul3A_27 = arith.muli %arg0, %mul3A : i32
      %iota3A = tpu.iota {dimensions = array<i32: 0>} : vector<1024x1xi32>
      %add3A_28 = vector.broadcast %mul3A_27 : i32 to vector<1024x1xi32>
      %add3A_29 = arith.addi %add3A_28, %iota3A : vector<1024x1xi32>
      %lt3A_30 = arith.constant 10000 : i32
      %lt3A_31 = vector.broadcast %lt3A_30 : i32 to vector<1024x1xi32>
      %lt3A_32 = arith.cmpi slt, %add3A_29, %lt3A_31 : vector<1024x1xi32>
      %jit3A = arith.constant 0.000000e+00 : f32
      %broadcast_in_dim3A = vector.shape_cast %lt3A_32 : vector<1024x1xi1> to vector<1024x1xi1>
      %broadcast_in_dim3A_33 = vector.broadcast %broadcast_in_dim3A : vector<1024x1xi1> to vector<1024x128xi1>
      %broadcast_in_dim3A_34 = vector.broadcast %jit3A : f32 to vector<1024x128xf32>
      %select_n3A = arith.select %broadcast_in_dim3A_33, %add3A_26, %broadcast_in_dim3A_34 : vector<1024x128xi1>, vector<1024x128xf32>
      %get3A_35 = arith.constant 0 : index
      %get3A_36 = arith.constant 0 : index
      %get3A_37 = vector.load %arg6[%get3A_35, %get3A_36] : memref<128x1xf32, #tpu.memory_space<vmem>>, vector<128x1xf32>
      %dot_general3A = arith.constant dense<0.000000e+00> : vector<1024x1xf32>
      %dot_general3A_38 = tpu.matmul %select_n3A, %get3A_37, %dot_general3A {dimension_numbers = #tpu.dot_dimension_numbers<[1], [0], [0], [1], [0, 0, 1, 1], [], []>, transpose_lhs_hint = false} : vector<1024x128xf32>, vector<128x1xf32>, vector<1024x1xf32> -> vector<1024x1xf32>
      %tanh3A = math.tanh %dot_general3A_38 : vector<1024x1xf32>
      %jit3A_39 = arith.constant -1.000000e+30 : f32
      %broadcast_in_dim3A_40 = vector.broadcast %jit3A_39 : f32 to vector<1024x1xf32>
      %select_n3A_41 = arith.select %lt3A_32, %tanh3A, %broadcast_in_dim3A_40 : vector<1024x1xi1>, vector<1024x1xf32>
      %get3A_42 = arith.constant 0 : index
      %get3A_43 = memref.load %arg17[%get3A_42] : memref<2xf32, #tpu.memory_space<smem>>
      %get3A_44 = arith.constant 1 : index
      %get3A_45 = memref.load %arg17[%get3A_44] : memref<2xf32, #tpu.memory_space<smem>>
      %reduce_max3A = vector.shape_cast %select_n3A_41 : vector<1024x1xf32> to vector<1x1024x1xf32>
      %reduce_max3A_46 = arith.constant dense<0xFF800000> : vector<1xf32>
      %reduce_max3A_47 = vector.multi_reduction <maximumf>, %reduce_max3A, %reduce_max3A_46 [1, 2] : vector<1x1024x1xf32> to vector<1xf32>
      %reduce_max3A_48 = vector.shape_cast %reduce_max3A_47 : vector<1xf32> to vector<1x1x1xf32>
      %reduce_max3A_49 = vector.extract %reduce_max3A_48[0, 0, 0] : f32 from vector<1x1x1xf32>
      %max3A_50 = arith.maximumf %get3A_43, %reduce_max3A_49 : f32
      %sub3A = arith.subf %get3A_43, %max3A_50 : f32
      %exp3A = math.exp %sub3A : f32
      %sub3A_51 = vector.broadcast %max3A_50 : f32 to vector<1024x1xf32>
      %sub3A_52 = arith.subf %select_n3A_41, %sub3A_51 : vector<1024x1xf32>
      %exp3A_53 = math.exp %sub3A_52 : vector<1024x1xf32>
      %swap3A = arith.constant 0 : index
      %swap3A_54 = memref.load %arg17[%swap3A] : memref<2xf32, #tpu.memory_space<smem>>
      memref.store %max3A_50, %arg17[%swap3A] : memref<2xf32, #tpu.memory_space<smem>>
      %mul3A_55 = arith.mulf %get3A_45, %exp3A : f32
      %reduce_sum3A = vector.shape_cast %exp3A_53 : vector<1024x1xf32> to vector<1x1024x1xf32>
      %reduce_sum3A_56 = arith.constant dense<0.000000e+00> : vector<1xf32>
      %reduce_sum3A_57 = vector.multi_reduction <add>, %reduce_sum3A, %reduce_sum3A_56 [1, 2] : vector<1x1024x1xf32> to vector<1xf32>
      %reduce_sum3A_58 = vector.shape_cast %reduce_sum3A_57 : vector<1xf32> to vector<1x1x1xf32>
      %reduce_sum3A_59 = vector.extract %reduce_sum3A_58[0, 0, 0] : f32 from vector<1x1x1xf32>
      %add3A_60 = arith.addf %mul3A_55, %reduce_sum3A_59 : f32
      %swap3A_61 = arith.constant 1 : index
      %swap3A_62 = memref.load %arg17[%swap3A_61] : memref<2xf32, #tpu.memory_space<smem>>
      memref.store %add3A_60, %arg17[%swap3A_61] : memref<2xf32, #tpu.memory_space<smem>>
      %get3A_63 = arith.constant 0 : index
      %get3A_64 = arith.constant 0 : index
      %get3A_65 = vector.load %arg16[%get3A_63, %get3A_64] : memref<1x128xf32, #tpu.memory_space<vmem>>, vector<1x128xf32>
      %mul3A_66 = vector.broadcast %exp3A : f32 to vector<1x128xf32>
      %mul3A_67 = arith.mulf %get3A_65, %mul3A_66 : vector<1x128xf32>
      %dot_general3A_68 = arith.constant dense<0.000000e+00> : vector<1x128xf32>
      %dot_general3A_69 = tpu.matmul %exp3A_53, %select_n3A, %dot_general3A_68 {dimension_numbers = #tpu.dot_dimension_numbers<[0], [0], [1], [1], [0, 1, 1, 1], [], []>, transpose_lhs_hint = false} : vector<1024x1xf32>, vector<1024x128xf32>, vector<1x128xf32> -> vector<1x128xf32>
      %add3A_70 = arith.addf %mul3A_67, %dot_general3A_69 : vector<1x128xf32>
      %swap3A_71 = arith.constant 0 : index
      %swap3A_72 = arith.constant 0 : index
      %swap3A_73 = vector.load %arg16[%swap3A_71, %swap3A_72] : memref<1x128xf32, #tpu.memory_space<vmem>>, vector<1x128xf32>
      tpu.vector_store %arg16[%swap3A_71, %swap3A_72], %add3A_70 {strides = array<i32>} : memref<1x128xf32, #tpu.memory_space<vmem>>, vector<1x128xf32>,
    } else {
    }
    %eq3A_6 = arith.constant 10 : i32
    %eq3A_7 = arith.cmpi eq, %arg0, %eq3A_6 : i32
    %convert_element_type3A_8 = arith.extui %eq3A_7 : i1 to i32
    %cond3A_9 = arith.constant 0 : i32
    %cond3A_10 = arith.cmpi ne, %convert_element_type3A_8, %cond3A_9 : i32
    scf.if %cond3A_10 {
      %get3A = arith.constant 0 : index
      %get3A_11 = arith.constant 0 : index
      %get3A_12 = vector.load %arg16[%get3A, %get3A_11] : memref<1x128xf32, #tpu.memory_space<vmem>>, vector<1x128xf32>
      %get3A_13 = arith.constant 1 : index
      %get3A_14 = memref.load %arg17[%get3A_13] : memref<2xf32, #tpu.memory_space<smem>>
      %div3A = vector.broadcast %get3A_14 : f32 to vector<1x128xf32>
      %div3A_15 = arith.divf %get3A_12, %div3A : vector<1x128xf32>
      %get3A_16 = arith.constant 0 : index
      %get3A_17 = arith.constant 0 : index
      %get3A_18 = vector.load %arg7[%get3A_16, %get3A_17] : memref<1008x1008xf32, #tpu.memory_space<vmem>>, vector<1008x1008xf32>
      %broadcast_in_dim3A = arith.constant 1.000000e+00 : f32
      %broadcast_in_dim3A_19 = vector.broadcast %broadcast_in_dim3A : f32 to vector<1008x1xf32>
      %dot_general3A = arith.constant dense<0.000000e+00> : vector<1008x1xf32>
      %dot_general3A_20 = tpu.matmul %get3A_18, %broadcast_in_dim3A_19, %dot_general3A {dimension_numbers = #tpu.dot_dimension_numbers<[1], [0], [0], [1], [0, 0, 1, 1], [], []>, transpose_lhs_hint = false} : vector<1008x1008xf32>, vector<1008x1xf32>, vector<1008x1xf32> -> vector<1008x1xf32>
      %max3A = arith.constant 1.000000e+00 : f32
      %max3A_21 = vector.broadcast %max3A : f32 to vector<1008x1xf32>
      %max3A_22 = arith.maximumf %dot_general3A_20, %max3A_21 : vector<1008x1xf32>
      %get3A_23 = arith.constant 0 : index
      %get3A_24 = arith.constant 0 : index
      %get3A_25 = vector.load %arg8[%get3A_23, %get3A_24] : memref<1008x128xf32, #tpu.memory_space<vmem>>, vector<1008x128xf32>
      %dot_general3A_26 = arith.constant dense<0.000000e+00> : vector<1008x128xf32>
      %dot_general3A_27 = tpu.matmul %get3A_18, %get3A_25, %dot_general3A_26 {dimension_numbers = #tpu.dot_dimension_numbers<[1], [0], [0], [1], [0, 0, 1, 1], [], []>, transpose_lhs_hint = false} : vector<1008x1008xf32>, vector<1008x128xf32>, vector<1008x128xf32> -> vector<1008x128xf32>
      %div3A_28 = vector.broadcast %max3A_22 : vector<1008x1xf32> to vector<1008x128xf32>
      %div3A_29 = arith.divf %dot_general3A_27, %div3A_28 : vector<1008x128xf32>
      %get3A_30 = arith.constant 0 : index
      %get3A_31 = arith.constant 0 : index
      %get3A_32 = vector.load %arg8[%get3A_30, %get3A_31] : memref<1008x128xf32, #tpu.memory_space<vmem>>, vector<1008x128xf32>
      %add3A = arith.addf %div3A_29, %get3A_32 : vector<1008x128xf32>
      %get3A_33 = arith.constant 0 : index
      %get3A_34 = arith.constant 0 : index
      %get3A_35 = vector.load %arg9[%get3A_33, %get3A_34] : memref<1x128xf32, #tpu.memory_space<vmem>>, vector<1x128xf32>
      %add3A_36 = vector.broadcast %get3A_35 : vector<1x128xf32> to vector<1008x128xf32>
      %add3A_37 = arith.addf %add3A, %add3A_36 : vector<1008x128xf32>
      %iota3A = tpu.iota {dimensions = array<i32: 0>} : vector<1008x1xi32>
      %lt3A_38 = arith.constant 1000 : i32
      %lt3A_39 = vector.broadcast %lt3A_38 : i32 to vector<1008x1xi32>
      %lt3A_40 = arith.cmpi slt, %iota3A, %lt3A_39 : vector<1008x1xi32>
      %jit3A = arith.constant 0.000000e+00 : f32
      %broadcast_in_dim3A_41 = vector.shape_cast %lt3A_40 : vector<1008x1xi1> to vector<1008x1xi1>
      %broadcast_in_dim3A_42 = vector.broadcast %broadcast_in_dim3A_41 : vector<1008x1xi1> to vector<1008x128xi1>
      %broadcast_in_dim3A_43 = vector.broadcast %jit3A : f32 to vector<1008x128xf32>
      %select_n3A = arith.select %broadcast_in_dim3A_42, %add3A_37, %broadcast_in_dim3A_43 : vector<1008x128xi1>, vector<1008x128xf32>
      %get3A_44 = arith.constant 0 : index
      %get3A_45 = arith.constant 0 : index
      %get3A_46 = memref.load %arg1[%get3A_44, %get3A_45] : memref<1x1xi32, #tpu.memory_space<smem>>
      %eq3A_47 = vector.broadcast %get3A_46 : i32 to vector<1008x1xi32>
      %eq3A_48 = arith.cmpi eq, %iota3A, %eq3A_47 : vector<1008x1xi32>
      %jit3A_49 = arith.constant 0.000000e+00 : f32
      %broadcast_in_dim3A_50 = vector.shape_cast %eq3A_48 : vector<1008x1xi1> to vector<1008x1xi1>
      %broadcast_in_dim3A_51 = vector.broadcast %broadcast_in_dim3A_50 : vector<1008x1xi1> to vector<1008x128xi1>
      %broadcast_in_dim3A_52 = vector.broadcast %jit3A_49 : f32 to vector<1008x128xf32>
      %select_n3A_53 = arith.select %broadcast_in_dim3A_51, %select_n3A, %broadcast_in_dim3A_52 : vector<1008x128xi1>, vector<1008x128xf32>
      %reduce_sum3A = arith.constant dense<0.000000e+00> : vector<128xf32>
      %reduce_sum3A_54 = vector.multi_reduction <add>, %select_n3A_53, %reduce_sum3A [0] : vector<1008x128xf32> to vector<128xf32>
      %broadcast_in_dim3A_55 = vector.shape_cast %reduce_sum3A_54 : vector<128xf32> to vector<1x128xf32>
      %get3A_56 = arith.constant 0 : index
      %get3A_57 = arith.constant 0 : index
      %get3A_58 = vector.load %arg10[%get3A_56, %get3A_57] : memref<128x128xf32, #tpu.memory_space<vmem>>, vector<128x128xf32>
      %dot_general3A_59 = arith.constant dense<0.000000e+00> : vector<1008x128xf32>
      %dot_general3A_60 = tpu.matmul %select_n3A, %get3A_58, %dot_general3A_59 {dimension_numbers = #tpu.dot_dimension_numbers<[1], [0], [0], [1], [0, 0, 1, 1], [], []>, transpose_lhs_hint = false} : vector<1008x128xf32>, vector<128x128xf32>, vector<1008x128xf32> -> vector<1008x128xf32>
      %tanh3A = math.tanh %dot_general3A_60 : vector<1008x128xf32>
      %dot_general3A_61 = arith.constant dense<0.000000e+00> : vector<1008x1xf32>
      %dot_general3A_62 = tpu.matmul %tanh3A, %broadcast_in_dim3A_55, %dot_general3A_61 {dimension_numbers = #tpu.dot_dimension_numbers<[1], [1], [0], [0], [0, 0, 1, 0], [], []>, transpose_lhs_hint = false} : vector<1008x128xf32>, vector<1x128xf32>, vector<1008x1xf32> -> vector<1008x1xf32>
      %jit3A_63 = arith.constant -1.000000e+30 : f32
      %broadcast_in_dim3A_64 = vector.broadcast %jit3A_63 : f32 to vector<1008x1xf32>
      %select_n3A_65 = arith.select %lt3A_40, %dot_general3A_62, %broadcast_in_dim3A_64 : vector<1008x1xi1>, vector<1008x1xf32>
      %reduce_max3A = vector.shape_cast %select_n3A_65 : vector<1008x1xf32> to vector<1x1008x1xf32>
      %reduce_max3A_66 = arith.constant dense<0xFF800000> : vector<1xf32>
      %reduce_max3A_67 = vector.multi_reduction <maximumf>, %reduce_max3A, %reduce_max3A_66 [1, 2] : vector<1x1008x1xf32> to vector<1xf32>
      %reduce_max3A_68 = vector.shape_cast %reduce_max3A_67 : vector<1xf32> to vector<1x1x1xf32>
      %reduce_max3A_69 = vector.extract %reduce_max3A_68[0, 0, 0] : f32 from vector<1x1x1xf32>
      %sub3A = vector.broadcast %reduce_max3A_69 : f32 to vector<1008x1xf32>
      %sub3A_70 = arith.subf %select_n3A_65, %sub3A : vector<1008x1xf32>
      %exp3A = math.exp %sub3A_70 : vector<1008x1xf32>
      %dot_general3A_71 = arith.constant dense<0.000000e+00> : vector<1x128xf32>
      %dot_general3A_72 = tpu.matmul %exp3A, %select_n3A, %dot_general3A_71 {dimension_numbers = #tpu.dot_dimension_numbers<[0], [0], [1], [1], [0, 1, 1, 1], [], []>, transpose_lhs_hint = false} : vector<1008x1xf32>, vector<1008x128xf32>, vector<1x128xf32> -> vector<1x128xf32>
      %reduce_sum3A_73 = vector.shape_cast %exp3A : vector<1008x1xf32> to vector<1x1008x1xf32>
      %reduce_sum3A_74 = arith.constant dense<0.000000e+00> : vector<1xf32>
      %reduce_sum3A_75 = vector.multi_reduction <add>, %reduce_sum3A_73, %reduce_sum3A_74 [1, 2] : vector<1x1008x1xf32> to vector<1xf32>
      %reduce_sum3A_76 = vector.shape_cast %reduce_sum3A_75 : vector<1xf32> to vector<1x1x1xf32>
      %reduce_sum3A_77 = vector.extract %reduce_sum3A_76[0, 0, 0] : f32 from vector<1x1x1xf32>
      %div3A_78 = vector.broadcast %reduce_sum3A_77 : f32 to vector<1x128xf32>
      %div3A_79 = arith.divf %dot_general3A_72, %div3A_78 : vector<1x128xf32>
      %concatenate3A = tpu.concatenate %div3A_15, %div3A_79 in 1 : vector<1x128xf32>, vector<1x128xf32> -> vector<1x256xf32>
      %get3A_80 = arith.constant 0 : index
      %get3A_81 = arith.constant 0 : index
      %get3A_82 = vector.load %arg11[%get3A_80, %get3A_81] : memref<256x256xf32, #tpu.memory_space<vmem>>, vector<256x256xf32>
      %dot_general3A_83 = arith.constant dense<0.000000e+00> : vector<1x256xf32>
      %dot_general3A_84 = tpu.matmul %concatenate3A, %get3A_82, %dot_general3A_83 {dimension_numbers = #tpu.dot_dimension_numbers<[1], [0], [0], [1], [0, 0, 1, 1], [], []>, transpose_lhs_hint = false} : vector<1x256xf32>, vector<256x256xf32>, vector<1x256xf32> -> vector<1x256xf32>
      %get3A_85 = arith.constant 0 : index
      %get3A_86 = arith.constant 0 : index
      %get3A_87 = vector.load %arg12[%get3A_85, %get3A_86] : memref<1x256xf32, #tpu.memory_space<vmem>>, vector<1x256xf32>
      %add3A_88 = arith.addf %dot_general3A_84, %get3A_87 : vector<1x256xf32>
      %max3A_89 = arith.constant 0.000000e+00 : f32
      %max3A_90 = vector.broadcast %max3A_89 : f32 to vector<1x256xf32>
      %max3A_91 = arith.maximumf %add3A_88, %max3A_90 : vector<1x256xf32>
      %get3A_92 = arith.constant 0 : index
      %get3A_93 = arith.constant 0 : index
      %get3A_94 = vector.load %arg13[%get3A_92, %get3A_93] : memref<256x256xf32, #tpu.memory_space<vmem>>, vector<256x256xf32>
      %dot_general3A_95 = arith.constant dense<0.000000e+00> : vector<1x256xf32>
      %dot_general3A_96 = tpu.matmul %max3A_91, %get3A_94, %dot_general3A_95 {dimension_numbers = #tpu.dot_dimension_numbers<[1], [0], [0], [1], [0, 0, 1, 1], [], []>, transpose_lhs_hint = false} : vector<1x256xf32>, vector<256x256xf32>, vector<1x256xf32> -> vector<1x256xf32>
      %get3A_97 = arith.constant 0 : index
      %get3A_98 = arith.constant 0 : index
      %get3A_99 = vector.load %arg14[%get3A_97, %get3A_98] : memref<1x256xf32, #tpu.memory_space<vmem>>, vector<1x256xf32>
      %add3A_100 = arith.addf %dot_general3A_96, %get3A_99 : vector<1x256xf32>
      %max3A_101 = arith.constant 0.000000e+00 : f32
      %max3A_102 = vector.broadcast %max3A_101 : f32 to vector<1x256xf32>
      %max3A_103 = arith.maximumf %add3A_100, %max3A_102 : vector<1x256xf32>
      %swap3A = arith.constant 0 : index
      %swap3A_104 = arith.constant 0 : index
      %swap3A_105 = vector.load %arg15[%swap3A, %swap3A_104] : memref<1x256xf32, #tpu.memory_space<vmem>>, vector<1x256xf32>
      tpu.vector_store %arg15[%swap3A, %swap3A_104], %max3A_103 {strides = array<i32>} : memref<1x256xf32, #tpu.memory_space<vmem>>, vector<1x256xf32>,
    } else {
    }
    return
  }
  func.func @transform_0(%arg0: i32) -> (i32, i32) {
    %c0_i32 = arith.constant 0 : i32
    %c0_i32_0 = arith.constant 0 : i32
    %c0_i32_1 = arith.constant 0 : i32
    return %c0_i32, %c0_i32_0 : i32, i32
  }
  func.func @transform_1(%arg0: i32) -> (i32, i32) {
    %min3A = arith.constant 9 : i32
    %min3A_0 = arith.minsi %arg0, %min3A : i32
    %c0_i32 = arith.constant 0 : i32
    %c0_i32_1 = arith.constant 0 : i32
    return %min3A_0, %c0_i32 : i32, i32
  }
  func.func @transform_2(%arg0: i32) -> (i32, i32) {
    %min3A = arith.constant 9 : i32
    %min3A_0 = arith.minsi %arg0, %min3A : i32
    %c0_i32 = arith.constant 0 : i32
    %c0_i32_1 = arith.constant 0 : i32
    return %min3A_0, %c0_i32 : i32, i32
  }
  func.func @transform_3(%arg0: i32) -> (i32, i32) {
    %min3A = arith.constant 9 : i32
    %min3A_0 = arith.minsi %arg0, %min3A : i32
    %c0_i32 = arith.constant 0 : i32
    %c0_i32_1 = arith.constant 0 : i32
    return %min3A_0, %c0_i32 : i32, i32
  }
  func.func @transform_4(%arg0: i32) -> (i32, i32) {
    %c0_i32 = arith.constant 0 : i32
    %c0_i32_0 = arith.constant 0 : i32
    %c0_i32_1 = arith.constant 0 : i32
    return %c0_i32, %c0_i32_0 : i32, i32
  }
  func.func @transform_5(%arg0: i32) -> (i32, i32) {
    %c0_i32 = arith.constant 0 : i32
    %c0_i32_0 = arith.constant 0 : i32
    %c0_i32_1 = arith.constant 0 : i32
    return %c0_i32, %c0_i32_0 : i32, i32
  }
  func.func @transform_6(%arg0: i32) -> (i32, i32) {
    %c0_i32 = arith.constant 0 : i32
    %c0_i32_0 = arith.constant 0 : i32
    %c0_i32_1 = arith.constant 0 : i32
    return %c0_i32, %c0_i32_0 : i32, i32
  }
  func.func @transform_7(%arg0: i32) -> (i32, i32) {
    %c0_i32 = arith.constant 0 : i32
    %c0_i32_0 = arith.constant 0 : i32
    %c0_i32_1 = arith.constant 0 : i32
    return %c0_i32, %c0_i32_0 : i32, i32
  }
  func.func @transform_8(%arg0: i32) -> (i32, i32) {
    %c0_i32 = arith.constant 0 : i32
    %c0_i32_0 = arith.constant 0 : i32
    %c0_i32_1 = arith.constant 0 : i32
    return %c0_i32, %c0_i32_0 : i32, i32
  }
  func.func @transform_9(%arg0: i32) -> (i32, i32) {
    %c0_i32 = arith.constant 0 : i32
    %c0_i32_0 = arith.constant 0 : i32
    %c0_i32_1 = arith.constant 0 : i32
    return %c0_i32, %c0_i32_0 : i32, i32
  }
  func.func @transform_10(%arg0: i32) -> (i32, i32) {
    %c0_i32 = arith.constant 0 : i32
    %c0_i32_0 = arith.constant 0 : i32
    %c0_i32_1 = arith.constant 0 : i32
    return %c0_i32, %c0_i32_0 : i32, i32
  }
  func.func @transform_11(%arg0: i32) -> (i32, i32) {
    %c0_i32 = arith.constant 0 : i32
    %c0_i32_0 = arith.constant 0 : i32
    %c0_i32_1 = arith.constant 0 : i32
    return %c0_i32, %c0_i32_0 : i32, i32
  }
  func.func @transform_12(%arg0: i32) -> (i32, i32) {
    %c0_i32 = arith.constant 0 : i32
    %c0_i32_0 = arith.constant 0 : i32
    %c0_i32_1 = arith.constant 0 : i32
    return %c0_i32, %c0_i32_0 : i32, i32
  }
  func.func @transform_13(%arg0: i32) -> (i32, i32) {
    %c0_i32 = arith.constant 0 : i32
    %c0_i32_0 = arith.constant 0 : i32
    %c0_i32_1 = arith.constant 0 : i32
    return %c0_i32, %c0_i32_0 : i32, i32
  }
  func.func @transform_14(%arg0: i32) -> (i32, i32) {
    %c0_i32 = arith.constant 0 : i32
    %c0_i32_0 = arith.constant 0 : i32
    %c0_i32_1 = arith.constant 0 : i32
    return %c0_i32, %c0_i32_0 : i32, i32
  }
}

module attributes {stable_mosaic.version = 14 : i64} {
  func.func @_tc3_body(%arg0: i32, %arg1: memref<1x256xf32, #tpu.memory_space<vmem>>, %arg2: memref<256x2048xf32, #tpu.memory_space<vmem>>, %arg3: memref<1x2048xf32, #tpu.memory_space<vmem>>, %arg4: memref<1x2048xf32, #tpu.memory_space<vmem>>) attributes {dimension_semantics = [#tpu.dimension_semantics<arbitrary>], iteration_bounds = array<i64: 5>, scalar_prefetch = 0 : i64, scratch_operands = 0 : i64, tpu.core_type = #tpu.core_type<tc>, window_params = [{pipeline_mode = #tpu.pipeline_mode<synchronous>, transform_indices = @transform_0, window_bounds = array<i64: 1, 256>}, {transform_indices = @transform_1, window_bounds = array<i64: 256, 2048>}, {transform_indices = @transform_2, window_bounds = array<i64: 1, 2048>}, {transform_indices = @transform_3, window_bounds = array<i64: 1, 2048>}]} {
    %get3A = arith.constant 0 : index
    %get3A_0 = arith.constant 0 : index
    %get3A_1 = vector.load %arg1[%get3A, %get3A_0] : memref<1x256xf32, #tpu.memory_space<vmem>>, vector<1x256xf32>
    %get3A_2 = arith.constant 0 : index
    %get3A_3 = arith.constant 0 : index
    %get3A_4 = vector.load %arg2[%get3A_2, %get3A_3] : memref<256x2048xf32, #tpu.memory_space<vmem>>, vector<256x2048xf32>
    %dot_general3A = arith.constant dense<0.000000e+00> : vector<1x2048xf32>
    %dot_general3A_5 = tpu.matmul %get3A_1, %get3A_4, %dot_general3A {dimension_numbers = #tpu.dot_dimension_numbers<[1], [0], [0], [1], [0, 0, 1, 1], [], []>, transpose_lhs_hint = false} : vector<1x256xf32>, vector<256x2048xf32>, vector<1x2048xf32> -> vector<1x2048xf32>
    %get3A_6 = arith.constant 0 : index
    %get3A_7 = arith.constant 0 : index
    %get3A_8 = vector.load %arg3[%get3A_6, %get3A_7] : memref<1x2048xf32, #tpu.memory_space<vmem>>, vector<1x2048xf32>
    %add3A = arith.addf %dot_general3A_5, %get3A_8 : vector<1x2048xf32>
    %swap3A = arith.constant 0 : index
    %swap3A_9 = arith.constant 0 : index
    %swap3A_10 = vector.load %arg4[%swap3A, %swap3A_9] : memref<1x2048xf32, #tpu.memory_space<vmem>>, vector<1x2048xf32>
    tpu.vector_store %arg4[%swap3A, %swap3A_9], %add3A {strides = array<i32>} : memref<1x2048xf32, #tpu.memory_space<vmem>>, vector<1x2048xf32>,
    return
  }
  func.func @transform_0(%arg0: i32) -> (i32, i32) {
    %c0_i32 = arith.constant 0 : i32
    %c0_i32_0 = arith.constant 0 : i32
    %c0_i32_1 = arith.constant 0 : i32
    return %c0_i32, %c0_i32_0 : i32, i32
  }
  func.func @transform_1(%arg0: i32) -> (i32, i32) {
    %c0_i32 = arith.constant 0 : i32
    %c0_i32_0 = arith.constant 0 : i32
    return %c0_i32, %arg0 : i32, i32
  }
  func.func @transform_2(%arg0: i32) -> (i32, i32) {
    %c0_i32 = arith.constant 0 : i32
    %c0_i32_0 = arith.constant 0 : i32
    return %c0_i32, %arg0 : i32, i32
  }
  func.func @transform_3(%arg0: i32) -> (i32, i32) {
    %c0_i32 = arith.constant 0 : i32
    %c0_i32_0 = arith.constant 0 : i32
    return %c0_i32, %arg0 : i32, i32
  }
}

</mosaic_0001>

<sc_bundles>
// kernel: kernel.10.cloned.1.call-start
scs
__scs_entry_jumppad:
0x0: {  	(pc) =	sbr.rel $0x88, $3  }
0x1: {  	(tag) =	ssettag $0x0;
	lr =	simm.s32 $0x1  }
0x2: {  	[smem:$0x3F8C] =	sst lr;
	_ =	strace $0xD0000000  }
0x3: {  	_ = 	snop  }
0x4: {  	_ = 	snop  }
0x5: {  	_ = 	snop  }
0x6: {  	_ = 	snop  }
0x7: {  	_ = 	snop  }
__scs_overlays_trampoline_lowered:
0x8: {  	[smem:$0x3F9B] =	sst s0  }
0x9: {  	[smem:$0x3F9C] =	sst s1  }
0xa: {  	[smem:$0x3F9D] =	sst s2  }
0xb: {  	[smem:$0x3F9E] =	sst s3  }
0xc: {  	[smem:$0x3F9F] =	sst s4  }
0xd: {  	[smem:$0x3FA0] =	sst s5  }
0xe: {  	[smem:$0x3FA1] =	sst s6  }
0xf: {  	[smem:$0x3FA2] =	sst s7  }
0x10: {  	[smem:$0x3FA3] =	sst s8  }
0x11: {  	[smem:$0x3FA4] =	sst s9;
	s0 =	simm.s32 @!p0 $0x0  }
0x12: {  	s1 =	sld [smem:$0x3F8A];
	s0 =	simm.s32 @p0 $0x1  }
0x13: {  	[smem:$0x3FA5] =	sst s0;
	s0 =	simm.s32 @!p1 $0x0  }
0x14: {  	s2 =	sld [smem:$0x3F89];
	s0 =	simm.s32 @p1 $0x1  }
0x15: {  	[smem:$0x3FA6] =	sst s0;
	s0 =	simm.s32 @!p2 $0x0  }
0x16: {  	s3 =	sld [smem:$0x3FDB];
	s0 =	simm.s32 @p2 $0x1  }
0x17: {  	s4 =	simm.s32 $0x1BF5;
	[smem:$0x3FA8] =	sst s0  }
0x18: {  	s0 =	sld [smem:$0x3F8B];
	_ =	swait.ge [sflag:s4], $0x0  }
0x19: {  	s7 =	sld [smem:$0x3F8C]  }
0x1a: {  	s8 =	sadd.s32 $0xFFFFE003, lr  }
0x1b: {  	s9 =	sadd.s32 $0xFFFFFEF7, lr;
	s5 =	simm.s32 $0xFFFFFFFF;
	p2 =	slt.u32 s8, $0xFFFFF086  }
0x1c: {  	p1 =	slt.u32 s9, $0xF7A;
	s5 =	simm.s32 @!p2 $0x0  }
0x1d: {  	s5 =	simm.s32 @p1 $0x1;
	p0 =	seq.s32 s7, s2  }
0x1e: {  	s7 =	smul.u32 @!p0 $0xF7A, s2;
	p2 =	seq.s32 @!p0 s5, $0x0  }
0x1f: {  	s9 =	smul.u32 $0xF7A, s1;
	s8 =	simm.s32 @!p0 $0x1BF5;
	p2 =	por !p2, p0  }
0x20: {  	[sflag:s8] =	ssyncset.s32 @!p0 $0xFFFFF086;
	s6 =	sadd.s32 @!p0 s3, s7;
	s7 =	simm.s32 @!p0 $0x108  }
0x21: {  	s3 =	sadd.s32 s3, s9;
	s6 =	sadd.s32 @!p0 $0x88, s6;
	s7 =	simm.s32 @p2 $0x1082  }
0x22: {  	[simem:s7], [sflag:s8] =	dma.local @!p0 [hbm:s6], $0xF7A  }
0x23: {  	s9 =	sor.u32 $0xD0000000, s2;
	s6 =	simm.s32 $0x108;
	_ =	swait.ge @!p0 [sflag:s8], $0x0  }
0x24: {  	s3 =	sadd.s32 $0x88, s3;
	s6 =	simm.s32 @!p1 $0x1082;
	[sflag:s4] =	ssyncset.s32 $0xFFFFF086  }
0x25: {  	[simem:s6], [sflag:s4] =	dma.local [hbm:s3], $0xF7A  }
0x26: {  	[smem:$0x3F8C] =	sst s1;
	(tag) =	ssettag s2;
	_ =	strace s9  }
0x27: {  	s1 =	sld [smem:$0x3F9C]  }
0x28: {  	s2 =	sld [smem:$0x3F9D]  }
0x29: {  	s4 =	sld [smem:$0x3F9F]  }
0x2a: {  	p0 =	seq.s32 s5, $0x0;
	s5 =	sld [smem:$0x3FA0]  }
0x2b: {  	s6 =	sld [smem:$0x3FA1]  }
0x2c: {  	s7 =	sld [smem:$0x3FA2]  }
0x2d: {  	s3 =	simm.s32 $0x108;
	s8 =	sld [smem:$0x3FA3]  }
0x2e: {  	s3 =	simm.s32 @!p0 $0x1082;
	s9 =	sld [smem:$0x3FA4]  }
0x2f: {  	lr =	sadd.s32 s0, s3;
	s0 =	sld [smem:$0x3F9B]  }
0x30: {  	s3 =	sld [smem:$0x3F9E]  }
0x31: {  	[smem:$0x3FA7] =	sst s10  }
0x32: {  	s10 =	sld [smem:$0x3FA5];
	_ =	sdelay $0x3  }
0x33: {  	p0 =	seq.s32 s10, $0x1;
	s10 =	sld [smem:$0x3FA7];
	_ =	sdelay $0x3  }
0x34: {  	[smem:$0x3FA7] =	sst s10  }
0x35: {  	s10 =	sld [smem:$0x3FA6];
	_ =	sdelay $0x3  }
0x36: {  	p1 =	seq.s32 s10, $0x1;
	s10 =	sld [smem:$0x3FA7];
	_ =	sdelay $0x3  }
0x37: {  	[smem:$0x3FA7] =	sst s10  }
0x38: {  	s10 =	sld [smem:$0x3FA8]  }
0x39: {  	_ = 	snop;
	(pc) =	sbr.ind lr, $3  }
0x3a: {  	_ = 	snop  }
0x3b: {  	_ = 	snop  }
0x3c: {  	p2 =	seq.s32 s10, $0x1;
	s10 =	sld [smem:$0x3FA7]  }
0x3d: {  	_ =	shalt  }
0x3e: {  	_ =	shalt  }
0x3f: {  	_ =	shalt  }
0x40: {  	_ =	shalt  }
0x41: {  	_ =	shalt  }
0x42: {  	_ =	shalt  }
0x43: {  	_ =	shalt  }
0x44: {  	_ =	shalt  }
0x45: {  	_ =	shalt  }
0x46: {  	_ =	shalt  }
0x47: {  	_ =	shalt  }
0x48: {  	_ =	shalt  }
0x49: {  	_ =	shalt  }
0x4a: {  	_ =	shalt  }
0x4b: {  	_ =	shalt  }
0x4c: {  	_ =	shalt  }
0x4d: {  	_ =	shalt  }
0x4e: {  	_ =	shalt  }
0x4f: {  	_ =	shalt  }
0x50: {  	_ =	shalt  }
0x51: {  	_ =	shalt  }
0x52: {  	_ =	shalt  }
0x53: {  	_ =	shalt  }
0x54: {  	_ =	shalt  }
0x55: {  	_ =	shalt  }
0x56: {  	_ =	shalt  }
0x57: {  	_ =	shalt  }
0x58: {  	_ =	shalt  }
0x59: {  	_ =	shalt  }
0x5a: {  	_ =	shalt  }
0x5b: {  	_ =	shalt  }
0x5c: {  	_ =	shalt  }
0x5d: {  	_ =	shalt  }
0x5e: {  	_ =	shalt  }
0x5f: {  	_ =	shalt  }
0x60: {  	_ =	shalt  }
0x61: {  	_ =	shalt  }
0x62: {  	_ =	shalt  }
0x63: {  	_ =	shalt  }
0x64: {  	_ =	shalt  }
0x65: {  	_ =	shalt  }
0x66: {  	_ =	shalt  }
0x67: {  	_ =	shalt  }
0x68: {  	_ =	shalt  }
0x69: {  	_ =	shalt  }
0x6a: {  	_ =	shalt  }
0x6b: {  	_ =	shalt  }
0x6c: {  	_ =	shalt  }
0x6d: {  	_ =	shalt  }
0x6e: {  	_ =	shalt  }
0x6f: {  	_ =	shalt  }
0x70: {  	_ =	shalt  }
0x71: {  	_ =	shalt  }
0x72: {  	_ =	shalt  }
0x73: {  	_ =	shalt  }
0x74: {  	_ =	shalt  }
0x75: {  	_ =	shalt  }
0x76: {  	_ =	shalt  }
0x77: {  	_ =	shalt  }
0x78: {  	_ =	shalt  }
0x79: {  	_ =	shalt  }
0x7a: {  	_ =	shalt  }
0x7b: {  	_ =	shalt  }
0x7c: {  	_ =	shalt  }
0x7d: {  	_ =	shalt  }
0x7e: {  	_ =	shalt  }
0x7f: {  	_ =	shalt  }
0x80: {  	_ =	shalt  }
0x81: {  	_ =	shalt  }
0x82: {  	_ =	shalt  }
0x83: {  	_ =	shalt  }
0x84: {  	_ =	shalt  }
0x85: {  	_ =	shalt  }
0x86: {  	_ =	shalt  }
0x87: {  	_ =	shalt  }
.Lfunc_end0:
.L_simem_size_0:
called_computation.1_lowered:
.L_overlay_start_0:
0x88: {  	s2 =	sld [smem:$0x3FD9]  }
0x89: {  	s3 =	sld [smem:$0x3FFE];
	_ =	sdelay $0x1  }
0x8a: {  	s1 =	srdreg.scid  }
0x8b: {  	s0 =	sand.u32 $0x1, s1  }
0x8c: {  	s16 =	sshll.u32 s0, $0xA;
	s2 =	sadd.s32 s3, s2  }
0x8d: {  	s2 =	sadd.s32 s2, s16  }
0x8e: {  	[smem:$0x3FB3] =	sst s2  }
0x8f: {  	_ = 	snop  }
0x90: {  	(tm) =	ssettm $0x1  }
0x91: {  	s17 =	sld [smem:$0x3FFB];
	_ =	sdelay $0x3  }
0x92: {  	_ =	strace s17  }
0x93: {  	s2 =	sld [smem:$0x3FFC];
	_ =	sdelay $0x3  }
0x94: {  	_ =	strace s2  }
0x95: {  	s2 =	sld [smem:$0x3FFD];
	_ =	sdelay $0x3  }
0x96: {  	_ =	strace s2  }
0x97: {  	_ =	strace $0x8FFFFFFF  }
0x98: {  	s18 =	sld [smem:$0x3FDB];
	_ =	sdelay $0x1  }
0x99: {  	s19 =	simm.s32 $_scs_section_size  }
0x9a: {  	s4 =	simm.s32 $_size__tile_overlayer_lowered;
	s5 =	simm.s32 $_tile_overlayer_lowered  }
0x9b: {  	s22 =	simm.s32 $0x1BFF;
	s21 =	sshll.u32 s5, $0x1;
	s2 =	sadd.s32 s19, s18  }
0x9c: {  	s6 =	simm.s32 $0x0;
	s20 =	sshll.u32 s4, $0x1;
	s4 =	sadd.s32 s21, s2  }
0x9d: {  	[timem:s6], [sflag:s22] =	dma.local [hbm:s4], s20  }
0x9e: {  	_ =	swait.ge [sflag:s22], s20  }
0x9f: {  	s3 =	ssub.s32 $0x0, s20;
	[sflag:s22] =	ssyncset.done $0x0  }
0xa0: {  	[sflag:s22] =	ssyncadd.s32 s3;
	_ =	sdelay $0x1  }
0xa1: {  	s23 =	simm.s32 $0x1B8B  }
0xa2: {  	_ =	swait.ge [sflag:s23], $0x1  }
0xa3: {  	[sflag:s23] =	ssyncset.done $0x0  }
0xa4: {  	s25 =	simm.s32 $0x1B8E;
	s24 =	sld [smem:$0x3FFE];
	[sflag:s23] =	ssyncadd.s32 $0xFFFFFFFF  }
0xa5: {  	s26 =	simm.s32 $execute0_lowered;
	[smem:$0x3FD2] =	sst s25  }
0xa6: {  	s4 =	sshll.u32 s26, $0x1;
	_ =	strace $0x80000049;
	[dreg:$0x1] =	wrdreg $0xFFFFFFFF  }
0xa7: {  	s28 =	simm.s32 $_size_execute0_lowered;
	s2 =	sadd.s32 s2, s4;
	[dreg:$0x0] =	wrdreg $0x0  }
0xa8: {  	s4 =	sshll.u32 s28, $0x1;
	[dreg:$0x2] =	wrdreg s2  }
0xa9: {  	[dreg:$0x3] =	wrdreg s4  }
0xaa: {  	[dreg:$0x4] =	wrdreg $0xC0  }
0xab: {  	_ =	task [dreg:s6], $0x5FFFF  }
0xac: {  	[dreg:$0x1] =	wrdreg $0xFFFFFFFF  }
0xad: {  	[dreg:$0x0] =	wrdreg $0x60  }
0xae: {  	[dreg:$0x2] =	wrdreg s24  }
0xaf: {  	[dreg:$0x3] =	wrdreg $0x0  }
0xb0: {  	[dreg:$0x4] =	wrdreg $0x9  }
0xb1: {  	_ =	task.clear_ibuf [dreg:s6], $0x5FFFF;
	_ =	strace $0x90000049  }
0xb2: {  	s29 =	simm.s32 $0x9;
	_ =	strace $0x8000004B  }
0xb3: {  	_ =	swait.ge [sflag:s29], $0x1  }
0xb4: {  	[sflag:s29] =	ssyncadd.s32 $0xFFFFFFFF  }
0xb5: {  	_ =	strace $0x9000004B  }
0xb6: {  	_ =	sfence  }
0xb7: {  	s30 =	sld [smem:$0x0];
	_ =	sdelay $0x2  }
0xb8: {  	s31 =	sshll.u32 s1, $0xD;
	s1 =	sshrl.u32 s1, $0x2  }
0xb9: {  	s3 =	sand.u32 $0x4000, s31;
	s1 =	sadd.s32 s1, s30  }
0xba: {  	s0 =	sor.u32 s3, s0;
	s1 =	sshll.u32 s1, $0x11  }
0xbb: {  	s0 =	sor.u32 s1, s0  }
0xbc: {  	s0 =	sadd.s32 $0x8F2B, s0  }
0xbd: {  	[sflag:s0] =	ssyncadd.remote.s32 $0x1  }
0xbe: {  	_ =	sfence.sel $0xFFFF  }
0xbf: {  	[dreg:$0x0] =	wrdreg $0xFFFFFFFF;
	(pc) =	sbr.abs _section_cstart, $3  }
0xc0: {  	[dreg:$0x1] =	wrdreg $0xFFFFFFFF  }
0xc1: {  	_ =	task.clear_ibuf [dreg:s6], $0x2FFFF;
	_ =	strace $0x9FFFFFFF  }
0xc2: {  	(tm) =	ssettm $0x7FFFFFFF  }
0xc3: {  	_ =	shalt  }
tec
execute0_lowered:
.L_overlay_start_1:
0x0: {  	(tag) =	ssettag $0x1  }
0x1: {  	s5 =	rddreg [dreg:$0x0];
	s0 =	stileid.u32  }
0x2: {  	s1 =	srdreg.scid;
	s2 =	rddreg [dreg:$0x1];
	s3 =	simm.s32 $0x0  }
0x3: {  	s13 =	simm.s32 $0x2;
	s14 =	simm.s32 $0x9CC0;
	s15 =	simm.s32 $0x9D40  }
0x4: {  	s16 =	simm.s32 $0x80;
	s17 =	simm.s32 $0x9DC0;
	s18 =	simm.s32 $0x1  }
0x5: {  	s6 =	smul.u32 $0x9D0, s0;
	s8 =	sand.u32 $0x1, s1;
	s1 =	rddreg [dreg:$0x2]  }
0x6: {  	s21 =	simm.s32 $0x0;
	[smem:$0x7FF] =	sst s3;
	s9 =	smul.u32 $0xA000, s0  }
0x7: {  	s4 =	sadd.s32 $0x19200, s5;
	s10 =	smul.u32 $0x27200, s0;
	s20 =	sshll.u32 s0, $0x6  }
0x8: {  	s7 =	smul.u32 $0xA0000, s8;
	_ =	strace $0x8000004A;
	s30 =	ssub.s32 $0x2, s8  }
0x9: {  	s19 =	smul.u32 $0x1390, s8;
	s11 =	sadd.s32 s6, s5;
	s31 =	sshrl.u32 s30, $0x1  }
0xa: {  	s10 =	sshrl.u32 s10, $0x2;
	s29 =	sadd.s32 s9, s7;
	s9 =	ssub.s32 s30, s31  }
0xb: {  	v0 =	vmov s19;
	s19 =	sor.u32 $0x1C02, s20;
	s6 =	sshrl.u32 s29, $0x3;
	s9 =	smax.u32 s9, $0x1  }
0xc: {  	s12 =	sadd.s32 s6, s5;
	s5 =	sadd.s32 s10, s2;
	s10 =	sadd.s32 $0xF400, s11  }
0xd: {  	s11 =	sadd.s32 $0x5600, s11;
	s6 =	sadd.s32 $0x4000, s5;
	s7 =	sadd.s32 $0x8000, s5  }
0xe: {  	v1 =	vimm.f32 $0.0e+00;
	s8 =	sadd.s32 $0x40400, s12;
	s12 =	simm.s32 $0xDDC0;
	s20 =	sshrl.u32 s5, $0x3  }
.LBB2_1:
0xf: {  	s22 =	simm.s32 $0x0;
	s23 =	simm.s32 $0x200  }
.LBB2_2:
0x10: {  	p0 =	sne.s32 s23, $0xFE00;
	[tilespmem:s22+$0xDE30] =	vst v1  }
0x11: {  	[tilespmem:s22+$0xDDC0] =	vst v1  }
0x12: {  	[tilespmem:s22+$0xDDD0] =	vst v1  }
.Ltmp0:
0x13: {  	[tilespmem:s22+$0xDDE0] =	vst v1;
	(pc) =	sbr.rel @p0 .LBB2_2-.Ltmp0, $4  }
0x14: {  	[tilespmem:s22+$0xDDF0] =	vst v1  }
0x15: {  	[tilespmem:s22+$0xDE00] =	vst v1  }
0x16: {  	[tilespmem:s22+$0xDE10] =	vst v1  }
0x17: {  	[tilespmem:s22+$0xDE20] =	vst v1;
	s22 =	sshra.s32 s23, $0x2;
	s23 =	sadd.s32 $0x200, s23  }
0x18: {  	[tilespmem:s22+$0xDE30] =	vst v1  }
0x19: {  	[tilespmem:s22+$0xDDC0] =	vst v1  }
0x1a: {  	[tilespmem:s22+$0xDDD0] =	vst v1  }
0x1b: {  	[tilespmem:s22+$0xDDE0] =	vst v1  }
0x1c: {  	[tilespmem:s22+$0xDDF0] =	vst v1  }
0x1d: {  	[tilespmem:s22+$0xDE00] =	vst v1  }
0x1e: {  	[tilespmem:s22+$0xDE10] =	vst v1  }
0x1f: {  	[tilespmem:s22+$0xDE20] =	vst v1  }
0x20: {  	[spmem:s5] =	stream.linear.scatter [tilespmem:s12], [sflag:$0x2], $0x4000, $0x38;
	[tilespmem:$0x11DC0] =	vst v63  }
0x21: {  	_ =	swait.ge [sflag:s13], $0x4000  }
0x22: {  	[sflag:s13] =	ssyncset.done $0x0  }
0x23: {  	[sflag:s13] =	ssyncadd.s32 $0xFFFFC000  }
0x24: {  	[spmem:s6] =	stream.linear.scatter [tilespmem:s12], [sflag:$0x2], $0x4000, $0x38;
	[tilespmem:$0x11DC0] =	vst v63  }
0x25: {  	_ =	swait.ge [sflag:s13], $0x4000  }
0x26: {  	[sflag:s13] =	ssyncset.done $0x0  }
0x27: {  	[sflag:s13] =	ssyncadd.s32 $0xFFFFC000  }
0x28: {  	[spmem:s7] =	stream.linear.scatter [tilespmem:s12], [sflag:$0x2], $0x1C80, $0x38;
	[tilespmem:$0x11DC0] =	vst v63  }
0x29: {  	_ =	swait.ge [sflag:s13], $0x1C80  }
0x2a: {  	[sflag:s13] =	ssyncset.done $0x0  }
0x2b: {  	[sflag:s13] =	ssyncadd.s32 $0xFFFFE380  }
0x2c: {  	s30 =	sadd.s32 $0x0, s11;
	[bflag:$0x0] =	sbarrier.arrive $0xFFFF  }
0x2d: {  	[tilespmem:s14], [sflag:$0x2] =	stream.linear.gather [hbm4b:s30+s3], $0x80, $0x38;
	[tilespmem:$0x11DC0] =	vst v63  }
0x2e: {  	_ =	swait.ge [sflag:s13], $0x80  }
0x2f: {  	[sflag:s13] =	ssyncset.done $0x0  }
0x30: {  	s31 =	sadd.s32 $0x0, s10;
	[sflag:s13] =	ssyncadd.s32 $0xFFFFFF80  }
0x31: {  	[tilespmem:s15], [sflag:$0x2] =	stream.linear.gather [hbm4b:s31+s3], $0x80, $0x38;
	[tilespmem:$0x11DC0] =	vst v63  }
0x32: {  	_ =	swait.ge [sflag:s13], $0x80  }
0x33: {  	[sflag:s13] =	ssyncset.done $0x0  }
0x34: {  	[sflag:s13] =	ssyncadd.s32 $0xFFFFFF80  }
0x35: {  	[tilespmem:s17], [sflag:$0x1] =	stream.indirect.gather [hbm4b:s4+s16], $0x80, s14, s16, $0xb8;
	[tilespmem:$0x11DC0] =	vst v63  }
0x36: {  	v2 =	vld [tilespmem:$0x9DB0]  }
0x37: {  	v3 =	vld [tilespmem:$0x9DA0]  }
0x38: {  	v4 =	vld [tilespmem:$0x9D70]  }
0x39: {  	v5 =	vld [tilespmem:$0x9D60]  }
0x3a: {  	v6 =	vld [tilespmem:$0x9D50]  }
0x3b: {  	v7 =	vld [tilespmem:$0x9D80];
	v2 =	vsub.s32 v2, v0  }
0x3c: {  	v8 =	vld [tilespmem:$0x9D40];
	v3 =	vsub.s32 v3, v0;
	v2 =	vmin.u32 v2, $0x1390  }
0x3d: {  	v9 =	vld [tilespmem:$0x9D90];
	v4 =	vsub.s32 v4, v0;
	v3 =	vmin.u32 v3, $0x1390;
	[tilespmem:$0x9DB0] =	vst v2  }
0x3e: {  	v4 =	vmin.u32 v4, $0x1390;
	v2 =	vsub.s32 v5, v0;
	[tilespmem:$0x9DA0] =	vst v3  }
0x3f: {  	v3 =	vsub.s32 v6, v0;
	[tilespmem:$0x9D70] =	vst v4;
	v2 =	vmin.u32 v2, $0x1390  }
0x40: {  	v3 =	vmin.u32 v3, $0x1390;
	[tilespmem:$0x9D60] =	vst v2;
	v2 =	vsub.s32 v7, v0  }
0x41: {  	v63 =	vsub.s32 v8, v0;
	[tilespmem:$0x9D50] =	vst v3;
	v2 =	vmin.u32 v2, $0x1390  }
0x42: {  	v3 =	vmin.u32 v63, $0x1390;
	[tilespmem:$0x9D80] =	vst v2;
	v2 =	vsub.s32 v9, v0  }
0x43: {  	s22 =	simm.s32 $0x10;
	[tilespmem:$0x9D40] =	vst v3;
	v2 =	vmin.u32 v2, $0x1390  }
.LBB2_4:
0x44: {  	p0 =	sne.s32 s22, $0x9C0;
	[tilespmem:$0x9D90] =	vst v2;
	s23 =	smov.u32 s22;
	s22 =	sadd.s32 $0x10, s22  }
0x45: {  	_ =	swait.ge [sflag:s18], $0x4000  }
0x46: {  	[sflag:s18] =	ssyncset.done $0x0  }
0x47: {  	[sflag:s18] =	ssyncadd.s32 $0xFFFFC000  }
0x48: {  	[spmem:s2] =	stream.indirect.scatter.add.f32 [tilespmem:s17], [sflag:$0x2], $0x80, s15, s16, $0xb8;
	[tilespmem:$0x11DC0] =	vst v63  }
0x49: {  	_ =	swait.ge [sflag:s13], $0x4000  }
0x4a: {  	[sflag:s13] =	ssyncset.done $0x0  }
0x4b: {  	s24 =	sadd.s32 s23, s11;
	[sflag:s13] =	ssyncadd.s32 $0xFFFFC000  }
0x4c: {  	[tilespmem:s14], [sflag:$0x2] =	stream.linear.gather [hbm4b:s24+s3], $0x80, $0x38;
	[tilespmem:$0x11DC0] =	vst v63  }
0x4d: {  	_ =	swait.ge [sflag:s13], $0x80  }
0x4e: {  	[sflag:s13] =	ssyncset.done $0x0  }
0x4f: {  	s23 =	sadd.s32 s23, s10;
	[sflag:s13] =	ssyncadd.s32 $0xFFFFFF80  }
0x50: {  	[tilespmem:s15], [sflag:$0x2] =	stream.linear.gather [hbm4b:s23+s3], $0x80, $0x38;
	[tilespmem:$0x11DC0] =	vst v63  }
0x51: {  	_ =	swait.ge [sflag:s13], $0x80  }
0x52: {  	[sflag:s13] =	ssyncset.done $0x0  }
0x53: {  	[sflag:s13] =	ssyncadd.s32 $0xFFFFFF80  }
0x54: {  	[tilespmem:s17], [sflag:$0x1] =	stream.indirect.gather [hbm4b:s4+s16], $0x80, s14, s16, $0xb8;
	[tilespmem:$0x11DC0] =	vst v63  }
0x55: {  	v2 =	vld [tilespmem:$0x9DB0]  }
0x56: {  	v3 =	vld [tilespmem:$0x9DA0]  }
0x57: {  	v4 =	vld [tilespmem:$0x9D70]  }
0x58: {  	v5 =	vld [tilespmem:$0x9D60]  }
0x59: {  	v6 =	vld [tilespmem:$0x9D50]  }
0x5a: {  	v7 =	vld [tilespmem:$0x9D80];
	v2 =	vsub.s32 v2, v0  }
0x5b: {  	v8 =	vld [tilespmem:$0x9D40];
	v3 =	vsub.s32 v3, v0;
	v2 =	vmin.u32 v2, $0x1390  }
0x5c: {  	v4 =	vsub.s32 v4, v0;
	v9 =	vld [tilespmem:$0x9D90];
	v3 =	vmin.u32 v3, $0x1390;
	[tilespmem:$0x9DB0] =	vst v2  }
0x5d: {  	v2 =	vsub.s32 v5, v0;
	v4 =	vmin.u32 v4, $0x1390;
	[tilespmem:$0x9DA0] =	vst v3  }
.Ltmp1:
0x5e: {  	v3 =	vsub.s32 v6, v0;
	v2 =	vmin.u32 v2, $0x1390;
	[tilespmem:$0x9D70] =	vst v4;
	(pc) =	sbr.rel @p0 .LBB2_4-.Ltmp1, $4  }
0x5f: {  	v3 =	vmin.u32 v3, $0x1390;
	[tilespmem:$0x9D60] =	vst v2;
	v2 =	vsub.s32 v7, v0  }
0x60: {  	v4 =	vsub.s32 v8, v0;
	[tilespmem:$0x9D50] =	vst v3;
	v2 =	vmin.u32 v2, $0x1390  }
0x61: {  	v3 =	vmin.u32 v4, $0x1390;
	[tilespmem:$0x9D80] =	vst v2;
	v2 =	vsub.s32 v9, v0  }
0x62: {  	[tilespmem:$0x9D40] =	vst v3;
	v2 =	vmin.u32 v2, $0x1390  }
0x63: {  	[tilespmem:$0x9D90] =	vst v2  }
0x64: {  	_ =	swait.ge [sflag:s18], $0x4000  }
0x65: {  	[sflag:s18] =	ssyncset.done $0x0  }
0x66: {  	[sflag:s18] =	ssyncadd.s32 $0xFFFFC000  }
0x67: {  	[spmem:s2] =	stream.indirect.scatter.add.f32 [tilespmem:s17], [sflag:$0x2], $0x80, s15, s16, $0xb8;
	[tilespmem:$0x11DC0] =	vst v63  }
0x68: {  	_ =	swait.ge [sflag:s13], $0x4000  }
0x69: {  	s21 =	sadd.s32 $0x1, s21;
	[sflag:s13] =	ssyncset.done $0x0  }
0x6a: {  	p0 =	sne.s32 s21, s9;
	[sflag:s13] =	ssyncadd.s32 $0xFFFFC000  }
.Ltmp2:
0x6b: {  	[bflag:$0x0] =	sbarrier.arrive $0xFFFF;
	(pc) =	sbr.rel @p0 .LBB2_1-.Ltmp2, $4  }
0x6c: {  	[hbm:s8], [sflag:s19] =	dma.local [spmem:s20], $0x1390  }
0x6d: {  	_ =	swait.ge [sflag:s13], $0x1390  }
0x6e: {  	[sflag:s13] =	ssyncset.done $0x0  }
0x6f: {  	[sflag:s13] =	ssyncadd.s32 $0xFFFFEC70  }
0x70: {  	_ =	sfence.sel $0x180000  }
0x71: {  	[bflag:$0x0] =	sbarrier.arrive $0xFFFF  }
0x72: {  	p0 =	sne.s32 s0, $0x0;
	_ =	strace $0x9000004A  }
0x73: {  	s0 =	sadd.s32 @!p0 $0x100000, s1;
	[bflag:$0x2] =	sbarrier.arrive $0xFFFF  }
0x74: {  	[sflag:s0] =	ssyncadd.tile.s32 @!p0 $0x1;
	_ =	shalt  }
.Lfunc_end2:
_tile_overlayer_lowered:
.L_overlay_start_2:
0x75: {  	(tag) =	ssettag $0x2  }
0x76: {  	s0 =	rddreg [dreg:$0x0];
	s2 =	stileid.u32  }
0x77: {  	s1 =	rddreg [dreg:$0x1];
	p0 =	sne.s32 s2, $0x0  }
0x78: {  	s3 =	rddreg [dreg:$0x2];
	[bflag:$0x3] =	sbarrier.arrive $0xFFFF;
	s2 =	simm.s32 @!p0 $0x1C02  }
0x79: {  	[timem:s3], [sflag:s2] =	dma.local @!p0 [hbm:s0], s1  }
0x7a: {  	s0 =	simm.s32 @!p0 $0x2  }
0x7b: {  	_ =	swait.ge @!p0 [sflag:s0], s1  }
0x7c: {  	s1 =	ssub.s32 @!p0 $0x0, s1;
	[sflag:s0] =	ssyncset.done @!p0 $0x0  }
0x7d: {  	[sflag:s0] =	ssyncadd.s32 @!p0 s1  }
0x7e: {  	[bflag:$0x3] =	sbarrier.arrive $0xFFFF  }
0x7f: {  	_ =	shalt  }

// kernel: kernel.7.cloned.1.call-start
scs
__scs_entry_jumppad:
0x0: {  	(pc) =	sbr.rel $0x88, $3  }
0x1: {  	(tag) =	ssettag $0x0;
	lr =	simm.s32 $0x1  }
0x2: {  	[smem:$0x3F8C] =	sst lr;
	_ =	strace $0xD0000000  }
0x3: {  	_ = 	snop  }
0x4: {  	_ = 	snop  }
0x5: {  	_ = 	snop  }
0x6: {  	_ = 	snop  }
0x7: {  	_ = 	snop  }
__scs_overlays_trampoline_lowered:
0x8: {  	[smem:$0x3F9B] =	sst s0  }
0x9: {  	[smem:$0x3F9C] =	sst s1  }
0xa: {  	[smem:$0x3F9D] =	sst s2  }
0xb: {  	[smem:$0x3F9E] =	sst s3  }
0xc: {  	[smem:$0x3F9F] =	sst s4  }
0xd: {  	[smem:$0x3FA0] =	sst s5  }
0xe: {  	[smem:$0x3FA1] =	sst s6  }
0xf: {  	[smem:$0x3FA2] =	sst s7  }
0x10: {  	[smem:$0x3FA3] =	sst s8  }
0x11: {  	[smem:$0x3FA4] =	sst s9;
	s0 =	simm.s32 @!p0 $0x0  }
0x12: {  	s1 =	sld [smem:$0x3F8A];
	s0 =	simm.s32 @p0 $0x1  }
0x13: {  	[smem:$0x3FA5] =	sst s0;
	s0 =	simm.s32 @!p1 $0x0  }
0x14: {  	s2 =	sld [smem:$0x3F89];
	s0 =	simm.s32 @p1 $0x1  }
0x15: {  	[smem:$0x3FA6] =	sst s0;
	s0 =	simm.s32 @!p2 $0x0  }
0x16: {  	s3 =	sld [smem:$0x3FDB];
	s0 =	simm.s32 @p2 $0x1  }
0x17: {  	s4 =	simm.s32 $0x1BF5;
	[smem:$0x3FA8] =	sst s0  }
0x18: {  	s0 =	sld [smem:$0x3F8B];
	_ =	swait.ge [sflag:s4], $0x0  }
0x19: {  	s7 =	sld [smem:$0x3F8C]  }
0x1a: {  	s8 =	sadd.s32 $0xFFFFE003, lr  }
0x1b: {  	s9 =	sadd.s32 $0xFFFFFEF7, lr;
	s5 =	simm.s32 $0xFFFFFFFF;
	p2 =	slt.u32 s8, $0xFFFFF086  }
0x1c: {  	p1 =	slt.u32 s9, $0xF7A;
	s5 =	simm.s32 @!p2 $0x0  }
0x1d: {  	s5 =	simm.s32 @p1 $0x1;
	p0 =	seq.s32 s7, s2  }
0x1e: {  	s7 =	smul.u32 @!p0 $0xF7A, s2;
	p2 =	seq.s32 @!p0 s5, $0x0  }
0x1f: {  	s9 =	smul.u32 $0xF7A, s1;
	s8 =	simm.s32 @!p0 $0x1BF5;
	p2 =	por !p2, p0  }
0x20: {  	[sflag:s8] =	ssyncset.s32 @!p0 $0xFFFFF086;
	s6 =	sadd.s32 @!p0 s3, s7;
	s7 =	simm.s32 @!p0 $0x108  }
0x21: {  	s3 =	sadd.s32 s3, s9;
	s6 =	sadd.s32 @!p0 $0x88, s6;
	s7 =	simm.s32 @p2 $0x1082  }
0x22: {  	[simem:s7], [sflag:s8] =	dma.local @!p0 [hbm:s6], $0xF7A  }
0x23: {  	s9 =	sor.u32 $0xD0000000, s2;
	s6 =	simm.s32 $0x108;
	_ =	swait.ge @!p0 [sflag:s8], $0x0  }
0x24: {  	s3 =	sadd.s32 $0x88, s3;
	s6 =	simm.s32 @!p1 $0x1082;
	[sflag:s4] =	ssyncset.s32 $0xFFFFF086  }
0x25: {  	[simem:s6], [sflag:s4] =	dma.local [hbm:s3], $0xF7A  }
0x26: {  	[smem:$0x3F8C] =	sst s1;
	(tag) =	ssettag s2;
	_ =	strace s9  }
0x27: {  	s1 =	sld [smem:$0x3F9C]  }
0x28: {  	s2 =	sld [smem:$0x3F9D]  }
0x29: {  	s4 =	sld [smem:$0x3F9F]  }
0x2a: {  	p0 =	seq.s32 s5, $0x0;
	s5 =	sld [smem:$0x3FA0]  }
0x2b: {  	s6 =	sld [smem:$0x3FA1]  }
0x2c: {  	s7 =	sld [smem:$0x3FA2]  }
0x2d: {  	s3 =	simm.s32 $0x108;
	s8 =	sld [smem:$0x3FA3]  }
0x2e: {  	s3 =	simm.s32 @!p0 $0x1082;
	s9 =	sld [smem:$0x3FA4]  }
0x2f: {  	lr =	sadd.s32 s0, s3;
	s0 =	sld [smem:$0x3F9B]  }
0x30: {  	s3 =	sld [smem:$0x3F9E]  }
0x31: {  	[smem:$0x3FA7] =	sst s10  }
0x32: {  	s10 =	sld [smem:$0x3FA5];
	_ =	sdelay $0x3  }
0x33: {  	p0 =	seq.s32 s10, $0x1;
	s10 =	sld [smem:$0x3FA7];
	_ =	sdelay $0x3  }
0x34: {  	[smem:$0x3FA7] =	sst s10  }
0x35: {  	s10 =	sld [smem:$0x3FA6];
	_ =	sdelay $0x3  }
0x36: {  	p1 =	seq.s32 s10, $0x1;
	s10 =	sld [smem:$0x3FA7];
	_ =	sdelay $0x3  }
0x37: {  	[smem:$0x3FA7] =	sst s10  }
0x38: {  	s10 =	sld [smem:$0x3FA8]  }
0x39: {  	_ = 	snop;
	(pc) =	sbr.ind lr, $3  }
0x3a: {  	_ = 	snop  }
0x3b: {  	_ = 	snop  }
0x3c: {  	p2 =	seq.s32 s10, $0x1;
	s10 =	sld [smem:$0x3FA7]  }
0x3d: {  	_ =	shalt  }
0x3e: {  	_ =	shalt  }
0x3f: {  	_ =	shalt  }
0x40: {  	_ =	shalt  }
0x41: {  	_ =	shalt  }
0x42: {  	_ =	shalt  }
0x43: {  	_ =	shalt  }
0x44: {  	_ =	shalt  }
0x45: {  	_ =	shalt  }
0x46: {  	_ =	shalt  }
0x47: {  	_ =	shalt  }
0x48: {  	_ =	shalt  }
0x49: {  	_ =	shalt  }
0x4a: {  	_ =	shalt  }
0x4b: {  	_ =	shalt  }
0x4c: {  	_ =	shalt  }
0x4d: {  	_ =	shalt  }
0x4e: {  	_ =	shalt  }
0x4f: {  	_ =	shalt  }
0x50: {  	_ =	shalt  }
0x51: {  	_ =	shalt  }
0x52: {  	_ =	shalt  }
0x53: {  	_ =	shalt  }
0x54: {  	_ =	shalt  }
0x55: {  	_ =	shalt  }
0x56: {  	_ =	shalt  }
0x57: {  	_ =	shalt  }
0x58: {  	_ =	shalt  }
0x59: {  	_ =	shalt  }
0x5a: {  	_ =	shalt  }
0x5b: {  	_ =	shalt  }
0x5c: {  	_ =	shalt  }
0x5d: {  	_ =	shalt  }
0x5e: {  	_ =	shalt  }
0x5f: {  	_ =	shalt  }
0x60: {  	_ =	shalt  }
0x61: {  	_ =	shalt  }
0x62: {  	_ =	shalt  }
0x63: {  	_ =	shalt  }
0x64: {  	_ =	shalt  }
0x65: {  	_ =	shalt  }
0x66: {  	_ =	shalt  }
0x67: {  	_ =	shalt  }
0x68: {  	_ =	shalt  }
0x69: {  	_ =	shalt  }
0x6a: {  	_ =	shalt  }
0x6b: {  	_ =	shalt  }
0x6c: {  	_ =	shalt  }
0x6d: {  	_ =	shalt  }
0x6e: {  	_ =	shalt  }
0x6f: {  	_ =	shalt  }
0x70: {  	_ =	shalt  }
0x71: {  	_ =	shalt  }
0x72: {  	_ =	shalt  }
0x73: {  	_ =	shalt  }
0x74: {  	_ =	shalt  }
0x75: {  	_ =	shalt  }
0x76: {  	_ =	shalt  }
0x77: {  	_ =	shalt  }
0x78: {  	_ =	shalt  }
0x79: {  	_ =	shalt  }
0x7a: {  	_ =	shalt  }
0x7b: {  	_ =	shalt  }
0x7c: {  	_ =	shalt  }
0x7d: {  	_ =	shalt  }
0x7e: {  	_ =	shalt  }
0x7f: {  	_ =	shalt  }
0x80: {  	_ =	shalt  }
0x81: {  	_ =	shalt  }
0x82: {  	_ =	shalt  }
0x83: {  	_ =	shalt  }
0x84: {  	_ =	shalt  }
0x85: {  	_ =	shalt  }
0x86: {  	_ =	shalt  }
0x87: {  	_ =	shalt  }
.Lfunc_end0:
.L_simem_size_0:
called_computation_lowered:
.L_overlay_start_0:
0x88: {  	s2 =	sld [smem:$0x3FD9]  }
0x89: {  	s3 =	sld [smem:$0x3FFE];
	_ =	sdelay $0x1  }
0x8a: {  	s1 =	srdreg.scid  }
0x8b: {  	s0 =	sand.u32 $0x1, s1  }
0x8c: {  	s17 =	sshll.u32 s0, $0xA;
	s2 =	sadd.s32 s3, s2  }
0x8d: {  	s2 =	sadd.s32 s2, s17  }
0x8e: {  	[smem:$0x3FB3] =	sst s2  }
0x8f: {  	_ = 	snop  }
0x90: {  	s2 =	sld [smem:$0x3FC9];
	(tm) =	ssettm $0x1  }
0x91: {  	s18 =	sld [smem:$0x3FFB];
	_ =	sdelay $0x3  }
0x92: {  	_ =	strace s18  }
0x93: {  	s3 =	sld [smem:$0x3FFC];
	_ =	sdelay $0x3  }
0x94: {  	_ =	strace s3  }
0x95: {  	s3 =	sld [smem:$0x3FFD];
	_ =	sdelay $0x3  }
0x96: {  	_ =	strace s3  }
0x97: {  	_ =	strace $0x8FFFFFFF  }
0x98: {  	s19 =	sld [smem:$0x3FDB];
	_ =	sdelay $0x1  }
0x99: {  	s4 =	simm.s32 $_scs_section_size  }
0x9a: {  	s5 =	simm.s32 $_size__tile_overlayer_lowered;
	s6 =	simm.s32 $_tile_overlayer_lowered  }
0x9b: {  	s22 =	simm.s32 $0x1BFF;
	s21 =	sshll.u32 s6, $0x1;
	s3 =	sadd.s32 s4, s19  }
0x9c: {  	s7 =	simm.s32 $0x0;
	s20 =	sshll.u32 s5, $0x1;
	s5 =	sadd.s32 s21, s3  }
0x9d: {  	[timem:s7], [sflag:s22] =	dma.local [hbm:s5], s20  }
0x9e: {  	_ =	swait.ge [sflag:s22], s20  }
0x9f: {  	s4 =	ssub.s32 $0x0, s20;
	[sflag:s22] =	ssyncset.done $0x0  }
0xa0: {  	[sflag:s22] =	ssyncadd.s32 s4;
	_ =	sdelay $0x1  }
0xa1: {  	s23 =	simm.s32 $0x1B8B  }
0xa2: {  	_ =	swait.ge [sflag:s23], $0x1  }
0xa3: {  	[sflag:s23] =	ssyncset.done $0x0  }
0xa4: {  	s25 =	simm.s32 $0x1B8E;
	s24 =	sld [smem:$0x3FFE];
	[sflag:s23] =	ssyncadd.s32 $0xFFFFFFFF  }
0xa5: {  	s26 =	simm.s32 $execute0_lowered;
	[smem:$0x3FD2] =	sst s25  }
0xa6: {  	s5 =	sshll.u32 s26, $0x1;
	_ =	strace $0x80000046;
	[dreg:$0x1] =	wrdreg $0xFFFFFFFF  }
0xa7: {  	s28 =	simm.s32 $_size_execute0_lowered;
	s3 =	sadd.s32 s3, s5;
	[dreg:$0x0] =	wrdreg $0x0  }
0xa8: {  	s5 =	sshll.u32 s28, $0x1;
	[dreg:$0x2] =	wrdreg s3  }
0xa9: {  	[dreg:$0x3] =	wrdreg s5  }
0xaa: {  	[dreg:$0x4] =	wrdreg $0xC0  }
0xab: {  	_ =	task [dreg:s7], $0x5FFFF  }
0xac: {  	[dreg:$0x1] =	wrdreg $0xFFFFFFFF  }
0xad: {  	[dreg:$0x0] =	wrdreg $0x60  }
0xae: {  	[dreg:$0x2] =	wrdreg s2  }
0xaf: {  	[dreg:$0x3] =	wrdreg s24  }
0xb0: {  	[dreg:$0x4] =	wrdreg $0x0  }
0xb1: {  	[dreg:$0x5] =	wrdreg $0x11DC00  }
0xb2: {  	[dreg:$0x6] =	wrdreg $0x9  }
0xb3: {  	_ =	task.clear_ibuf [dreg:s7], $0x7FFFF;
	_ =	strace $0x90000046  }
0xb4: {  	s29 =	simm.s32 $0x9;
	_ =	strace $0x80000048  }
0xb5: {  	_ =	swait.ge [sflag:s29], $0x1  }
0xb6: {  	[sflag:s29] =	ssyncadd.s32 $0xFFFFFFFF  }
0xb7: {  	_ =	strace $0x90000048  }
0xb8: {  	_ =	sfence  }
0xb9: {  	s30 =	sld [smem:$0x0];
	_ =	sdelay $0x2  }
0xba: {  	s31 =	sshll.u32 s1, $0xD;
	s1 =	sshrl.u32 s1, $0x2  }
0xbb: {  	s3 =	sand.u32 $0x4000, s31;
	s1 =	sadd.s32 s1, s30  }
0xbc: {  	s0 =	sor.u32 s3, s0;
	s1 =	sshll.u32 s1, $0x11  }
0xbd: {  	s0 =	sor.u32 s1, s0  }
0xbe: {  	s0 =	sadd.s32 $0x8F2B, s0  }
0xbf: {  	[sflag:s0] =	ssyncadd.remote.s32 $0x1  }
0xc0: {  	_ =	sfence.sel $0xFFFF  }
0xc1: {  	[dreg:$0x0] =	wrdreg $0xFFFFFFFF;
	(pc) =	sbr.abs _section_cstart, $3  }
0xc2: {  	[dreg:$0x1] =	wrdreg $0xFFFFFFFF  }
0xc3: {  	_ =	task.clear_ibuf [dreg:s7], $0x2FFFF;
	_ =	strace $0x9FFFFFFF  }
0xc4: {  	(tm) =	ssettm $0x7FFFFFFF  }
0xc5: {  	_ =	shalt  }
tec
execute0_lowered:
.L_overlay_start_1:
0x0: {  	(tag) =	ssettag $0x1  }
0x1: {  	s0 =	rddreg [dreg:$0x0]  }
0x2: {  	s6 =	rddreg [dreg:$0x1]  }
0x3: {  	s3 =	rddreg [dreg:$0x2];
	s1 =	srdreg.scid  }
0x4: {  	s4 =	rddreg [dreg:$0x3];
	s2 =	stileid.u32  }
0x5: {  	s5 =	simm.s32 $0x0;
	s17 =	simm.s32 $0xDDC0;
	s18 =	simm.s32 $0x2  }
0x6: {  	s19 =	simm.s32 $0x9CC0;
	s20 =	simm.s32 $0x9D40;
	s21 =	simm.s32 $0x80  }
0x7: {  	s22 =	simm.s32 $0x9DC0;
	s24 =	simm.s32 $0x1BA80;
	s8 =	smul.u32 $0xA000, s2  }
0x8: {  	s12 =	sand.u32 $0x1, s1;
	s1 =	rddreg [dreg:$0x4];
	s9 =	smul.u32 $0x9D0, s2  }
0x9: {  	s25 =	simm.s32 $0x0;
	[smem:$0x7FF] =	sst s5;
	s10 =	smul.u32 $0x9C80, s2  }
0xa: {  	s7 =	smul.u32 $0xA0000, s12;
	_ =	strace $0x80000047;
	s29 =	ssub.s32 $0x2, s12  }
0xb: {  	s23 =	smul.u32 $0x1390, s12;
	s16 =	sadd.s32 s9, s6;
	s30 =	sshrl.u32 s29, $0x1  }
0xc: {  	s31 =	sadd.s32 $0x4000, s10;
	s11 =	sadd.s32 $0x8000, s10;
	s7 =	sadd.s32 s8, s7  }
0xd: {  	s14 =	ssub.s32 s29, s30;
	s8 =	sadd.s32 s31, s3;
	s9 =	sadd.s32 s31, s4  }
0xe: {  	s15 =	sadd.s32 $0xF400, s16;
	s16 =	sadd.s32 $0x5600, s16;
	s7 =	sshrl.u32 s7, $0x3  }
0xf: {  	v0 =	vmov s23;
	s23 =	simm.s32 $0x1;
	s14 =	smax.u32 s14, $0x1;
	s13 =	sadd.s32 s7, s6  }
0x10: {  	s6 =	sadd.s32 s10, s3;
	s7 =	sadd.s32 s10, s4;
	s10 =	sadd.s32 s11, s3  }
0x11: {  	v1 =	vimm.f32 $0.0e+00;
	v2 =	vimm.f32 $1.000000000e+00;
	s11 =	sadd.s32 s11, s4;
	s12 =	sadd.s32 $0x41200, s13;
	s13 =	sadd.s32 $0x19200, s13  }
.LBB2_1:
0x12: {  	s26 =	simm.s32 $0x0;
	s28 =	simm.s32 $0x200  }
.LBB2_2:
0x13: {  	p0 =	sne.s32 s28, $0xFE00;
	[tilespmem:s26+$0x1BAF0] =	vst v2  }
0x14: {  	[tilespmem:s26+$0xDDC0] =	vst v1  }
0x15: {  	[tilespmem:s26+$0x1BA80] =	vst v2  }
0x16: {  	[tilespmem:s26+$0xDDD0] =	vst v1  }
0x17: {  	[tilespmem:s26+$0x1BA90] =	vst v2  }
0x18: {  	[tilespmem:s26+$0xDDE0] =	vst v1  }
0x19: {  	[tilespmem:s26+$0x1BAA0] =	vst v2  }
0x1a: {  	[tilespmem:s26+$0xDDF0] =	vst v1  }
0x1b: {  	[tilespmem:s26+$0x1BAB0] =	vst v2  }
0x1c: {  	[tilespmem:s26+$0xDE00] =	vst v1  }
0x1d: {  	[tilespmem:s26+$0x1BAC0] =	vst v2  }
.Ltmp0:
0x1e: {  	[tilespmem:s26+$0xDE10] =	vst v1;
	(pc) =	sbr.rel @p0 .LBB2_2-.Ltmp0, $4  }
0x1f: {  	[tilespmem:s26+$0x1BAD0] =	vst v2  }
0x20: {  	[tilespmem:s26+$0xDE20] =	vst v1  }
0x21: {  	[tilespmem:s26+$0x1BAE0] =	vst v2  }
0x22: {  	[tilespmem:s26+$0xDE30] =	vst v1;
	s26 =	sshra.s32 s28, $0x2;
	s28 =	sadd.s32 $0x200, s28  }
0x23: {  	[tilespmem:s26+$0x1BAF0] =	vst v2  }
0x24: {  	[tilespmem:s26+$0xDDC0] =	vst v1  }
0x25: {  	[tilespmem:s26+$0x1BA80] =	vst v2  }
0x26: {  	[tilespmem:s26+$0xDDD0] =	vst v1  }
0x27: {  	[tilespmem:s26+$0x1BA90] =	vst v2  }
0x28: {  	[tilespmem:s26+$0xDDE0] =	vst v1  }
0x29: {  	[tilespmem:s26+$0x1BAA0] =	vst v2  }
0x2a: {  	[tilespmem:s26+$0xDDF0] =	vst v1  }
0x2b: {  	[tilespmem:s26+$0x1BAB0] =	vst v2  }
0x2c: {  	[tilespmem:s26+$0xDE00] =	vst v1  }
0x2d: {  	[tilespmem:s26+$0x1BAC0] =	vst v2  }
0x2e: {  	[tilespmem:s26+$0xDE10] =	vst v1  }
0x2f: {  	[tilespmem:s26+$0x1BAD0] =	vst v2  }
0x30: {  	[tilespmem:s26+$0xDE20] =	vst v1  }
0x31: {  	[tilespmem:s26+$0x1BAE0] =	vst v2  }
0x32: {  	[tilespmem:s26+$0xDE30] =	vst v1  }
0x33: {  	[spmem:s6] =	stream.linear.scatter [tilespmem:s17], [sflag:$0x2], $0x4000, $0x38;
	[tilespmem:$0x1FA80] =	vst v63  }
0x34: {  	_ =	swait.ge [sflag:s18], $0x4000  }
0x35: {  	[sflag:s18] =	ssyncset.done $0x0  }
0x36: {  	[sflag:s18] =	ssyncadd.s32 $0xFFFFC000  }
0x37: {  	[spmem:s7] =	stream.linear.scatter [tilespmem:s17], [sflag:$0x2], $0x4000, $0x38;
	[tilespmem:$0x1FA80] =	vst v63  }
0x38: {  	_ =	swait.ge [sflag:s18], $0x4000  }
0x39: {  	[sflag:s18] =	ssyncset.done $0x0  }
0x3a: {  	[sflag:s18] =	ssyncadd.s32 $0xFFFFC000  }
0x3b: {  	[spmem:s8] =	stream.linear.scatter [tilespmem:s17], [sflag:$0x2], $0x4000, $0x38;
	[tilespmem:$0x1FA80] =	vst v63  }
0x3c: {  	_ =	swait.ge [sflag:s18], $0x4000  }
0x3d: {  	[sflag:s18] =	ssyncset.done $0x0  }
0x3e: {  	[sflag:s18] =	ssyncadd.s32 $0xFFFFC000  }
0x3f: {  	[spmem:s9] =	stream.linear.scatter [tilespmem:s17], [sflag:$0x2], $0x4000, $0x38;
	[tilespmem:$0x1FA80] =	vst v63  }
0x40: {  	_ =	swait.ge [sflag:s18], $0x4000  }
0x41: {  	[sflag:s18] =	ssyncset.done $0x0  }
0x42: {  	[sflag:s18] =	ssyncadd.s32 $0xFFFFC000  }
0x43: {  	[spmem:s10] =	stream.linear.scatter [tilespmem:s17], [sflag:$0x2], $0x1C80, $0x38;
	[tilespmem:$0x1FA80] =	vst v63  }
0x44: {  	_ =	swait.ge [sflag:s18], $0x1C80  }
0x45: {  	[sflag:s18] =	ssyncset.done $0x0  }
0x46: {  	[sflag:s18] =	ssyncadd.s32 $0xFFFFE380  }
0x47: {  	[spmem:s11] =	stream.linear.scatter [tilespmem:s17], [sflag:$0x2], $0x1C80, $0x38;
	[tilespmem:$0x1FA80] =	vst v63  }
0x48: {  	_ =	swait.ge [sflag:s18], $0x1C80  }
0x49: {  	[sflag:s18] =	ssyncset.done $0x0  }
0x4a: {  	[sflag:s18] =	ssyncadd.s32 $0xFFFFE380  }
0x4b: {  	s30 =	sadd.s32 $0x0, s16;
	[bflag:$0x0] =	sbarrier.arrive $0xFFFF  }
0x4c: {  	[tilespmem:s19], [sflag:$0x2] =	stream.linear.gather [hbm4b:s30+s5], $0x80, $0x38;
	[tilespmem:$0x1FA80] =	vst v63  }
0x4d: {  	_ =	swait.ge [sflag:s18], $0x80  }
0x4e: {  	[sflag:s18] =	ssyncset.done $0x0  }
0x4f: {  	s31 =	sadd.s32 $0x0, s15;
	[sflag:s18] =	ssyncadd.s32 $0xFFFFFF80  }
0x50: {  	[tilespmem:s20], [sflag:$0x2] =	stream.linear.gather [hbm4b:s31+s5], $0x80, $0x38;
	[tilespmem:$0x1FA80] =	vst v63  }
0x51: {  	_ =	swait.ge [sflag:s18], $0x80  }
0x52: {  	[sflag:s18] =	ssyncset.done $0x0  }
0x53: {  	[sflag:s18] =	ssyncadd.s32 $0xFFFFFF80  }
0x54: {  	[tilespmem:s22], [sflag:$0x1] =	stream.indirect.gather [hbm4b:s0+s21], $0x80, s19, s21, $0xb8;
	[tilespmem:$0x1FA80] =	vst v63  }
0x55: {  	v3 =	vld [tilespmem:$0x9D90]  }
0x56: {  	v4 =	vld [tilespmem:$0x9D80]  }
0x57: {  	v5 =	vld [tilespmem:$0x9D70]  }
0x58: {  	v6 =	vld [tilespmem:$0x9D60]  }
0x59: {  	v7 =	vld [tilespmem:$0x9D50]  }
0x5a: {  	v8 =	vld [tilespmem:$0x9D40];
	v3 =	vsub.s32 v3, v0  }
0x5b: {  	v9 =	vld [tilespmem:$0x9DA0];
	v4 =	vsub.s32 v4, v0;
	v3 =	vmin.u32 v3, $0x1390  }
0x5c: {  	v10 =	vld [tilespmem:$0x9DB0];
	v5 =	vsub.s32 v5, v0;
	v4 =	vmin.u32 v4, $0x1390;
	[tilespmem:$0x9D90] =	vst v3  }
0x5d: {  	v5 =	vmin.u32 v5, $0x1390;
	v3 =	vsub.s32 v6, v0;
	[tilespmem:$0x9D80] =	vst v4  }
0x5e: {  	v4 =	vsub.s32 v7, v0;
	[tilespmem:$0x9D70] =	vst v5;
	v3 =	vmin.u32 v3, $0x1390  }
0x5f: {  	v5 =	vsub.s32 v8, v0;
	v4 =	vmin.u32 v4, $0x1390;
	[tilespmem:$0x9D60] =	vst v3  }
0x60: {  	v3 =	vmin.u32 v5, $0x1390;
	[tilespmem:$0x9D50] =	vst v4;
	v4 =	vsub.s32 v9, v0  }
0x61: {  	s26 =	simm.s32 $0x10;
	[tilespmem:$0x9D40] =	vst v3;
	v3 =	vmin.u32 v4, $0x1390;
	v4 =	vsub.s32 v10, v0  }
.LBB2_4:
0x62: {  	p0 =	sne.s32 s26, $0x9C0;
	[tilespmem:$0x9DA0] =	vst v3;
	v3 =	vmin.u32 v4, $0x1390;
	s28 =	smov.u32 s26;
	s26 =	sadd.s32 $0x10, s26  }
0x63: {  	[tilespmem:$0x9DB0] =	vst v3  }
0x64: {  	_ =	swait.ge [sflag:s23], $0x4000  }
0x65: {  	[sflag:s23] =	ssyncset.done $0x0  }
0x66: {  	[sflag:s23] =	ssyncadd.s32 $0xFFFFC000  }
0x67: {  	[spmem:s3] =	stream.indirect.scatter.add.f32 [tilespmem:s22], [sflag:$0x1], $0x80, s20, s21, $0xb8;
	[tilespmem:$0x1FA80] =	vst v63  }
0x68: {  	_ = 	snop  }
0x69: {  	[spmem:s4] =	stream.indirect.scatter.add.f32 [tilespmem:s24], [sflag:$0x1], $0x80, s20, s21, $0xb8;
	[tilespmem:$0x1FA80] =	vst v63  }
0x6a: {  	_ =	swait.ge [sflag:s23], $0x4000  }
0x6b: {  	[sflag:s23] =	ssyncset.done $0x0  }
0x6c: {  	[sflag:s23] =	ssyncadd.s32 $0xFFFFC000  }
0x6d: {  	_ =	swait.ge [sflag:s23], $0x4000  }
0x6e: {  	[sflag:s23] =	ssyncset.done $0x0  }
0x6f: {  	s29 =	sadd.s32 s28, s16;
	[sflag:s23] =	ssyncadd.s32 $0xFFFFC000  }
0x70: {  	[tilespmem:s19], [sflag:$0x2] =	stream.linear.gather [hbm4b:s29+s5], $0x80, $0x38;
	[tilespmem:$0x1FA80] =	vst v63  }
0x71: {  	_ =	swait.ge [sflag:s18], $0x80  }
0x72: {  	[sflag:s18] =	ssyncset.done $0x0  }
0x73: {  	s28 =	sadd.s32 s28, s15;
	[sflag:s18] =	ssyncadd.s32 $0xFFFFFF80  }
0x74: {  	[tilespmem:s20], [sflag:$0x2] =	stream.linear.gather [hbm4b:s28+s5], $0x80, $0x38;
	[tilespmem:$0x1FA80] =	vst v63  }
0x75: {  	_ =	swait.ge [sflag:s18], $0x80  }
0x76: {  	[sflag:s18] =	ssyncset.done $0x0  }
0x77: {  	[sflag:s18] =	ssyncadd.s32 $0xFFFFFF80  }
0x78: {  	[tilespmem:s22], [sflag:$0x1] =	stream.indirect.gather [hbm4b:s0+s21], $0x80, s19, s21, $0xb8;
	[tilespmem:$0x1FA80] =	vst v63  }
0x79: {  	v3 =	vld [tilespmem:$0x9D90]  }
0x7a: {  	v4 =	vld [tilespmem:$0x9D80]  }
0x7b: {  	v5 =	vld [tilespmem:$0x9D70]  }
0x7c: {  	v6 =	vld [tilespmem:$0x9D60]  }
0x7d: {  	v7 =	vld [tilespmem:$0x9D50]  }
0x7e: {  	v8 =	vld [tilespmem:$0x9D40];
	v3 =	vsub.s32 v3, v0  }
0x7f: {  	v4 =	vsub.s32 v4, v0;
	v3 =	vmin.u32 v3, $0x1390;
	v9 =	vld [tilespmem:$0x9DA0]  }
0x80: {  	v5 =	vsub.s32 v5, v0;
	v4 =	vmin.u32 v4, $0x1390;
	[tilespmem:$0x9D90] =	vst v3;
	v10 =	vld [tilespmem:$0x9DB0]  }
.Ltmp1:
0x81: {  	v3 =	vsub.s32 v6, v0;
	v5 =	vmin.u32 v5, $0x1390;
	[tilespmem:$0x9D80] =	vst v4;
	(pc) =	sbr.rel @p0 .LBB2_4-.Ltmp1, $4  }
0x82: {  	v4 =	vsub.s32 v7, v0;
	v3 =	vmin.u32 v3, $0x1390;
	[tilespmem:$0x9D70] =	vst v5  }
0x83: {  	v5 =	vsub.s32 v8, v0;
	v4 =	vmin.u32 v4, $0x1390;
	[tilespmem:$0x9D60] =	vst v3  }
0x84: {  	v3 =	vmin.u32 v5, $0x1390;
	[tilespmem:$0x9D50] =	vst v4;
	v4 =	vsub.s32 v9, v0  }
0x85: {  	[tilespmem:$0x9D40] =	vst v3;
	v3 =	vmin.u32 v4, $0x1390;
	v4 =	vsub.s32 v10, v0  }
0x86: {  	[tilespmem:$0x9DA0] =	vst v3;
	v3 =	vmin.u32 v4, $0x1390  }
0x87: {  	[tilespmem:$0x9DB0] =	vst v3  }
0x88: {  	_ =	swait.ge [sflag:s23], $0x4000  }
0x89: {  	[sflag:s23] =	ssyncset.done $0x0  }
0x8a: {  	[sflag:s23] =	ssyncadd.s32 $0xFFFFC000  }
0x8b: {  	[spmem:s3] =	stream.indirect.scatter.add.f32 [tilespmem:s22], [sflag:$0x1], $0x80, s20, s21, $0xb8;
	[tilespmem:$0x1FA80] =	vst v63  }
0x8c: {  	_ = 	snop  }
0x8d: {  	[spmem:s4] =	stream.indirect.scatter.add.f32 [tilespmem:s24], [sflag:$0x1], $0x80, s20, s21, $0xb8;
	[tilespmem:$0x1FA80] =	vst v63  }
0x8e: {  	_ =	swait.ge [sflag:s23], $0x4000  }
0x8f: {  	[sflag:s23] =	ssyncset.done $0x0  }
0x90: {  	[sflag:s23] =	ssyncadd.s32 $0xFFFFC000  }
0x91: {  	_ =	swait.ge [sflag:s23], $0x4000  }
0x92: {  	[sflag:s23] =	ssyncset.done $0x0  }
0x93: {  	s26 =	sshll.u32 s2, $0x6;
	[sflag:s23] =	ssyncadd.s32 $0xFFFFC000  }
0x94: {  	s28 =	sshrl.u32 s6, $0x3;
	s26 =	sor.u32 $0x1C02, s26;
	[bflag:$0x0] =	sbarrier.arrive $0xFFFF  }
0x95: {  	[hbm:s12], [sflag:s26] =	dma.local [spmem:s28], $0x1390  }
0x96: {  	s25 =	sadd.s32 $0x1, s25;
	_ =	swait.ge [sflag:s18], $0x1390  }
0x97: {  	p0 =	sne.s32 s25, s14;
	[sflag:s18] =	ssyncset.done $0x0  }
.Ltmp2:
0x98: {  	s31 =	sshrl.u32 s7, $0x3;
	[sflag:s18] =	ssyncadd.s32 $0xFFFFEC70;
	(pc) =	sbr.rel @p0 .LBB2_1-.Ltmp2, $4  }
0x99: {  	[hbm:s13], [sflag:s26] =	dma.local [spmem:s31], $0x1390  }
0x9a: {  	_ =	swait.ge [sflag:s18], $0x1390  }
0x9b: {  	[sflag:s18] =	ssyncset.done $0x0  }
0x9c: {  	[sflag:s18] =	ssyncadd.s32 $0xFFFFEC70  }
0x9d: {  	_ =	sfence.sel $0x180000  }
0x9e: {  	[bflag:$0x0] =	sbarrier.arrive $0xFFFF  }
0x9f: {  	p0 =	sne.s32 s2, $0x0;
	_ =	strace $0x90000047  }
0xa0: {  	s0 =	sadd.s32 @!p0 $0x100000, s1;
	[bflag:$0x2] =	sbarrier.arrive $0xFFFF  }
0xa1: {  	[sflag:s0] =	ssyncadd.tile.s32 @!p0 $0x1;
	_ =	shalt  }
.Lfunc_end2:
_tile_overlayer_lowered:
.L_overlay_start_2:
0xa2: {  	(tag) =	ssettag $0x2  }
0xa3: {  	s0 =	rddreg [dreg:$0x0];
	s2 =	stileid.u32  }
0xa4: {  	s1 =	rddreg [dreg:$0x1];
	p0 =	sne.s32 s2, $0x0  }
0xa5: {  	s3 =	rddreg [dreg:$0x2];
	[bflag:$0x3] =	sbarrier.arrive $0xFFFF;
	s2 =	simm.s32 @!p0 $0x1C02  }
0xa6: {  	[timem:s3], [sflag:s2] =	dma.local @!p0 [hbm:s0], s1  }
0xa7: {  	s0 =	simm.s32 @!p0 $0x2  }
0xa8: {  	_ =	swait.ge @!p0 [sflag:s0], s1  }
0xa9: {  	s1 =	ssub.s32 @!p0 $0x0, s1;
	[sflag:s0] =	ssyncset.done @!p0 $0x0  }
0xaa: {  	[sflag:s0] =	ssyncadd.s32 @!p0 s1  }
0xab: {  	[bflag:$0x3] =	sbarrier.arrive $0xFFFF  }
0xac: {  	_ =	shalt  }

</sc_bundles>
